<compile_context>
chip_gen: v7x
topology: tpu7x:2x2x1
jax: 0.10.2.dev20260603
libtpu: 0.0.44.dev20260713+nightly
codegen_flags: <defaults>
</compile_context>

<pallas_src>
import functools

import jax
import jax.numpy as jnp
from jax import lax
from jax.experimental import pallas as pl
from jax.experimental.pallas import tpu as pltpu
from jax.experimental.pallas import tpu_sc as plsc

N = 100000
E = 1600000
IN = 18
ED = 22
H = 64
OUT = 128
G = 64

NTILE = 16
NP = 100096
RPT = NP // NTILE
K = 800
NCH = E // K
CPW = NCH // NTILE

_mesh = plsc.VectorSubcoreMesh(core_axis_name="c", subcore_axis_name="s")
_sc_params = pltpu.CompilerParams(use_tc_tiling_on_sc=False)


def _pipeline(load_a, load_b, scat_a, scat_b):
    m = (CPW - 1) // 2 if CPW % 2 else CPW // 2 - 1

    load_a(0)

    def body(i, carry):
        j = 2 * i
        load_b(j + 1)
        scat_a(j)
        load_a(j + 2)
        scat_b(j + 1)
        return carry

    lax.fori_loop(0, m, body, 0)
    if CPW % 2:
        scat_a(2 * m)
    else:
        load_b(CPW - 1)
        scat_a(CPW - 2)
        scat_b(CPW - 1)


@functools.partial(
    pl.kernel,
    out_type=jax.ShapeDtypeStruct((2 * NP, 16), jnp.float32),
    mesh=_mesh,
    compiler_params=_sc_params,
    scratch_types=[
        pltpu.VMEM((K,), jnp.int32),
        pltpu.VMEM((K,), jnp.int32),
        pltpu.VMEM((K, 16), jnp.float32),
        pltpu.VMEM((K, 16), jnp.float32),
        pltpu.VMEM_SHARED((NP, 16), jnp.float32),
        pltpu.SemaphoreType.DMA,
        pltpu.SemaphoreType.DMA,
        pltpu.SemaphoreType.DMA,
        pltpu.SemaphoreType.DMA,
        pltpu.SemaphoreType.DMA,
    ],
)
def _sc_scatter_attr(attr24, src1, zz, pp, ia, ib, ra, rb, acc,
                     sem_ga, sem_gb, sem_i, sem_a, sem_o):
    c = lax.axis_index("c")
    s = lax.axis_index("s")
    r0 = s * RPT
    pltpu.async_copy(zz, acc.at[pl.ds(r0, RPT), :], sem_o).wait()
    plsc.subcore_barrier()
    ch0 = s * CPW
    col0 = c * 8

    def make_load(idx, rows, sem):
        def load(j):
            e0 = (ch0 + j) * K
            pltpu.async_copy(src1.at[pl.ds(e0, K)], idx, sem_i).wait()
            pltpu.async_copy(
                attr24.at[pl.ds(e0, K), pl.ds(col0, 16)], rows, sem
            )
        return load

    def make_scat(idx, rows, sem):
        def scat(j):
            e0 = (ch0 + j) * K
            pltpu.make_async_copy(
                attr24.at[pl.ds(e0, K), pl.ds(col0, 16)], rows, sem
            ).wait()
            pltpu.async_copy(rows, acc.at[idx], sem_a, add=True).wait()
        return scat

    _pipeline(make_load(ia, ra, sem_ga), make_load(ib, rb, sem_gb),
              make_scat(ia, ra, sem_ga), make_scat(ib, rb, sem_gb))

    plsc.subcore_barrier()
    pltpu.async_copy(
        acc.at[pl.ds(r0, RPT), :], pp.at[pl.ds(c * NP + r0, RPT), :], sem_o
    ).wait()


_BC = 2000


_NB = N // _BC


def _combine_body(x_ref, plo_ref, phi_ref, we_ref, be_ref, out_ref, x1s):
    p = pl.program_id(1)

    @pl.when(p == 0)
    def _():
        attr_agg = jnp.concatenate([plo_ref[...], phi_ref[:, 8:14]], axis=1)
        x1s[...] = (
            x_ref[...]
            + jnp.dot(attr_agg, we_ref[...],
                      preferred_element_type=jnp.float32)
            + phi_ref[:, 14:15] * be_ref[...]
        )
        out_ref[...] = x1s[:, 0:16]

    @pl.when(p == 1)
    def _():
        out_ref[...] = jnp.concatenate(
            [
                x1s[:, 16:18],
                jnp.ones((_BC, 1), jnp.float32),
                jnp.zeros((_BC, 13), jnp.float32),
            ],
            axis=1,
        )


def _combine(x, plo, phi, weT, be_row):
    return pl.pallas_call(
        _combine_body,
        grid=(_NB, 2),
        in_specs=[
            pl.BlockSpec((_BC, IN), lambda i, p: (i, 0)),
            pl.BlockSpec((_BC, 16), lambda i, p: (i, 0)),
            pl.BlockSpec((_BC, 16), lambda i, p: (i, 0)),
            pl.BlockSpec((ED, IN), lambda i, p: (0, 0)),
            pl.BlockSpec((1, IN), lambda i, p: (0, 0)),
        ],
        out_specs=pl.BlockSpec((_BC, 16), lambda i, p: (p * _NB + i, 0)),
        out_shape=jax.ShapeDtypeStruct((2 * N, 16), jnp.float32),
        scratch_shapes=[pltpu.VMEM((_BC, IN), jnp.float32)],
    )(x, plo, phi, weT, be_row)


def _gs_pass(table, srcoff, dst1, acc, base, ch0,
             ia_s, ia_d, ib_s, ib_d, ra, rb, sem_ga, sem_gb, sem_i, sem_a):
    def make_load(si, di, rows, sem):
        def load(j):
            e0 = (ch0 + j) * K
            pltpu.async_copy(srcoff.at[pl.ds(base + e0, K)], si, sem_i).wait()
            pltpu.async_copy(dst1.at[pl.ds(e0, K)], di, sem_i).wait()
            pltpu.async_copy(table.at[si], rows, sem)
        return load

    def make_scat(si, di, rows, sem):
        def scat(j):
            pltpu.make_async_copy(table.at[si], rows, sem).wait()
            pltpu.async_copy(rows, acc.at[di], sem_a, add=True).wait()
        return scat

    _pipeline(make_load(ia_s, ia_d, ra, sem_ga),
              make_load(ib_s, ib_d, rb, sem_gb),
              make_scat(ia_s, ia_d, ra, sem_ga),
              make_scat(ib_s, ib_d, rb, sem_gb))


_GS_SCRATCH = [
    pltpu.VMEM((K,), jnp.int32),
    pltpu.VMEM((K,), jnp.int32),
    pltpu.VMEM((K,), jnp.int32),
    pltpu.VMEM((K,), jnp.int32),
    pltpu.VMEM((K, 16), jnp.float32),
    pltpu.VMEM((K, 16), jnp.float32),
    pltpu.VMEM_SHARED((NP, 16), jnp.float32),
    pltpu.SemaphoreType.DMA,
    pltpu.SemaphoreType.DMA,
    pltpu.SemaphoreType.DMA,
    pltpu.SemaphoreType.DMA,
    pltpu.SemaphoreType.DMA,
]


@functools.partial(
    pl.kernel,
    out_type=jax.ShapeDtypeStruct((2 * NP, 16), jnp.float32),
    mesh=_mesh,
    compiler_params=_sc_params,
    scratch_types=_GS_SCRATCH,
)
def _sc_agg1(x1cat, srccat, dst1, zz, aa,
             ia_s, ia_d, ib_s, ib_d, ra, rb, acc,
             sem_ga, sem_gb, sem_i, sem_a, sem_o):
    c = lax.axis_index("c")
    s = lax.axis_index("s")
    r0 = s * RPT
    pltpu.async_copy(zz, acc.at[pl.ds(r0, RPT), :], sem_o).wait()
    plsc.subcore_barrier()
    _gs_pass(x1cat, srccat, dst1, acc, c * E, s * CPW,
             ia_s, ia_d, ib_s, ib_d, ra, rb, sem_ga, sem_gb, sem_i, sem_a)
    plsc.subcore_barrier()
    pltpu.async_copy(
        acc.at[pl.ds(r0, RPT), :], aa.at[pl.ds(c * NP + r0, RPT), :], sem_o
    ).wait()


@functools.partial(
    pl.kernel,
    out_type=jax.ShapeDtypeStruct((4 * NP, 16), jnp.float32),
    mesh=_mesh,
    compiler_params=_sc_params,
    scratch_types=_GS_SCRATCH,
)
def _sc_agg2(h1cat, srccat4, dst1, zz, oo,
             ia_s, ia_d, ib_s, ib_d, ra, rb, acc,
             sem_ga, sem_gb, sem_i, sem_a, sem_o):
    c = lax.axis_index("c")
    s = lax.axis_index("s")
    r0 = s * RPT

    for jj in range(2):
        p = 2 * c + jj
        pltpu.async_copy(zz, acc.at[pl.ds(r0, RPT), :], sem_o).wait()
        plsc.subcore_barrier()
        _gs_pass(h1cat, srccat4, dst1, acc, p * E, s * CPW,
                 ia_s, ia_d, ib_s, ib_d, ra, rb, sem_ga, sem_gb, sem_i, sem_a)
        plsc.subcore_barrier()
        pltpu.async_copy(
            acc.at[pl.ds(r0, RPT), :], oo.at[pl.ds(p * NP + r0, RPT), :],
            sem_o,
        ).wait()
        plsc.subcore_barrier()


def _conv1_body(alo_ref, ahi_ref, xlo_ref, xhi_ref, w1l_ref, w1r_ref, b1_ref,
                w2r_ref, h1cat_ref, hr_ref, deg_ref, h1s):
    p = pl.program_id(1)

    @pl.when(p == 0)
    def _():
        deg = jnp.maximum(ahi_ref[:, 2:3], 1.0)
        mean = jnp.concatenate([alo_ref[...], ahi_ref[:, 0:2]], axis=1) / deg
        x1 = jnp.concatenate([xlo_ref[...], xhi_ref[:, 0:2]], axis=1)
        h = jnp.maximum(
            jnp.dot(mean, w1l_ref[...], preferred_element_type=jnp.float32)
            + jnp.dot(x1, w1r_ref[...], preferred_element_type=jnp.float32)
            + b1_ref[...],
            0.0,
        )
        h1s[...] = h
        hr_ref[...] = jnp.dot(h, w2r_ref[...],
                              preferred_element_type=jnp.float32)
        deg_ref[...] = deg

    for q in range(4):
        @pl.when(p == q)
        def _(q=q):
            h1cat_ref[...] = h1s[:, 16 * q:16 * (q + 1)]


def _conv1(alo, ahi, xlo, xhi, w1lT, w1rT, b1_row, w2rT):
    blk16 = pl.BlockSpec((_BC, 16), lambda i, p: (i, 0))
    return pl.pallas_call(
        _conv1_body,
        grid=(_NB, 4),
        in_specs=[
            blk16, blk16, blk16, blk16,
            pl.BlockSpec((IN, H), lambda i, p: (0, 0)),
            pl.BlockSpec((IN, H), lambda i, p: (0, 0)),
            pl.BlockSpec((1, H), lambda i, p: (0, 0)),
            pl.BlockSpec((H, H), lambda i, p: (0, 0)),
        ],
        out_specs=[
            pl.BlockSpec((_BC, 16), lambda i, p: (p * _NB + i, 0)),
            pl.BlockSpec((_BC, H), lambda i, p: (i, 0)),
            pl.BlockSpec((_BC, 1), lambda i, p: (i, 0)),
        ],
        out_shape=[
            jax.ShapeDtypeStruct((4 * N, 16), jnp.float32),
            jax.ShapeDtypeStruct((N, H), jnp.float32),
            jax.ShapeDtypeStruct((N, 1), jnp.float32),
        ],
        scratch_shapes=[pltpu.VMEM((_BC, H), jnp.float32)],
    )(alo, ahi, xlo, xhi, w1lT, w1rT, b1_row, w2rT)


def _pool_body(o0_ref, o1_ref, o2_ref, o3_ref, deg_ref, hr_ref, w2l_ref,
               b2_ref, batch_ref, pw_ref, pb_ref, out_ref, sums, cnt):
    i = pl.program_id(0)

    @pl.when(i == 0)
    def _():
        sums[...] = jnp.zeros_like(sums)
        cnt[...] = jnp.zeros_like(cnt)

    agg = jnp.concatenate(
        [o0_ref[...], o1_ref[...], o2_ref[...], o3_ref[...]], axis=1
    )
    mean = agg / deg_ref[...]
    h2 = jnp.maximum(
        jnp.dot(mean, w2l_ref[...], preferred_element_type=jnp.float32)
        + hr_ref[...]
        + b2_ref[...],
        0.0,
    )
    b = batch_ref[0, 0, :]
    onehot = (b[:, None] == lax.broadcasted_iota(jnp.int32, (_BC, G), 1)
              ).astype(jnp.float32)
    sums[...] += lax.dot_general(
        onehot, h2, (((0,), (0,)), ((), ())),
        preferred_element_type=jnp.float32,
    )
    cnt[...] += lax.dot_general(
        onehot, jnp.ones((_BC, 1), jnp.float32), (((0,), (0,)), ((), ())),
        preferred_element_type=jnp.float32,
    )

    @pl.when(i == (N // _BC) - 1)
    def _():
        pooled = sums[...] / jnp.maximum(cnt[...], 1.0)
        out_ref[...] = (
            jnp.dot(pooled, pw_ref[...], preferred_element_type=jnp.float32)
            + pb_ref[...]
        )


def _pool(o4, deg, hr1, w2lT, b2_row, batchr, projT, pb_row):
    blk16 = pl.BlockSpec((_BC, 16), lambda i: (i, 0))
    return pl.pallas_call(
        _pool_body,
        grid=(N // _BC,),
        in_specs=[
            blk16, blk16, blk16, blk16,
            pl.BlockSpec((_BC, 1), lambda i: (i, 0)),
            pl.BlockSpec((_BC, H), lambda i: (i, 0)),
            pl.BlockSpec((H, H), lambda i: (0, 0)),
            pl.BlockSpec((1, H), lambda i: (0, 0)),
            pl.BlockSpec((1, 1, _BC), lambda i: (i, 0, 0)),
            pl.BlockSpec((H, OUT), lambda i: (0, 0)),
            pl.BlockSpec((1, OUT), lambda i: (0, 0)),
        ],
        out_specs=pl.BlockSpec((G, OUT), lambda i: (0, 0)),
        out_shape=jax.ShapeDtypeStruct((G, OUT), jnp.float32),
        scratch_shapes=[
            pltpu.VMEM((G, H), jnp.float32),
            pltpu.VMEM((G, 1), jnp.float32),
        ],
    )(*o4, deg, hr1, w2lT, b2_row, batchr, projT, pb_row)


def kernel(x, edge_attr, edge_fc_w, edge_fc_b, w1l, w1r, b1, w2l, w2r, b2,
           proj_w, proj_b, edge_index, batch):
    src = edge_index[0]
    dst = edge_index[1]
    srccat = jnp.concatenate([src, src + N])
    srccat4 = jnp.concatenate([src, src + N, src + 2 * N, src + 3 * N])
    zz = jnp.zeros((RPT, 16), jnp.float32)
    attr24 = jnp.concatenate(
        [edge_attr, jnp.ones((E, 1), jnp.float32),
         jnp.zeros((E, 1), jnp.float32)], axis=1)

    pflat = _sc_scatter_attr(attr24, src, zz)
    x1cat = _combine(x, pflat[:N], pflat[NP:NP + N],
                     edge_fc_w.T, edge_fc_b.reshape(1, IN))
    aflat = _sc_agg1(x1cat, srccat, dst, zz)
    h1cat, hr1, deg = _conv1(
        aflat[:N], aflat[NP:NP + N], x1cat[:N], x1cat[N:2 * N],
        w1l.T, w1r.T, b1.reshape(1, H), w2r.T,
    )
    oflat = _sc_agg2(h1cat, srccat4, dst, zz)
    out = _pool(
        (oflat[:N], oflat[NP:NP + N], oflat[2 * NP:2 * NP + N],
         oflat[3 * NP:3 * NP + N]),
        deg, hr1, w2l.T, b2.reshape(1, H),
        batch.reshape(N // _BC, 1, _BC),
        proj_w.T, proj_b.reshape(1, OUT),
    )
    return out

# --- scband reference (transcript-rebuilt; emitter-appended) ---
"""Pipeline reference for scband-graph-sageencoder-79671643341337 (READ-ONLY COPY).

The authoritative reference and input builder live on the scoring server;
editing this copy changes nothing except your own understanding.
"""

import jax, jax.numpy as jnp
import numpy as np

N = 100000
E = 1600000
IN = 18
ED = 22
H = 64
OUT = 128
G = 64


def setup_inputs(seed: int = 0) -> dict:
    key = jax.random.key(seed)
    ks = jax.random.split(key, 16)
    x = jax.random.normal(ks[0], (N, IN), dtype=jnp.float32)
    edge_index = jax.random.randint(ks[1], (2, E), 0, N, dtype=jnp.int32)
    edge_attr = jax.random.normal(ks[2], (E, ED), dtype=jnp.float32)
    batch = jnp.sort(jax.random.randint(ks[3], (N,), 0, G, dtype=jnp.int32))
    # learned parameters
    edge_fc_w = jax.random.normal(ks[4], (IN, ED), dtype=jnp.float32) / np.sqrt(ED)
    edge_fc_b = jnp.zeros((IN,), dtype=jnp.float32)
    w1l = jax.random.normal(ks[5], (H, IN), dtype=jnp.float32) / np.sqrt(IN)
    w1r = jax.random.normal(ks[6], (H, IN), dtype=jnp.float32) / np.sqrt(IN)
    b1 = jnp.zeros((H,), dtype=jnp.float32)
    w2l = jax.random.normal(ks[7], (H, H), dtype=jnp.float32) / np.sqrt(H)
    w2r = jax.random.normal(ks[8], (H, H), dtype=jnp.float32) / np.sqrt(H)
    b2 = jnp.zeros((H,), dtype=jnp.float32)
    proj_w = jax.random.normal(ks[9], (OUT, H), dtype=jnp.float32) / np.sqrt(H)
    proj_b = jnp.zeros((OUT,), dtype=jnp.float32)
    return {
        "x": x,
        "edge_attr": edge_attr,
        "edge_fc_w": edge_fc_w,
        "edge_fc_b": edge_fc_b,
        "w1l": w1l,
        "w1r": w1r,
        "b1": b1,
        "w2l": w2l,
        "w2r": w2r,
        "b2": b2,
        "proj_w": proj_w,
        "proj_b": proj_b,
        "edge_index": edge_index,
        "batch": batch,
    }


def _sage_conv(x, edge_index, w_l, w_r, b):
    # PyG-style SAGEConv with mean aggregation:
    # out = lin_l(mean_{j in N(i)} x_j) + lin_r(x_i) + bias
    src = edge_index[0]
    dst = edge_index[1]
    msg = jnp.take(x, src, axis=0)
    agg = jax.ops.segment_sum(msg, dst, num_segments=x.shape[0])
    deg = jax.ops.segment_sum(jnp.ones((edge_index.shape[1],), dtype=x.dtype), dst, num_segments=x.shape[0])
    mean = agg / jnp.maximum(deg, 1.0)[:, None]
    return mean @ w_l.T + x @ w_r.T + b


def reference(x, edge_attr, edge_fc_w, edge_fc_b, w1l, w1r, b1, w2l, w2r, b2, proj_w, proj_b, edge_index, batch):
    # edge feature update scattered onto source nodes
    edge_update = edge_attr @ edge_fc_w.T + edge_fc_b
    src = edge_index[0]
    x = x.at[src].add(edge_update)
    # two SAGE convolutions with ReLU (dropout is identity in eval mode)
    x = jax.nn.relu(_sage_conv(x, edge_index, w1l, w1r, b1))
    x = jax.nn.relu(_sage_conv(x, edge_index, w2l, w2r, b2))
    # global mean pool over graphs in the batch
    sums = jax.ops.segment_sum(x, batch, num_segments=G)
    counts = jax.ops.segment_sum(jnp.ones((x.shape[0],), dtype=x.dtype), batch, num_segments=G)
    pooled = sums / jnp.maximum(counts, 1.0)[:, None]
    return pooled @ proj_w.T + proj_b

if __name__ == "__main__":
    import jax
    _d = setup_inputs()
    print(jax.jit(kernel)(*tuple(_d.values())))

</pallas_src>

<mosaic_0001>
#map = affine_map<(d0, d1) -> (0, 0)>
#map1 = affine_map<(d0, d1) -> (0)>
module attributes {stable_mosaic.version = 14 : i64} {
  func.func @_sc_scatter_attr(%arg0: i32, %arg1: i32, %arg2: memref<1600000x24xf32, #tpu.memory_space<hbm>>, %arg3: memref<1600000xi32, #tpu.memory_space<hbm>>, %arg4: memref<6256x16xf32, #tpu.memory_space<hbm>>, %arg5: memref<200192x16xf32, #tpu.memory_space<hbm>>, %arg6: memref<800xi32, #tpu.memory_space<vmem>>, %arg7: memref<800xi32, #tpu.memory_space<vmem>>, %arg8: memref<800x16xf32, #tpu.memory_space<vmem>>, %arg9: memref<800x16xf32, #tpu.memory_space<vmem>>, %arg10: memref<100096x16xf32, #tpu.memory_space<vmem_shared>>, %arg11: memref<!tpu.dma_semaphore, #tpu.memory_space<semaphore_mem>>, %arg12: memref<!tpu.dma_semaphore, #tpu.memory_space<semaphore_mem>>, %arg13: memref<!tpu.dma_semaphore, #tpu.memory_space<semaphore_mem>>, %arg14: memref<!tpu.dma_semaphore, #tpu.memory_space<semaphore_mem>>, %arg15: memref<!tpu.dma_semaphore, #tpu.memory_space<semaphore_mem>>) attributes {dimension_semantics = [#tpu.dimension_semantics<core_parallel>, #tpu.dimension_semantics<subcore_parallel>], iteration_bounds = array<i64: 2, 16>, scalar_prefetch = 0 : i64, scratch_operands = 10 : i64, tpu.core_type = #tpu.core_type<sc_vector_subcore>, window_params = [{transform_indices = #map}, {transform_indices = #map1}, {transform_indices = #map}, {transform_indices = #map}]} {
    %mul3A = arith.constant 6256 : i32
    %mul3A_0 = arith.muli %arg1, %mul3A : i32
    %dma_start3A = arith.constant 0 : i32
    %dma_start3A_1 = tpu.memref_slice %arg10[%mul3A_0, %dma_start3A] : memref<100096x16xf32, #tpu.memory_space<vmem_shared>> -> memref<6256x16xf32, #tpu.memory_space<vmem_shared>>
    tpu.enqueue_dma source(%arg4 : memref<6256x16xf32, #tpu.memory_space<hbm>>) target(%dma_start3A_1 : memref<6256x16xf32, #tpu.memory_space<vmem_shared>>) target_semaphore(%arg15 : memref<!tpu.dma_semaphore, #tpu.memory_space<semaphore_mem>>)
    %dma_wait3A = arith.constant 0 : i32
    %dma_wait3A_2 = tpu.memref_slice %arg10[%mul3A_0, %dma_wait3A] : memref<100096x16xf32, #tpu.memory_space<vmem_shared>> -> memref<6256x16xf32, #tpu.memory_space<vmem_shared>>
    tpu.wait_dma2 semaphore(%arg15 : memref<!tpu.dma_semaphore, #tpu.memory_space<semaphore_mem>>) src(%arg4 : memref<6256x16xf32, #tpu.memory_space<hbm>>) dst(%dma_wait3A_2 : memref<6256x16xf32, #tpu.memory_space<vmem_shared>>)
    %barrier3A = arith.constant 0 : index
    tpu.barrier barrier_id(%barrier3A)
    %mul3A_3 = arith.constant 125 : i32
    %mul3A_4 = arith.muli %arg1, %mul3A_3 : i32
    %mul3A_5 = arith.constant 8 : i32
    %mul3A_6 = arith.muli %arg0, %mul3A_5 : i32
    %add3A = arith.constant 0 : i32
    %add3A_7 = arith.addi %mul3A_4, %add3A : i32
    %mul3A_8 = arith.constant 800 : i32
    %mul3A_9 = arith.muli %add3A_7, %mul3A_8 : i32
    %dma_start3A_10 = tpu.memref_slice %arg3[%mul3A_9] : memref<1600000xi32, #tpu.memory_space<hbm>> -> memref<800xi32, #tpu.memory_space<hbm>>
    %dma_start3A_11 = tpu.memref_slice %arg3[%mul3A_9] : memref<1600000xi32, #tpu.memory_space<hbm>> -> memref<800xi32, #tpu.memory_space<hbm>>
    tpu.enqueue_dma source(%dma_start3A_11 : memref<800xi32, #tpu.memory_space<hbm>>) target(%arg6 : memref<800xi32, #tpu.memory_space<vmem>>) target_semaphore(%arg13 : memref<!tpu.dma_semaphore, #tpu.memory_space<semaphore_mem>>)
    %dma_wait3A_12 = tpu.memref_slice %arg3[%mul3A_9] : memref<1600000xi32, #tpu.memory_space<hbm>> -> memref<800xi32, #tpu.memory_space<hbm>>
    %dma_wait3A_13 = tpu.memref_slice %arg3[%mul3A_9] : memref<1600000xi32, #tpu.memory_space<hbm>> -> memref<800xi32, #tpu.memory_space<hbm>>
    tpu.wait_dma2 semaphore(%arg13 : memref<!tpu.dma_semaphore, #tpu.memory_space<semaphore_mem>>) src(%dma_wait3A_13 : memref<800xi32, #tpu.memory_space<hbm>>) dst(%arg6 : memref<800xi32, #tpu.memory_space<vmem>>)
    %dma_start3A_14 = tpu.memref_slice %arg2[%mul3A_9, %mul3A_6] : memref<1600000x24xf32, #tpu.memory_space<hbm>> -> memref<800x16xf32, #tpu.memory_space<hbm>>
    %dma_start3A_15 = tpu.memref_slice %arg2[%mul3A_9, %mul3A_6] : memref<1600000x24xf32, #tpu.memory_space<hbm>> -> memref<800x16xf32, #tpu.memory_space<hbm>>
    tpu.enqueue_dma source(%dma_start3A_15 : memref<800x16xf32, #tpu.memory_space<hbm>>) target(%arg8 : memref<800x16xf32, #tpu.memory_space<vmem>>) target_semaphore(%arg11 : memref<!tpu.dma_semaphore, #tpu.memory_space<semaphore_mem>>)
    %scan3A = arith.constant 0 : i32
    %scan3A_16 = arith.constant 0 : i32
    %scan3A_17 = arith.constant 62 : i32
    %scan3A_18 = arith.addi %scan3A_16, %scan3A_17 : i32
    %scan3A_19 = arith.constant 1 : i32
    scf.for %scan3A_45 = %scan3A_16 to %scan3A_18 step %scan3A_19  : i32 {
      %mul3A_46 = arith.constant 2 : i32
      %mul3A_47 = arith.muli %mul3A_46, %scan3A_45 : i32
      %add3A_48 = arith.constant 1 : i32
      %add3A_49 = arith.addi %mul3A_47, %add3A_48 : i32
      %add3A_50 = arith.addi %mul3A_4, %add3A_49 : i32
      %mul3A_51 = arith.constant 800 : i32
      %mul3A_52 = arith.muli %add3A_50, %mul3A_51 : i32
      %dma_start3A_53 = tpu.memref_slice %arg3[%mul3A_52] : memref<1600000xi32, #tpu.memory_space<hbm>> -> memref<800xi32, #tpu.memory_space<hbm>>
      %dma_start3A_54 = tpu.memref_slice %arg3[%mul3A_52] : memref<1600000xi32, #tpu.memory_space<hbm>> -> memref<800xi32, #tpu.memory_space<hbm>>
      tpu.enqueue_dma source(%dma_start3A_54 : memref<800xi32, #tpu.memory_space<hbm>>) target(%arg7 : memref<800xi32, #tpu.memory_space<vmem>>) target_semaphore(%arg13 : memref<!tpu.dma_semaphore, #tpu.memory_space<semaphore_mem>>)
      %dma_wait3A_55 = tpu.memref_slice %arg3[%mul3A_52] : memref<1600000xi32, #tpu.memory_space<hbm>> -> memref<800xi32, #tpu.memory_space<hbm>>
      %dma_wait3A_56 = tpu.memref_slice %arg3[%mul3A_52] : memref<1600000xi32, #tpu.memory_space<hbm>> -> memref<800xi32, #tpu.memory_space<hbm>>
      tpu.wait_dma2 semaphore(%arg13 : memref<!tpu.dma_semaphore, #tpu.memory_space<semaphore_mem>>) src(%dma_wait3A_56 : memref<800xi32, #tpu.memory_space<hbm>>) dst(%arg7 : memref<800xi32, #tpu.memory_space<vmem>>)
      %dma_start3A_57 = tpu.memref_slice %arg2[%mul3A_52, %mul3A_6] : memref<1600000x24xf32, #tpu.memory_space<hbm>> -> memref<800x16xf32, #tpu.memory_space<hbm>>
      %dma_start3A_58 = tpu.memref_slice %arg2[%mul3A_52, %mul3A_6] : memref<1600000x24xf32, #tpu.memory_space<hbm>> -> memref<800x16xf32, #tpu.memory_space<hbm>>
      tpu.enqueue_dma source(%dma_start3A_58 : memref<800x16xf32, #tpu.memory_space<hbm>>) target(%arg9 : memref<800x16xf32, #tpu.memory_space<vmem>>) target_semaphore(%arg12 : memref<!tpu.dma_semaphore, #tpu.memory_space<semaphore_mem>>)
      %add3A_59 = arith.addi %mul3A_4, %mul3A_47 : i32
      %mul3A_60 = arith.constant 800 : i32
      %mul3A_61 = arith.muli %add3A_59, %mul3A_60 : i32
      %dma_wait3A_62 = tpu.memref_slice %arg2[%mul3A_61, %mul3A_6] : memref<1600000x24xf32, #tpu.memory_space<hbm>> -> memref<800x16xf32, #tpu.memory_space<hbm>>
      %dma_wait3A_63 = tpu.memref_slice %arg2[%mul3A_61, %mul3A_6] : memref<1600000x24xf32, #tpu.memory_space<hbm>> -> memref<800x16xf32, #tpu.memory_space<hbm>>
      tpu.wait_dma2 semaphore(%arg11 : memref<!tpu.dma_semaphore, #tpu.memory_space<semaphore_mem>>) src(%dma_wait3A_63 : memref<800x16xf32, #tpu.memory_space<hbm>>) dst(%arg8 : memref<800x16xf32, #tpu.memory_space<vmem>>)
      %dma_start3A_64 = arith.constant 0 : i32
      %dma_start3A_65 = arith.constant 0 : i32
      %dma_start3A_66 = tpu.memref_slice %arg10[%dma_start3A_64, %dma_start3A_65] : memref<100096x16xf32, #tpu.memory_space<vmem_shared>> -> memref<100096x16xf32, #tpu.memory_space<vmem_shared>>
      tpu.enqueue_indirect_dma source(%arg8 : memref<800x16xf32, #tpu.memory_space<vmem>>) target(%dma_start3A_66 : memref<100096x16xf32, #tpu.memory_space<vmem_shared>>) offsets(%arg6 : memref<800xi32, #tpu.memory_space<vmem>>) semaphore(%arg14 : memref<!tpu.dma_semaphore, #tpu.memory_space<semaphore_mem>>) {add = true}
      %dma_wait3A_67 = arith.constant 0 : i32
      %dma_wait3A_68 = arith.constant 0 : i32
      %dma_wait3A_69 = tpu.memref_slice %arg10[%dma_wait3A_67, %dma_wait3A_68] : memref<100096x16xf32, #tpu.memory_space<vmem_shared>> -> memref<100096x16xf32, #tpu.memory_space<vmem_shared>>
      tpu.wait_indirect_dma semaphore(%arg14 : memref<!tpu.dma_semaphore, #tpu.memory_space<semaphore_mem>>) src(%arg8 : memref<800x16xf32, #tpu.memory_space<vmem>>) dst(%dma_wait3A_69 : memref<100096x16xf32, #tpu.memory_space<vmem_shared>>)
      %add3A_70 = arith.constant 2 : i32
      %add3A_71 = arith.addi %mul3A_47, %add3A_70 : i32
      %add3A_72 = arith.addi %mul3A_4, %add3A_71 : i32
      %mul3A_73 = arith.constant 800 : i32
      %mul3A_74 = arith.muli %add3A_72, %mul3A_73 : i32
      %dma_start3A_75 = tpu.memref_slice %arg3[%mul3A_74] : memref<1600000xi32, #tpu.memory_space<hbm>> -> memref<800xi32, #tpu.memory_space<hbm>>
      %dma_start3A_76 = tpu.memref_slice %arg3[%mul3A_74] : memref<1600000xi32, #tpu.memory_space<hbm>> -> memref<800xi32, #tpu.memory_space<hbm>>
      tpu.enqueue_dma source(%dma_start3A_76 : memref<800xi32, #tpu.memory_space<hbm>>) target(%arg6 : memref<800xi32, #tpu.memory_space<vmem>>) target_semaphore(%arg13 : memref<!tpu.dma_semaphore, #tpu.memory_space<semaphore_mem>>)
      %dma_wait3A_77 = tpu.memref_slice %arg3[%mul3A_74] : memref<1600000xi32, #tpu.memory_space<hbm>> -> memref<800xi32, #tpu.memory_space<hbm>>
      %dma_wait3A_78 = tpu.memref_slice %arg3[%mul3A_74] : memref<1600000xi32, #tpu.memory_space<hbm>> -> memref<800xi32, #tpu.memory_space<hbm>>
      tpu.wait_dma2 semaphore(%arg13 : memref<!tpu.dma_semaphore, #tpu.memory_space<semaphore_mem>>) src(%dma_wait3A_78 : memref<800xi32, #tpu.memory_space<hbm>>) dst(%arg6 : memref<800xi32, #tpu.memory_space<vmem>>)
      %dma_start3A_79 = tpu.memref_slice %arg2[%mul3A_74, %mul3A_6] : memref<1600000x24xf32, #tpu.memory_space<hbm>> -> memref<800x16xf32, #tpu.memory_space<hbm>>
      %dma_start3A_80 = tpu.memref_slice %arg2[%mul3A_74, %mul3A_6] : memref<1600000x24xf32, #tpu.memory_space<hbm>> -> memref<800x16xf32, #tpu.memory_space<hbm>>
      tpu.enqueue_dma source(%dma_start3A_80 : memref<800x16xf32, #tpu.memory_space<hbm>>) target(%arg8 : memref<800x16xf32, #tpu.memory_space<vmem>>) target_semaphore(%arg11 : memref<!tpu.dma_semaphore, #tpu.memory_space<semaphore_mem>>)
      %add3A_81 = arith.constant 1 : i32
      %add3A_82 = arith.addi %mul3A_47, %add3A_81 : i32
      %add3A_83 = arith.addi %mul3A_4, %add3A_82 : i32
      %mul3A_84 = arith.constant 800 : i32
      %mul3A_85 = arith.muli %add3A_83, %mul3A_84 : i32
      %dma_wait3A_86 = tpu.memref_slice %arg2[%mul3A_85, %mul3A_6] : memref<1600000x24xf32, #tpu.memory_space<hbm>> -> memref<800x16xf32, #tpu.memory_space<hbm>>
      %dma_wait3A_87 = tpu.memref_slice %arg2[%mul3A_85, %mul3A_6] : memref<1600000x24xf32, #tpu.memory_space<hbm>> -> memref<800x16xf32, #tpu.memory_space<hbm>>
      tpu.wait_dma2 semaphore(%arg12 : memref<!tpu.dma_semaphore, #tpu.memory_space<semaphore_mem>>) src(%dma_wait3A_87 : memref<800x16xf32, #tpu.memory_space<hbm>>) dst(%arg9 : memref<800x16xf32, #tpu.memory_space<vmem>>)
      %dma_start3A_88 = arith.constant 0 : i32
      %dma_start3A_89 = arith.constant 0 : i32
      %dma_start3A_90 = tpu.memref_slice %arg10[%dma_start3A_88, %dma_start3A_89] : memref<100096x16xf32, #tpu.memory_space<vmem_shared>> -> memref<100096x16xf32, #tpu.memory_space<vmem_shared>>
      tpu.enqueue_indirect_dma source(%arg9 : memref<800x16xf32, #tpu.memory_space<vmem>>) target(%dma_start3A_90 : memref<100096x16xf32, #tpu.memory_space<vmem_shared>>) offsets(%arg7 : memref<800xi32, #tpu.memory_space<vmem>>) semaphore(%arg14 : memref<!tpu.dma_semaphore, #tpu.memory_space<semaphore_mem>>) {add = true}
      %dma_wait3A_91 = arith.constant 0 : i32
      %dma_wait3A_92 = arith.constant 0 : i32
      %dma_wait3A_93 = tpu.memref_slice %arg10[%dma_wait3A_91, %dma_wait3A_92] : memref<100096x16xf32, #tpu.memory_space<vmem_shared>> -> memref<100096x16xf32, #tpu.memory_space<vmem_shared>>
      tpu.wait_indirect_dma semaphore(%arg14 : memref<!tpu.dma_semaphore, #tpu.memory_space<semaphore_mem>>) src(%arg9 : memref<800x16xf32, #tpu.memory_space<vmem>>) dst(%dma_wait3A_93 : memref<100096x16xf32, #tpu.memory_space<vmem_shared>>)
    }
    %scan3A_20 = arith.constant 62 : i32
    %add3A_21 = arith.constant 124 : i32
    %add3A_22 = arith.addi %mul3A_4, %add3A_21 : i32
    %mul3A_23 = arith.constant 800 : i32
    %mul3A_24 = arith.muli %add3A_22, %mul3A_23 : i32
    %dma_wait3A_25 = tpu.memref_slice %arg2[%mul3A_24, %mul3A_6] : memref<1600000x24xf32, #tpu.memory_space<hbm>> -> memref<800x16xf32, #tpu.memory_space<hbm>>
    %dma_wait3A_26 = tpu.memref_slice %arg2[%mul3A_24, %mul3A_6] : memref<1600000x24xf32, #tpu.memory_space<hbm>> -> memref<800x16xf32, #tpu.memory_space<hbm>>
    tpu.wait_dma2 semaphore(%arg11 : memref<!tpu.dma_semaphore, #tpu.memory_space<semaphore_mem>>) src(%dma_wait3A_26 : memref<800x16xf32, #tpu.memory_space<hbm>>) dst(%arg8 : memref<800x16xf32, #tpu.memory_space<vmem>>)
    %dma_start3A_27 = arith.constant 0 : i32
    %dma_start3A_28 = arith.constant 0 : i32
    %dma_start3A_29 = tpu.memref_slice %arg10[%dma_start3A_27, %dma_start3A_28] : memref<100096x16xf32, #tpu.memory_space<vmem_shared>> -> memref<100096x16xf32, #tpu.memory_space<vmem_shared>>
    tpu.enqueue_indirect_dma source(%arg8 : memref<800x16xf32, #tpu.memory_space<vmem>>) target(%dma_start3A_29 : memref<100096x16xf32, #tpu.memory_space<vmem_shared>>) offsets(%arg6 : memref<800xi32, #tpu.memory_space<vmem>>) semaphore(%arg14 : memref<!tpu.dma_semaphore, #tpu.memory_space<semaphore_mem>>) {add = true}
    %dma_wait3A_30 = arith.constant 0 : i32
    %dma_wait3A_31 = arith.constant 0 : i32
    %dma_wait3A_32 = tpu.memref_slice %arg10[%dma_wait3A_30, %dma_wait3A_31] : memref<100096x16xf32, #tpu.memory_space<vmem_shared>> -> memref<100096x16xf32, #tpu.memory_space<vmem_shared>>
    tpu.wait_indirect_dma semaphore(%arg14 : memref<!tpu.dma_semaphore, #tpu.memory_space<semaphore_mem>>) src(%arg8 : memref<800x16xf32, #tpu.memory_space<vmem>>) dst(%dma_wait3A_32 : memref<100096x16xf32, #tpu.memory_space<vmem_shared>>)
    %barrier3A_33 = arith.constant 0 : index
    tpu.barrier barrier_id(%barrier3A_33)
    %mul3A_34 = arith.constant 100096 : i32
    %mul3A_35 = arith.muli %arg0, %mul3A_34 : i32
    %add3A_36 = arith.addi %mul3A_35, %mul3A_0 : i32
    %dma_start3A_37 = arith.constant 0 : i32
    %dma_start3A_38 = tpu.memref_slice %arg5[%add3A_36, %dma_start3A_37] : memref<200192x16xf32, #tpu.memory_space<hbm>> -> memref<6256x16xf32, #tpu.memory_space<hbm>>
    %dma_start3A_39 = arith.constant 0 : i32
    %dma_start3A_40 = tpu.memref_slice %arg10[%mul3A_0, %dma_start3A_39] : memref<100096x16xf32, #tpu.memory_space<vmem_shared>> -> memref<6256x16xf32, #tpu.memory_space<vmem_shared>>
    tpu.enqueue_dma source(%dma_start3A_40 : memref<6256x16xf32, #tpu.memory_space<vmem_shared>>) target(%dma_start3A_38 : memref<6256x16xf32, #tpu.memory_space<hbm>>) target_semaphore(%arg15 : memref<!tpu.dma_semaphore, #tpu.memory_space<semaphore_mem>>)
    %dma_wait3A_41 = arith.constant 0 : i32
    %dma_wait3A_42 = tpu.memref_slice %arg5[%add3A_36, %dma_wait3A_41] : memref<200192x16xf32, #tpu.memory_space<hbm>> -> memref<6256x16xf32, #tpu.memory_space<hbm>>
    %dma_wait3A_43 = arith.constant 0 : i32
    %dma_wait3A_44 = tpu.memref_slice %arg10[%mul3A_0, %dma_wait3A_43] : memref<100096x16xf32, #tpu.memory_space<vmem_shared>> -> memref<6256x16xf32, #tpu.memory_space<vmem_shared>>
    tpu.wait_dma2 semaphore(%arg15 : memref<!tpu.dma_semaphore, #tpu.memory_space<semaphore_mem>>) src(%dma_wait3A_44 : memref<6256x16xf32, #tpu.memory_space<vmem_shared>>) dst(%dma_wait3A_42 : memref<6256x16xf32, #tpu.memory_space<hbm>>)
    return
  }
}

#map = affine_map<(d0, d1) -> (0, 0)>
#map1 = affine_map<(d0, d1) -> (0)>
module attributes {stable_mosaic.version = 14 : i64} {
  func.func @_sc_agg1(%arg0: i32, %arg1: i32, %arg2: memref<200000x16xf32, #tpu.memory_space<hbm>>, %arg3: memref<3200000xi32, #tpu.memory_space<hbm>>, %arg4: memref<1600000xi32, #tpu.memory_space<hbm>>, %arg5: memref<6256x16xf32, #tpu.memory_space<hbm>>, %arg6: memref<200192x16xf32, #tpu.memory_space<hbm>>, %arg7: memref<800xi32, #tpu.memory_space<vmem>>, %arg8: memref<800xi32, #tpu.memory_space<vmem>>, %arg9: memref<800xi32, #tpu.memory_space<vmem>>, %arg10: memref<800xi32, #tpu.memory_space<vmem>>, %arg11: memref<800x16xf32, #tpu.memory_space<vmem>>, %arg12: memref<800x16xf32, #tpu.memory_space<vmem>>, %arg13: memref<100096x16xf32, #tpu.memory_space<vmem_shared>>, %arg14: memref<!tpu.dma_semaphore, #tpu.memory_space<semaphore_mem>>, %arg15: memref<!tpu.dma_semaphore, #tpu.memory_space<semaphore_mem>>, %arg16: memref<!tpu.dma_semaphore, #tpu.memory_space<semaphore_mem>>, %arg17: memref<!tpu.dma_semaphore, #tpu.memory_space<semaphore_mem>>, %arg18: memref<!tpu.dma_semaphore, #tpu.memory_space<semaphore_mem>>) attributes {dimension_semantics = [#tpu.dimension_semantics<core_parallel>, #tpu.dimension_semantics<subcore_parallel>], iteration_bounds = array<i64: 2, 16>, scalar_prefetch = 0 : i64, scratch_operands = 12 : i64, tpu.core_type = #tpu.core_type<sc_vector_subcore>, window_params = [{transform_indices = #map}, {transform_indices = #map1}, {transform_indices = #map1}, {transform_indices = #map}, {transform_indices = #map}]} {
    %mul3A = arith.constant 6256 : i32
    %mul3A_0 = arith.muli %arg1, %mul3A : i32
    %dma_start3A = arith.constant 0 : i32
    %dma_start3A_1 = tpu.memref_slice %arg13[%mul3A_0, %dma_start3A] : memref<100096x16xf32, #tpu.memory_space<vmem_shared>> -> memref<6256x16xf32, #tpu.memory_space<vmem_shared>>
    tpu.enqueue_dma source(%arg5 : memref<6256x16xf32, #tpu.memory_space<hbm>>) target(%dma_start3A_1 : memref<6256x16xf32, #tpu.memory_space<vmem_shared>>) target_semaphore(%arg18 : memref<!tpu.dma_semaphore, #tpu.memory_space<semaphore_mem>>)
    %dma_wait3A = arith.constant 0 : i32
    %dma_wait3A_2 = tpu.memref_slice %arg13[%mul3A_0, %dma_wait3A] : memref<100096x16xf32, #tpu.memory_space<vmem_shared>> -> memref<6256x16xf32, #tpu.memory_space<vmem_shared>>
    tpu.wait_dma2 semaphore(%arg18 : memref<!tpu.dma_semaphore, #tpu.memory_space<semaphore_mem>>) src(%arg5 : memref<6256x16xf32, #tpu.memory_space<hbm>>) dst(%dma_wait3A_2 : memref<6256x16xf32, #tpu.memory_space<vmem_shared>>)
    %barrier3A = arith.constant 0 : index
    tpu.barrier barrier_id(%barrier3A)
    %mul3A_3 = arith.constant 1600000 : i32
    %mul3A_4 = arith.muli %arg0, %mul3A_3 : i32
    %mul3A_5 = arith.constant 125 : i32
    %mul3A_6 = arith.muli %arg1, %mul3A_5 : i32
    %add3A = arith.constant 0 : i32
    %add3A_7 = arith.addi %mul3A_6, %add3A : i32
    %mul3A_8 = arith.constant 800 : i32
    %mul3A_9 = arith.muli %add3A_7, %mul3A_8 : i32
    %add3A_10 = arith.addi %mul3A_4, %mul3A_9 : i32
    %dma_start3A_11 = tpu.memref_slice %arg3[%add3A_10] : memref<3200000xi32, #tpu.memory_space<hbm>> -> memref<800xi32, #tpu.memory_space<hbm>>
    %dma_start3A_12 = tpu.memref_slice %arg3[%add3A_10] : memref<3200000xi32, #tpu.memory_space<hbm>> -> memref<800xi32, #tpu.memory_space<hbm>>
    tpu.enqueue_dma source(%dma_start3A_12 : memref<800xi32, #tpu.memory_space<hbm>>) target(%arg7 : memref<800xi32, #tpu.memory_space<vmem>>) target_semaphore(%arg16 : memref<!tpu.dma_semaphore, #tpu.memory_space<semaphore_mem>>)
    %dma_wait3A_13 = tpu.memref_slice %arg3[%add3A_10] : memref<3200000xi32, #tpu.memory_space<hbm>> -> memref<800xi32, #tpu.memory_space<hbm>>
    %dma_wait3A_14 = tpu.memref_slice %arg3[%add3A_10] : memref<3200000xi32, #tpu.memory_space<hbm>> -> memref<800xi32, #tpu.memory_space<hbm>>
    tpu.wait_dma2 semaphore(%arg16 : memref<!tpu.dma_semaphore, #tpu.memory_space<semaphore_mem>>) src(%dma_wait3A_14 : memref<800xi32, #tpu.memory_space<hbm>>) dst(%arg7 : memref<800xi32, #tpu.memory_space<vmem>>)
    %dma_start3A_15 = tpu.memref_slice %arg4[%mul3A_9] : memref<1600000xi32, #tpu.memory_space<hbm>> -> memref<800xi32, #tpu.memory_space<hbm>>
    %dma_start3A_16 = tpu.memref_slice %arg4[%mul3A_9] : memref<1600000xi32, #tpu.memory_space<hbm>> -> memref<800xi32, #tpu.memory_space<hbm>>
    tpu.enqueue_dma source(%dma_start3A_16 : memref<800xi32, #tpu.memory_space<hbm>>) target(%arg8 : memref<800xi32, #tpu.memory_space<vmem>>) target_semaphore(%arg16 : memref<!tpu.dma_semaphore, #tpu.memory_space<semaphore_mem>>)
    %dma_wait3A_17 = tpu.memref_slice %arg4[%mul3A_9] : memref<1600000xi32, #tpu.memory_space<hbm>> -> memref<800xi32, #tpu.memory_space<hbm>>
    %dma_wait3A_18 = tpu.memref_slice %arg4[%mul3A_9] : memref<1600000xi32, #tpu.memory_space<hbm>> -> memref<800xi32, #tpu.memory_space<hbm>>
    tpu.wait_dma2 semaphore(%arg16 : memref<!tpu.dma_semaphore, #tpu.memory_space<semaphore_mem>>) src(%dma_wait3A_18 : memref<800xi32, #tpu.memory_space<hbm>>) dst(%arg8 : memref<800xi32, #tpu.memory_space<vmem>>)
    %dma_start3A_19 = arith.constant 0 : i32
    %dma_start3A_20 = arith.constant 0 : i32
    %dma_start3A_21 = tpu.memref_slice %arg2[%dma_start3A_19, %dma_start3A_20] : memref<200000x16xf32, #tpu.memory_space<hbm>> -> memref<200000x16xf32, #tpu.memory_space<hbm>>
    tpu.enqueue_indirect_dma source(%dma_start3A_21 : memref<200000x16xf32, #tpu.memory_space<hbm>>) target(%arg11 : memref<800x16xf32, #tpu.memory_space<vmem>>) offsets(%arg7 : memref<800xi32, #tpu.memory_space<vmem>>) semaphore(%arg14 : memref<!tpu.dma_semaphore, #tpu.memory_space<semaphore_mem>>)
    %scan3A = arith.constant 0 : i32
    %scan3A_22 = arith.constant 0 : i32
    %scan3A_23 = arith.constant 62 : i32
    %scan3A_24 = arith.addi %scan3A_22, %scan3A_23 : i32
    %scan3A_25 = arith.constant 1 : i32
    scf.for %scan3A_48 = %scan3A_22 to %scan3A_24 step %scan3A_25  : i32 {
      %mul3A_49 = arith.constant 2 : i32
      %mul3A_50 = arith.muli %mul3A_49, %scan3A_48 : i32
      %add3A_51 = arith.constant 1 : i32
      %add3A_52 = arith.addi %mul3A_50, %add3A_51 : i32
      %add3A_53 = arith.addi %mul3A_6, %add3A_52 : i32
      %mul3A_54 = arith.constant 800 : i32
      %mul3A_55 = arith.muli %add3A_53, %mul3A_54 : i32
      %add3A_56 = arith.addi %mul3A_4, %mul3A_55 : i32
      %dma_start3A_57 = tpu.memref_slice %arg3[%add3A_56] : memref<3200000xi32, #tpu.memory_space<hbm>> -> memref<800xi32, #tpu.memory_space<hbm>>
      %dma_start3A_58 = tpu.memref_slice %arg3[%add3A_56] : memref<3200000xi32, #tpu.memory_space<hbm>> -> memref<800xi32, #tpu.memory_space<hbm>>
      tpu.enqueue_dma source(%dma_start3A_58 : memref<800xi32, #tpu.memory_space<hbm>>) target(%arg9 : memref<800xi32, #tpu.memory_space<vmem>>) target_semaphore(%arg16 : memref<!tpu.dma_semaphore, #tpu.memory_space<semaphore_mem>>)
      %dma_wait3A_59 = tpu.memref_slice %arg3[%add3A_56] : memref<3200000xi32, #tpu.memory_space<hbm>> -> memref<800xi32, #tpu.memory_space<hbm>>
      %dma_wait3A_60 = tpu.memref_slice %arg3[%add3A_56] : memref<3200000xi32, #tpu.memory_space<hbm>> -> memref<800xi32, #tpu.memory_space<hbm>>
      tpu.wait_dma2 semaphore(%arg16 : memref<!tpu.dma_semaphore, #tpu.memory_space<semaphore_mem>>) src(%dma_wait3A_60 : memref<800xi32, #tpu.memory_space<hbm>>) dst(%arg9 : memref<800xi32, #tpu.memory_space<vmem>>)
      %dma_start3A_61 = tpu.memref_slice %arg4[%mul3A_55] : memref<1600000xi32, #tpu.memory_space<hbm>> -> memref<800xi32, #tpu.memory_space<hbm>>
      %dma_start3A_62 = tpu.memref_slice %arg4[%mul3A_55] : memref<1600000xi32, #tpu.memory_space<hbm>> -> memref<800xi32, #tpu.memory_space<hbm>>
      tpu.enqueue_dma source(%dma_start3A_62 : memref<800xi32, #tpu.memory_space<hbm>>) target(%arg10 : memref<800xi32, #tpu.memory_space<vmem>>) target_semaphore(%arg16 : memref<!tpu.dma_semaphore, #tpu.memory_space<semaphore_mem>>)
      %dma_wait3A_63 = tpu.memref_slice %arg4[%mul3A_55] : memref<1600000xi32, #tpu.memory_space<hbm>> -> memref<800xi32, #tpu.memory_space<hbm>>
      %dma_wait3A_64 = tpu.memref_slice %arg4[%mul3A_55] : memref<1600000xi32, #tpu.memory_space<hbm>> -> memref<800xi32, #tpu.memory_space<hbm>>
      tpu.wait_dma2 semaphore(%arg16 : memref<!tpu.dma_semaphore, #tpu.memory_space<semaphore_mem>>) src(%dma_wait3A_64 : memref<800xi32, #tpu.memory_space<hbm>>) dst(%arg10 : memref<800xi32, #tpu.memory_space<vmem>>)
      %dma_start3A_65 = arith.constant 0 : i32
      %dma_start3A_66 = arith.constant 0 : i32
      %dma_start3A_67 = tpu.memref_slice %arg2[%dma_start3A_65, %dma_start3A_66] : memref<200000x16xf32, #tpu.memory_space<hbm>> -> memref<200000x16xf32, #tpu.memory_space<hbm>>
      tpu.enqueue_indirect_dma source(%dma_start3A_67 : memref<200000x16xf32, #tpu.memory_space<hbm>>) target(%arg12 : memref<800x16xf32, #tpu.memory_space<vmem>>) offsets(%arg9 : memref<800xi32, #tpu.memory_space<vmem>>) semaphore(%arg15 : memref<!tpu.dma_semaphore, #tpu.memory_space<semaphore_mem>>)
      %dma_wait3A_68 = arith.constant 0 : i32
      %dma_wait3A_69 = arith.constant 0 : i32
      %dma_wait3A_70 = tpu.memref_slice %arg2[%dma_wait3A_68, %dma_wait3A_69] : memref<200000x16xf32, #tpu.memory_space<hbm>> -> memref<200000x16xf32, #tpu.memory_space<hbm>>
      tpu.wait_indirect_dma semaphore(%arg14 : memref<!tpu.dma_semaphore, #tpu.memory_space<semaphore_mem>>) src(%dma_wait3A_70 : memref<200000x16xf32, #tpu.memory_space<hbm>>) dst(%arg11 : memref<800x16xf32, #tpu.memory_space<vmem>>)
      %dma_start3A_71 = arith.constant 0 : i32
      %dma_start3A_72 = arith.constant 0 : i32
      %dma_start3A_73 = tpu.memref_slice %arg13[%dma_start3A_71, %dma_start3A_72] : memref<100096x16xf32, #tpu.memory_space<vmem_shared>> -> memref<100096x16xf32, #tpu.memory_space<vmem_shared>>
      tpu.enqueue_indirect_dma source(%arg11 : memref<800x16xf32, #tpu.memory_space<vmem>>) target(%dma_start3A_73 : memref<100096x16xf32, #tpu.memory_space<vmem_shared>>) offsets(%arg8 : memref<800xi32, #tpu.memory_space<vmem>>) semaphore(%arg17 : memref<!tpu.dma_semaphore, #tpu.memory_space<semaphore_mem>>) {add = true}
      %dma_wait3A_74 = arith.constant 0 : i32
      %dma_wait3A_75 = arith.constant 0 : i32
      %dma_wait3A_76 = tpu.memref_slice %arg13[%dma_wait3A_74, %dma_wait3A_75] : memref<100096x16xf32, #tpu.memory_space<vmem_shared>> -> memref<100096x16xf32, #tpu.memory_space<vmem_shared>>
      tpu.wait_indirect_dma semaphore(%arg17 : memref<!tpu.dma_semaphore, #tpu.memory_space<semaphore_mem>>) src(%arg11 : memref<800x16xf32, #tpu.memory_space<vmem>>) dst(%dma_wait3A_76 : memref<100096x16xf32, #tpu.memory_space<vmem_shared>>)
      %add3A_77 = arith.constant 2 : i32
      %add3A_78 = arith.addi %mul3A_50, %add3A_77 : i32
      %add3A_79 = arith.addi %mul3A_6, %add3A_78 : i32
      %mul3A_80 = arith.constant 800 : i32
      %mul3A_81 = arith.muli %add3A_79, %mul3A_80 : i32
      %add3A_82 = arith.addi %mul3A_4, %mul3A_81 : i32
      %dma_start3A_83 = tpu.memref_slice %arg3[%add3A_82] : memref<3200000xi32, #tpu.memory_space<hbm>> -> memref<800xi32, #tpu.memory_space<hbm>>
      %dma_start3A_84 = tpu.memref_slice %arg3[%add3A_82] : memref<3200000xi32, #tpu.memory_space<hbm>> -> memref<800xi32, #tpu.memory_space<hbm>>
      tpu.enqueue_dma source(%dma_start3A_84 : memref<800xi32, #tpu.memory_space<hbm>>) target(%arg7 : memref<800xi32, #tpu.memory_space<vmem>>) target_semaphore(%arg16 : memref<!tpu.dma_semaphore, #tpu.memory_space<semaphore_mem>>)
      %dma_wait3A_85 = tpu.memref_slice %arg3[%add3A_82] : memref<3200000xi32, #tpu.memory_space<hbm>> -> memref<800xi32, #tpu.memory_space<hbm>>
      %dma_wait3A_86 = tpu.memref_slice %arg3[%add3A_82] : memref<3200000xi32, #tpu.memory_space<hbm>> -> memref<800xi32, #tpu.memory_space<hbm>>
      tpu.wait_dma2 semaphore(%arg16 : memref<!tpu.dma_semaphore, #tpu.memory_space<semaphore_mem>>) src(%dma_wait3A_86 : memref<800xi32, #tpu.memory_space<hbm>>) dst(%arg7 : memref<800xi32, #tpu.memory_space<vmem>>)
      %dma_start3A_87 = tpu.memref_slice %arg4[%mul3A_81] : memref<1600000xi32, #tpu.memory_space<hbm>> -> memref<800xi32, #tpu.memory_space<hbm>>
      %dma_start3A_88 = tpu.memref_slice %arg4[%mul3A_81] : memref<1600000xi32, #tpu.memory_space<hbm>> -> memref<800xi32, #tpu.memory_space<hbm>>
      tpu.enqueue_dma source(%dma_start3A_88 : memref<800xi32, #tpu.memory_space<hbm>>) target(%arg8 : memref<800xi32, #tpu.memory_space<vmem>>) target_semaphore(%arg16 : memref<!tpu.dma_semaphore, #tpu.memory_space<semaphore_mem>>)
      %dma_wait3A_89 = tpu.memref_slice %arg4[%mul3A_81] : memref<1600000xi32, #tpu.memory_space<hbm>> -> memref<800xi32, #tpu.memory_space<hbm>>
      %dma_wait3A_90 = tpu.memref_slice %arg4[%mul3A_81] : memref<1600000xi32, #tpu.memory_space<hbm>> -> memref<800xi32, #tpu.memory_space<hbm>>
      tpu.wait_dma2 semaphore(%arg16 : memref<!tpu.dma_semaphore, #tpu.memory_space<semaphore_mem>>) src(%dma_wait3A_90 : memref<800xi32, #tpu.memory_space<hbm>>) dst(%arg8 : memref<800xi32, #tpu.memory_space<vmem>>)
      %dma_start3A_91 = arith.constant 0 : i32
      %dma_start3A_92 = arith.constant 0 : i32
      %dma_start3A_93 = tpu.memref_slice %arg2[%dma_start3A_91, %dma_start3A_92] : memref<200000x16xf32, #tpu.memory_space<hbm>> -> memref<200000x16xf32, #tpu.memory_space<hbm>>
      tpu.enqueue_indirect_dma source(%dma_start3A_93 : memref<200000x16xf32, #tpu.memory_space<hbm>>) target(%arg11 : memref<800x16xf32, #tpu.memory_space<vmem>>) offsets(%arg7 : memref<800xi32, #tpu.memory_space<vmem>>) semaphore(%arg14 : memref<!tpu.dma_semaphore, #tpu.memory_space<semaphore_mem>>)
      %add3A_94 = arith.constant 1 : i32
      %add3A_95 = arith.addi %mul3A_50, %add3A_94 : i32
      %dma_wait3A_96 = arith.constant 0 : i32
      %dma_wait3A_97 = arith.constant 0 : i32
      %dma_wait3A_98 = tpu.memref_slice %arg2[%dma_wait3A_96, %dma_wait3A_97] : memref<200000x16xf32, #tpu.memory_space<hbm>> -> memref<200000x16xf32, #tpu.memory_space<hbm>>
      tpu.wait_indirect_dma semaphore(%arg15 : memref<!tpu.dma_semaphore, #tpu.memory_space<semaphore_mem>>) src(%dma_wait3A_98 : memref<200000x16xf32, #tpu.memory_space<hbm>>) dst(%arg12 : memref<800x16xf32, #tpu.memory_space<vmem>>)
      %dma_start3A_99 = arith.constant 0 : i32
      %dma_start3A_100 = arith.constant 0 : i32
      %dma_start3A_101 = tpu.memref_slice %arg13[%dma_start3A_99, %dma_start3A_100] : memref<100096x16xf32, #tpu.memory_space<vmem_shared>> -> memref<100096x16xf32, #tpu.memory_space<vmem_shared>>
      tpu.enqueue_indirect_dma source(%arg12 : memref<800x16xf32, #tpu.memory_space<vmem>>) target(%dma_start3A_101 : memref<100096x16xf32, #tpu.memory_space<vmem_shared>>) offsets(%arg10 : memref<800xi32, #tpu.memory_space<vmem>>) semaphore(%arg17 : memref<!tpu.dma_semaphore, #tpu.memory_space<semaphore_mem>>) {add = true}
      %dma_wait3A_102 = arith.constant 0 : i32
      %dma_wait3A_103 = arith.constant 0 : i32
      %dma_wait3A_104 = tpu.memref_slice %arg13[%dma_wait3A_102, %dma_wait3A_103] : memref<100096x16xf32, #tpu.memory_space<vmem_shared>> -> memref<100096x16xf32, #tpu.memory_space<vmem_shared>>
      tpu.wait_indirect_dma semaphore(%arg17 : memref<!tpu.dma_semaphore, #tpu.memory_space<semaphore_mem>>) src(%arg12 : memref<800x16xf32, #tpu.memory_space<vmem>>) dst(%dma_wait3A_104 : memref<100096x16xf32, #tpu.memory_space<vmem_shared>>)
    }
    %scan3A_26 = arith.constant 62 : i32
    %dma_wait3A_27 = arith.constant 0 : i32
    %dma_wait3A_28 = arith.constant 0 : i32
    %dma_wait3A_29 = tpu.memref_slice %arg2[%dma_wait3A_27, %dma_wait3A_28] : memref<200000x16xf32, #tpu.memory_space<hbm>> -> memref<200000x16xf32, #tpu.memory_space<hbm>>
    tpu.wait_indirect_dma semaphore(%arg14 : memref<!tpu.dma_semaphore, #tpu.memory_space<semaphore_mem>>) src(%dma_wait3A_29 : memref<200000x16xf32, #tpu.memory_space<hbm>>) dst(%arg11 : memref<800x16xf32, #tpu.memory_space<vmem>>)
    %dma_start3A_30 = arith.constant 0 : i32
    %dma_start3A_31 = arith.constant 0 : i32
    %dma_start3A_32 = tpu.memref_slice %arg13[%dma_start3A_30, %dma_start3A_31] : memref<100096x16xf32, #tpu.memory_space<vmem_shared>> -> memref<100096x16xf32, #tpu.memory_space<vmem_shared>>
    tpu.enqueue_indirect_dma source(%arg11 : memref<800x16xf32, #tpu.memory_space<vmem>>) target(%dma_start3A_32 : memref<100096x16xf32, #tpu.memory_space<vmem_shared>>) offsets(%arg8 : memref<800xi32, #tpu.memory_space<vmem>>) semaphore(%arg17 : memref<!tpu.dma_semaphore, #tpu.memory_space<semaphore_mem>>) {add = true}
    %dma_wait3A_33 = arith.constant 0 : i32
    %dma_wait3A_34 = arith.constant 0 : i32
    %dma_wait3A_35 = tpu.memref_slice %arg13[%dma_wait3A_33, %dma_wait3A_34] : memref<100096x16xf32, #tpu.memory_space<vmem_shared>> -> memref<100096x16xf32, #tpu.memory_space<vmem_shared>>
    tpu.wait_indirect_dma semaphore(%arg17 : memref<!tpu.dma_semaphore, #tpu.memory_space<semaphore_mem>>) src(%arg11 : memref<800x16xf32, #tpu.memory_space<vmem>>) dst(%dma_wait3A_35 : memref<100096x16xf32, #tpu.memory_space<vmem_shared>>)
    %barrier3A_36 = arith.constant 0 : index
    tpu.barrier barrier_id(%barrier3A_36)
    %mul3A_37 = arith.constant 100096 : i32
    %mul3A_38 = arith.muli %arg0, %mul3A_37 : i32
    %add3A_39 = arith.addi %mul3A_38, %mul3A_0 : i32
    %dma_start3A_40 = arith.constant 0 : i32
    %dma_start3A_41 = tpu.memref_slice %arg6[%add3A_39, %dma_start3A_40] : memref<200192x16xf32, #tpu.memory_space<hbm>> -> memref<6256x16xf32, #tpu.memory_space<hbm>>
    %dma_start3A_42 = arith.constant 0 : i32
    %dma_start3A_43 = tpu.memref_slice %arg13[%mul3A_0, %dma_start3A_42] : memref<100096x16xf32, #tpu.memory_space<vmem_shared>> -> memref<6256x16xf32, #tpu.memory_space<vmem_shared>>
    tpu.enqueue_dma source(%dma_start3A_43 : memref<6256x16xf32, #tpu.memory_space<vmem_shared>>) target(%dma_start3A_41 : memref<6256x16xf32, #tpu.memory_space<hbm>>) target_semaphore(%arg18 : memref<!tpu.dma_semaphore, #tpu.memory_space<semaphore_mem>>)
    %dma_wait3A_44 = arith.constant 0 : i32
    %dma_wait3A_45 = tpu.memref_slice %arg6[%add3A_39, %dma_wait3A_44] : memref<200192x16xf32, #tpu.memory_space<hbm>> -> memref<6256x16xf32, #tpu.memory_space<hbm>>
    %dma_wait3A_46 = arith.constant 0 : i32
    %dma_wait3A_47 = tpu.memref_slice %arg13[%mul3A_0, %dma_wait3A_46] : memref<100096x16xf32, #tpu.memory_space<vmem_shared>> -> memref<6256x16xf32, #tpu.memory_space<vmem_shared>>
    tpu.wait_dma2 semaphore(%arg18 : memref<!tpu.dma_semaphore, #tpu.memory_space<semaphore_mem>>) src(%dma_wait3A_47 : memref<6256x16xf32, #tpu.memory_space<vmem_shared>>) dst(%dma_wait3A_45 : memref<6256x16xf32, #tpu.memory_space<hbm>>)
    return
  }
}

#map = affine_map<(d0, d1) -> (0, 0)>
#map1 = affine_map<(d0, d1) -> (0)>
module attributes {stable_mosaic.version = 14 : i64} {
  func.func @_sc_agg2(%arg0: i32, %arg1: i32, %arg2: memref<400000x16xf32, #tpu.memory_space<hbm>>, %arg3: memref<6400000xi32, #tpu.memory_space<hbm>>, %arg4: memref<1600000xi32, #tpu.memory_space<hbm>>, %arg5: memref<6256x16xf32, #tpu.memory_space<hbm>>, %arg6: memref<400384x16xf32, #tpu.memory_space<hbm>>, %arg7: memref<800xi32, #tpu.memory_space<vmem>>, %arg8: memref<800xi32, #tpu.memory_space<vmem>>, %arg9: memref<800xi32, #tpu.memory_space<vmem>>, %arg10: memref<800xi32, #tpu.memory_space<vmem>>, %arg11: memref<800x16xf32, #tpu.memory_space<vmem>>, %arg12: memref<800x16xf32, #tpu.memory_space<vmem>>, %arg13: memref<100096x16xf32, #tpu.memory_space<vmem_shared>>, %arg14: memref<!tpu.dma_semaphore, #tpu.memory_space<semaphore_mem>>, %arg15: memref<!tpu.dma_semaphore, #tpu.memory_space<semaphore_mem>>, %arg16: memref<!tpu.dma_semaphore, #tpu.memory_space<semaphore_mem>>, %arg17: memref<!tpu.dma_semaphore, #tpu.memory_space<semaphore_mem>>, %arg18: memref<!tpu.dma_semaphore, #tpu.memory_space<semaphore_mem>>) attributes {dimension_semantics = [#tpu.dimension_semantics<core_parallel>, #tpu.dimension_semantics<subcore_parallel>], iteration_bounds = array<i64: 2, 16>, scalar_prefetch = 0 : i64, scratch_operands = 12 : i64, tpu.core_type = #tpu.core_type<sc_vector_subcore>, window_params = [{transform_indices = #map}, {transform_indices = #map1}, {transform_indices = #map1}, {transform_indices = #map}, {transform_indices = #map}]} {
    %mul3A = arith.constant 6256 : i32
    %mul3A_0 = arith.muli %arg1, %mul3A : i32
    %mul3A_1 = arith.constant 2 : i32
    %mul3A_2 = arith.muli %mul3A_1, %arg0 : i32
    %add3A = arith.constant 0 : i32
    %add3A_3 = arith.addi %mul3A_2, %add3A : i32
    %dma_start3A = arith.constant 0 : i32
    %dma_start3A_4 = tpu.memref_slice %arg13[%mul3A_0, %dma_start3A] : memref<100096x16xf32, #tpu.memory_space<vmem_shared>> -> memref<6256x16xf32, #tpu.memory_space<vmem_shared>>
    tpu.enqueue_dma source(%arg5 : memref<6256x16xf32, #tpu.memory_space<hbm>>) target(%dma_start3A_4 : memref<6256x16xf32, #tpu.memory_space<vmem_shared>>) target_semaphore(%arg18 : memref<!tpu.dma_semaphore, #tpu.memory_space<semaphore_mem>>)
    %dma_wait3A = arith.constant 0 : i32
    %dma_wait3A_5 = tpu.memref_slice %arg13[%mul3A_0, %dma_wait3A] : memref<100096x16xf32, #tpu.memory_space<vmem_shared>> -> memref<6256x16xf32, #tpu.memory_space<vmem_shared>>
    tpu.wait_dma2 semaphore(%arg18 : memref<!tpu.dma_semaphore, #tpu.memory_space<semaphore_mem>>) src(%arg5 : memref<6256x16xf32, #tpu.memory_space<hbm>>) dst(%dma_wait3A_5 : memref<6256x16xf32, #tpu.memory_space<vmem_shared>>)
    %barrier3A = arith.constant 0 : index
    tpu.barrier barrier_id(%barrier3A)
    %mul3A_6 = arith.constant 1600000 : i32
    %mul3A_7 = arith.muli %add3A_3, %mul3A_6 : i32
    %mul3A_8 = arith.constant 125 : i32
    %mul3A_9 = arith.muli %arg1, %mul3A_8 : i32
    %add3A_10 = arith.constant 0 : i32
    %add3A_11 = arith.addi %mul3A_9, %add3A_10 : i32
    %mul3A_12 = arith.constant 800 : i32
    %mul3A_13 = arith.muli %add3A_11, %mul3A_12 : i32
    %add3A_14 = arith.addi %mul3A_7, %mul3A_13 : i32
    %dma_start3A_15 = tpu.memref_slice %arg3[%add3A_14] : memref<6400000xi32, #tpu.memory_space<hbm>> -> memref<800xi32, #tpu.memory_space<hbm>>
    %dma_start3A_16 = tpu.memref_slice %arg3[%add3A_14] : memref<6400000xi32, #tpu.memory_space<hbm>> -> memref<800xi32, #tpu.memory_space<hbm>>
    tpu.enqueue_dma source(%dma_start3A_16 : memref<800xi32, #tpu.memory_space<hbm>>) target(%arg7 : memref<800xi32, #tpu.memory_space<vmem>>) target_semaphore(%arg16 : memref<!tpu.dma_semaphore, #tpu.memory_space<semaphore_mem>>)
    %dma_wait3A_17 = tpu.memref_slice %arg3[%add3A_14] : memref<6400000xi32, #tpu.memory_space<hbm>> -> memref<800xi32, #tpu.memory_space<hbm>>
    %dma_wait3A_18 = tpu.memref_slice %arg3[%add3A_14] : memref<6400000xi32, #tpu.memory_space<hbm>> -> memref<800xi32, #tpu.memory_space<hbm>>
    tpu.wait_dma2 semaphore(%arg16 : memref<!tpu.dma_semaphore, #tpu.memory_space<semaphore_mem>>) src(%dma_wait3A_18 : memref<800xi32, #tpu.memory_space<hbm>>) dst(%arg7 : memref<800xi32, #tpu.memory_space<vmem>>)
    %dma_start3A_19 = tpu.memref_slice %arg4[%mul3A_13] : memref<1600000xi32, #tpu.memory_space<hbm>> -> memref<800xi32, #tpu.memory_space<hbm>>
    %dma_start3A_20 = tpu.memref_slice %arg4[%mul3A_13] : memref<1600000xi32, #tpu.memory_space<hbm>> -> memref<800xi32, #tpu.memory_space<hbm>>
    tpu.enqueue_dma source(%dma_start3A_20 : memref<800xi32, #tpu.memory_space<hbm>>) target(%arg8 : memref<800xi32, #tpu.memory_space<vmem>>) target_semaphore(%arg16 : memref<!tpu.dma_semaphore, #tpu.memory_space<semaphore_mem>>)
    %dma_wait3A_21 = tpu.memref_slice %arg4[%mul3A_13] : memref<1600000xi32, #tpu.memory_space<hbm>> -> memref<800xi32, #tpu.memory_space<hbm>>
    %dma_wait3A_22 = tpu.memref_slice %arg4[%mul3A_13] : memref<1600000xi32, #tpu.memory_space<hbm>> -> memref<800xi32, #tpu.memory_space<hbm>>
    tpu.wait_dma2 semaphore(%arg16 : memref<!tpu.dma_semaphore, #tpu.memory_space<semaphore_mem>>) src(%dma_wait3A_22 : memref<800xi32, #tpu.memory_space<hbm>>) dst(%arg8 : memref<800xi32, #tpu.memory_space<vmem>>)
    %dma_start3A_23 = arith.constant 0 : i32
    %dma_start3A_24 = arith.constant 0 : i32
    %dma_start3A_25 = tpu.memref_slice %arg2[%dma_start3A_23, %dma_start3A_24] : memref<400000x16xf32, #tpu.memory_space<hbm>> -> memref<400000x16xf32, #tpu.memory_space<hbm>>
    tpu.enqueue_indirect_dma source(%dma_start3A_25 : memref<400000x16xf32, #tpu.memory_space<hbm>>) target(%arg11 : memref<800x16xf32, #tpu.memory_space<vmem>>) offsets(%arg7 : memref<800xi32, #tpu.memory_space<vmem>>) semaphore(%arg14 : memref<!tpu.dma_semaphore, #tpu.memory_space<semaphore_mem>>)
    %scan3A = arith.constant 0 : i32
    %scan3A_26 = arith.constant 0 : i32
    %scan3A_27 = arith.constant 62 : i32
    %scan3A_28 = arith.addi %scan3A_26, %scan3A_27 : i32
    %scan3A_29 = arith.constant 1 : i32
    scf.for %scan3A_110 = %scan3A_26 to %scan3A_28 step %scan3A_29  : i32 {
      %mul3A_111 = arith.constant 2 : i32
      %mul3A_112 = arith.muli %mul3A_111, %scan3A_110 : i32
      %add3A_113 = arith.constant 1 : i32
      %add3A_114 = arith.addi %mul3A_112, %add3A_113 : i32
      %add3A_115 = arith.addi %mul3A_9, %add3A_114 : i32
      %mul3A_116 = arith.constant 800 : i32
      %mul3A_117 = arith.muli %add3A_115, %mul3A_116 : i32
      %add3A_118 = arith.addi %mul3A_7, %mul3A_117 : i32
      %dma_start3A_119 = tpu.memref_slice %arg3[%add3A_118] : memref<6400000xi32, #tpu.memory_space<hbm>> -> memref<800xi32, #tpu.memory_space<hbm>>
      %dma_start3A_120 = tpu.memref_slice %arg3[%add3A_118] : memref<6400000xi32, #tpu.memory_space<hbm>> -> memref<800xi32, #tpu.memory_space<hbm>>
      tpu.enqueue_dma source(%dma_start3A_120 : memref<800xi32, #tpu.memory_space<hbm>>) target(%arg9 : memref<800xi32, #tpu.memory_space<vmem>>) target_semaphore(%arg16 : memref<!tpu.dma_semaphore, #tpu.memory_space<semaphore_mem>>)
      %dma_wait3A_121 = tpu.memref_slice %arg3[%add3A_118] : memref<6400000xi32, #tpu.memory_space<hbm>> -> memref<800xi32, #tpu.memory_space<hbm>>
      %dma_wait3A_122 = tpu.memref_slice %arg3[%add3A_118] : memref<6400000xi32, #tpu.memory_space<hbm>> -> memref<800xi32, #tpu.memory_space<hbm>>
      tpu.wait_dma2 semaphore(%arg16 : memref<!tpu.dma_semaphore, #tpu.memory_space<semaphore_mem>>) src(%dma_wait3A_122 : memref<800xi32, #tpu.memory_space<hbm>>) dst(%arg9 : memref<800xi32, #tpu.memory_space<vmem>>)
      %dma_start3A_123 = tpu.memref_slice %arg4[%mul3A_117] : memref<1600000xi32, #tpu.memory_space<hbm>> -> memref<800xi32, #tpu.memory_space<hbm>>
      %dma_start3A_124 = tpu.memref_slice %arg4[%mul3A_117] : memref<1600000xi32, #tpu.memory_space<hbm>> -> memref<800xi32, #tpu.memory_space<hbm>>
      tpu.enqueue_dma source(%dma_start3A_124 : memref<800xi32, #tpu.memory_space<hbm>>) target(%arg10 : memref<800xi32, #tpu.memory_space<vmem>>) target_semaphore(%arg16 : memref<!tpu.dma_semaphore, #tpu.memory_space<semaphore_mem>>)
      %dma_wait3A_125 = tpu.memref_slice %arg4[%mul3A_117] : memref<1600000xi32, #tpu.memory_space<hbm>> -> memref<800xi32, #tpu.memory_space<hbm>>
      %dma_wait3A_126 = tpu.memref_slice %arg4[%mul3A_117] : memref<1600000xi32, #tpu.memory_space<hbm>> -> memref<800xi32, #tpu.memory_space<hbm>>
      tpu.wait_dma2 semaphore(%arg16 : memref<!tpu.dma_semaphore, #tpu.memory_space<semaphore_mem>>) src(%dma_wait3A_126 : memref<800xi32, #tpu.memory_space<hbm>>) dst(%arg10 : memref<800xi32, #tpu.memory_space<vmem>>)
      %dma_start3A_127 = arith.constant 0 : i32
      %dma_start3A_128 = arith.constant 0 : i32
      %dma_start3A_129 = tpu.memref_slice %arg2[%dma_start3A_127, %dma_start3A_128] : memref<400000x16xf32, #tpu.memory_space<hbm>> -> memref<400000x16xf32, #tpu.memory_space<hbm>>
      tpu.enqueue_indirect_dma source(%dma_start3A_129 : memref<400000x16xf32, #tpu.memory_space<hbm>>) target(%arg12 : memref<800x16xf32, #tpu.memory_space<vmem>>) offsets(%arg9 : memref<800xi32, #tpu.memory_space<vmem>>) semaphore(%arg15 : memref<!tpu.dma_semaphore, #tpu.memory_space<semaphore_mem>>)
      %dma_wait3A_130 = arith.constant 0 : i32
      %dma_wait3A_131 = arith.constant 0 : i32
      %dma_wait3A_132 = tpu.memref_slice %arg2[%dma_wait3A_130, %dma_wait3A_131] : memref<400000x16xf32, #tpu.memory_space<hbm>> -> memref<400000x16xf32, #tpu.memory_space<hbm>>
      tpu.wait_indirect_dma semaphore(%arg14 : memref<!tpu.dma_semaphore, #tpu.memory_space<semaphore_mem>>) src(%dma_wait3A_132 : memref<400000x16xf32, #tpu.memory_space<hbm>>) dst(%arg11 : memref<800x16xf32, #tpu.memory_space<vmem>>)
      %dma_start3A_133 = arith.constant 0 : i32
      %dma_start3A_134 = arith.constant 0 : i32
      %dma_start3A_135 = tpu.memref_slice %arg13[%dma_start3A_133, %dma_start3A_134] : memref<100096x16xf32, #tpu.memory_space<vmem_shared>> -> memref<100096x16xf32, #tpu.memory_space<vmem_shared>>
      tpu.enqueue_indirect_dma source(%arg11 : memref<800x16xf32, #tpu.memory_space<vmem>>) target(%dma_start3A_135 : memref<100096x16xf32, #tpu.memory_space<vmem_shared>>) offsets(%arg8 : memref<800xi32, #tpu.memory_space<vmem>>) semaphore(%arg17 : memref<!tpu.dma_semaphore, #tpu.memory_space<semaphore_mem>>) {add = true}
      %dma_wait3A_136 = arith.constant 0 : i32
      %dma_wait3A_137 = arith.constant 0 : i32
      %dma_wait3A_138 = tpu.memref_slice %arg13[%dma_wait3A_136, %dma_wait3A_137] : memref<100096x16xf32, #tpu.memory_space<vmem_shared>> -> memref<100096x16xf32, #tpu.memory_space<vmem_shared>>
      tpu.wait_indirect_dma semaphore(%arg17 : memref<!tpu.dma_semaphore, #tpu.memory_space<semaphore_mem>>) src(%arg11 : memref<800x16xf32, #tpu.memory_space<vmem>>) dst(%dma_wait3A_138 : memref<100096x16xf32, #tpu.memory_space<vmem_shared>>)
      %add3A_139 = arith.constant 2 : i32
      %add3A_140 = arith.addi %mul3A_112, %add3A_139 : i32
      %add3A_141 = arith.addi %mul3A_9, %add3A_140 : i32
      %mul3A_142 = arith.constant 800 : i32
      %mul3A_143 = arith.muli %add3A_141, %mul3A_142 : i32
      %add3A_144 = arith.addi %mul3A_7, %mul3A_143 : i32
      %dma_start3A_145 = tpu.memref_slice %arg3[%add3A_144] : memref<6400000xi32, #tpu.memory_space<hbm>> -> memref<800xi32, #tpu.memory_space<hbm>>
      %dma_start3A_146 = tpu.memref_slice %arg3[%add3A_144] : memref<6400000xi32, #tpu.memory_space<hbm>> -> memref<800xi32, #tpu.memory_space<hbm>>
      tpu.enqueue_dma source(%dma_start3A_146 : memref<800xi32, #tpu.memory_space<hbm>>) target(%arg7 : memref<800xi32, #tpu.memory_space<vmem>>) target_semaphore(%arg16 : memref<!tpu.dma_semaphore, #tpu.memory_space<semaphore_mem>>)
      %dma_wait3A_147 = tpu.memref_slice %arg3[%add3A_144] : memref<6400000xi32, #tpu.memory_space<hbm>> -> memref<800xi32, #tpu.memory_space<hbm>>
      %dma_wait3A_148 = tpu.memref_slice %arg3[%add3A_144] : memref<6400000xi32, #tpu.memory_space<hbm>> -> memref<800xi32, #tpu.memory_space<hbm>>
      tpu.wait_dma2 semaphore(%arg16 : memref<!tpu.dma_semaphore, #tpu.memory_space<semaphore_mem>>) src(%dma_wait3A_148 : memref<800xi32, #tpu.memory_space<hbm>>) dst(%arg7 : memref<800xi32, #tpu.memory_space<vmem>>)
      %dma_start3A_149 = tpu.memref_slice %arg4[%mul3A_143] : memref<1600000xi32, #tpu.memory_space<hbm>> -> memref<800xi32, #tpu.memory_space<hbm>>
      %dma_start3A_150 = tpu.memref_slice %arg4[%mul3A_143] : memref<1600000xi32, #tpu.memory_space<hbm>> -> memref<800xi32, #tpu.memory_space<hbm>>
      tpu.enqueue_dma source(%dma_start3A_150 : memref<800xi32, #tpu.memory_space<hbm>>) target(%arg8 : memref<800xi32, #tpu.memory_space<vmem>>) target_semaphore(%arg16 : memref<!tpu.dma_semaphore, #tpu.memory_space<semaphore_mem>>)
      %dma_wait3A_151 = tpu.memref_slice %arg4[%mul3A_143] : memref<1600000xi32, #tpu.memory_space<hbm>> -> memref<800xi32, #tpu.memory_space<hbm>>
      %dma_wait3A_152 = tpu.memref_slice %arg4[%mul3A_143] : memref<1600000xi32, #tpu.memory_space<hbm>> -> memref<800xi32, #tpu.memory_space<hbm>>
      tpu.wait_dma2 semaphore(%arg16 : memref<!tpu.dma_semaphore, #tpu.memory_space<semaphore_mem>>) src(%dma_wait3A_152 : memref<800xi32, #tpu.memory_space<hbm>>) dst(%arg8 : memref<800xi32, #tpu.memory_space<vmem>>)
      %dma_start3A_153 = arith.constant 0 : i32
      %dma_start3A_154 = arith.constant 0 : i32
      %dma_start3A_155 = tpu.memref_slice %arg2[%dma_start3A_153, %dma_start3A_154] : memref<400000x16xf32, #tpu.memory_space<hbm>> -> memref<400000x16xf32, #tpu.memory_space<hbm>>
      tpu.enqueue_indirect_dma source(%dma_start3A_155 : memref<400000x16xf32, #tpu.memory_space<hbm>>) target(%arg11 : memref<800x16xf32, #tpu.memory_space<vmem>>) offsets(%arg7 : memref<800xi32, #tpu.memory_space<vmem>>) semaphore(%arg14 : memref<!tpu.dma_semaphore, #tpu.memory_space<semaphore_mem>>)
      %add3A_156 = arith.constant 1 : i32
      %add3A_157 = arith.addi %mul3A_112, %add3A_156 : i32
      %dma_wait3A_158 = arith.constant 0 : i32
      %dma_wait3A_159 = arith.constant 0 : i32
      %dma_wait3A_160 = tpu.memref_slice %arg2[%dma_wait3A_158, %dma_wait3A_159] : memref<400000x16xf32, #tpu.memory_space<hbm>> -> memref<400000x16xf32, #tpu.memory_space<hbm>>
      tpu.wait_indirect_dma semaphore(%arg15 : memref<!tpu.dma_semaphore, #tpu.memory_space<semaphore_mem>>) src(%dma_wait3A_160 : memref<400000x16xf32, #tpu.memory_space<hbm>>) dst(%arg12 : memref<800x16xf32, #tpu.memory_space<vmem>>)
      %dma_start3A_161 = arith.constant 0 : i32
      %dma_start3A_162 = arith.constant 0 : i32
      %dma_start3A_163 = tpu.memref_slice %arg13[%dma_start3A_161, %dma_start3A_162] : memref<100096x16xf32, #tpu.memory_space<vmem_shared>> -> memref<100096x16xf32, #tpu.memory_space<vmem_shared>>
      tpu.enqueue_indirect_dma source(%arg12 : memref<800x16xf32, #tpu.memory_space<vmem>>) target(%dma_start3A_163 : memref<100096x16xf32, #tpu.memory_space<vmem_shared>>) offsets(%arg10 : memref<800xi32, #tpu.memory_space<vmem>>) semaphore(%arg17 : memref<!tpu.dma_semaphore, #tpu.memory_space<semaphore_mem>>) {add = true}
      %dma_wait3A_164 = arith.constant 0 : i32
      %dma_wait3A_165 = arith.constant 0 : i32
      %dma_wait3A_166 = tpu.memref_slice %arg13[%dma_wait3A_164, %dma_wait3A_165] : memref<100096x16xf32, #tpu.memory_space<vmem_shared>> -> memref<100096x16xf32, #tpu.memory_space<vmem_shared>>
      tpu.wait_indirect_dma semaphore(%arg17 : memref<!tpu.dma_semaphore, #tpu.memory_space<semaphore_mem>>) src(%arg12 : memref<800x16xf32, #tpu.memory_space<vmem>>) dst(%dma_wait3A_166 : memref<100096x16xf32, #tpu.memory_space<vmem_shared>>)
    }
    %scan3A_30 = arith.constant 62 : i32
    %dma_wait3A_31 = arith.constant 0 : i32
    %dma_wait3A_32 = arith.constant 0 : i32
    %dma_wait3A_33 = tpu.memref_slice %arg2[%dma_wait3A_31, %dma_wait3A_32] : memref<400000x16xf32, #tpu.memory_space<hbm>> -> memref<400000x16xf32, #tpu.memory_space<hbm>>
    tpu.wait_indirect_dma semaphore(%arg14 : memref<!tpu.dma_semaphore, #tpu.memory_space<semaphore_mem>>) src(%dma_wait3A_33 : memref<400000x16xf32, #tpu.memory_space<hbm>>) dst(%arg11 : memref<800x16xf32, #tpu.memory_space<vmem>>)
    %dma_start3A_34 = arith.constant 0 : i32
    %dma_start3A_35 = arith.constant 0 : i32
    %dma_start3A_36 = tpu.memref_slice %arg13[%dma_start3A_34, %dma_start3A_35] : memref<100096x16xf32, #tpu.memory_space<vmem_shared>> -> memref<100096x16xf32, #tpu.memory_space<vmem_shared>>
    tpu.enqueue_indirect_dma source(%arg11 : memref<800x16xf32, #tpu.memory_space<vmem>>) target(%dma_start3A_36 : memref<100096x16xf32, #tpu.memory_space<vmem_shared>>) offsets(%arg8 : memref<800xi32, #tpu.memory_space<vmem>>) semaphore(%arg17 : memref<!tpu.dma_semaphore, #tpu.memory_space<semaphore_mem>>) {add = true}
    %dma_wait3A_37 = arith.constant 0 : i32
    %dma_wait3A_38 = arith.constant 0 : i32
    %dma_wait3A_39 = tpu.memref_slice %arg13[%dma_wait3A_37, %dma_wait3A_38] : memref<100096x16xf32, #tpu.memory_space<vmem_shared>> -> memref<100096x16xf32, #tpu.memory_space<vmem_shared>>
    tpu.wait_indirect_dma semaphore(%arg17 : memref<!tpu.dma_semaphore, #tpu.memory_space<semaphore_mem>>) src(%arg11 : memref<800x16xf32, #tpu.memory_space<vmem>>) dst(%dma_wait3A_39 : memref<100096x16xf32, #tpu.memory_space<vmem_shared>>)
    %barrier3A_40 = arith.constant 0 : index
    tpu.barrier barrier_id(%barrier3A_40)
    %mul3A_41 = arith.constant 100096 : i32
    %mul3A_42 = arith.muli %add3A_3, %mul3A_41 : i32
    %add3A_43 = arith.addi %mul3A_42, %mul3A_0 : i32
    %dma_start3A_44 = arith.constant 0 : i32
    %dma_start3A_45 = tpu.memref_slice %arg6[%add3A_43, %dma_start3A_44] : memref<400384x16xf32, #tpu.memory_space<hbm>> -> memref<6256x16xf32, #tpu.memory_space<hbm>>
    %dma_start3A_46 = arith.constant 0 : i32
    %dma_start3A_47 = tpu.memref_slice %arg13[%mul3A_0, %dma_start3A_46] : memref<100096x16xf32, #tpu.memory_space<vmem_shared>> -> memref<6256x16xf32, #tpu.memory_space<vmem_shared>>
    tpu.enqueue_dma source(%dma_start3A_47 : memref<6256x16xf32, #tpu.memory_space<vmem_shared>>) target(%dma_start3A_45 : memref<6256x16xf32, #tpu.memory_space<hbm>>) target_semaphore(%arg18 : memref<!tpu.dma_semaphore, #tpu.memory_space<semaphore_mem>>)
    %dma_wait3A_48 = arith.constant 0 : i32
    %dma_wait3A_49 = tpu.memref_slice %arg6[%add3A_43, %dma_wait3A_48] : memref<400384x16xf32, #tpu.memory_space<hbm>> -> memref<6256x16xf32, #tpu.memory_space<hbm>>
    %dma_wait3A_50 = arith.constant 0 : i32
    %dma_wait3A_51 = tpu.memref_slice %arg13[%mul3A_0, %dma_wait3A_50] : memref<100096x16xf32, #tpu.memory_space<vmem_shared>> -> memref<6256x16xf32, #tpu.memory_space<vmem_shared>>
    tpu.wait_dma2 semaphore(%arg18 : memref<!tpu.dma_semaphore, #tpu.memory_space<semaphore_mem>>) src(%dma_wait3A_51 : memref<6256x16xf32, #tpu.memory_space<vmem_shared>>) dst(%dma_wait3A_49 : memref<6256x16xf32, #tpu.memory_space<hbm>>)
    %barrier3A_52 = arith.constant 0 : index
    tpu.barrier barrier_id(%barrier3A_52)
    %mul3A_53 = arith.constant 2 : i32
    %mul3A_54 = arith.muli %mul3A_53, %arg0 : i32
    %add3A_55 = arith.constant 1 : i32
    %add3A_56 = arith.addi %mul3A_54, %add3A_55 : i32
    %dma_start3A_57 = arith.constant 0 : i32
    %dma_start3A_58 = tpu.memref_slice %arg13[%mul3A_0, %dma_start3A_57] : memref<100096x16xf32, #tpu.memory_space<vmem_shared>> -> memref<6256x16xf32, #tpu.memory_space<vmem_shared>>
    tpu.enqueue_dma source(%arg5 : memref<6256x16xf32, #tpu.memory_space<hbm>>) target(%dma_start3A_58 : memref<6256x16xf32, #tpu.memory_space<vmem_shared>>) target_semaphore(%arg18 : memref<!tpu.dma_semaphore, #tpu.memory_space<semaphore_mem>>)
    %dma_wait3A_59 = arith.constant 0 : i32
    %dma_wait3A_60 = tpu.memref_slice %arg13[%mul3A_0, %dma_wait3A_59] : memref<100096x16xf32, #tpu.memory_space<vmem_shared>> -> memref<6256x16xf32, #tpu.memory_space<vmem_shared>>
    tpu.wait_dma2 semaphore(%arg18 : memref<!tpu.dma_semaphore, #tpu.memory_space<semaphore_mem>>) src(%arg5 : memref<6256x16xf32, #tpu.memory_space<hbm>>) dst(%dma_wait3A_60 : memref<6256x16xf32, #tpu.memory_space<vmem_shared>>)
    %barrier3A_61 = arith.constant 0 : index
    tpu.barrier barrier_id(%barrier3A_61)
    %mul3A_62 = arith.constant 1600000 : i32
    %mul3A_63 = arith.muli %add3A_56, %mul3A_62 : i32
    %mul3A_64 = arith.constant 125 : i32
    %mul3A_65 = arith.muli %arg1, %mul3A_64 : i32
    %add3A_66 = arith.constant 0 : i32
    %add3A_67 = arith.addi %mul3A_65, %add3A_66 : i32
    %mul3A_68 = arith.constant 800 : i32
    %mul3A_69 = arith.muli %add3A_67, %mul3A_68 : i32
    %add3A_70 = arith.addi %mul3A_63, %mul3A_69 : i32
    %dma_start3A_71 = tpu.memref_slice %arg3[%add3A_70] : memref<6400000xi32, #tpu.memory_space<hbm>> -> memref<800xi32, #tpu.memory_space<hbm>>
    %dma_start3A_72 = tpu.memref_slice %arg3[%add3A_70] : memref<6400000xi32, #tpu.memory_space<hbm>> -> memref<800xi32, #tpu.memory_space<hbm>>
    tpu.enqueue_dma source(%dma_start3A_72 : memref<800xi32, #tpu.memory_space<hbm>>) target(%arg7 : memref<800xi32, #tpu.memory_space<vmem>>) target_semaphore(%arg16 : memref<!tpu.dma_semaphore, #tpu.memory_space<semaphore_mem>>)
    %dma_wait3A_73 = tpu.memref_slice %arg3[%add3A_70] : memref<6400000xi32, #tpu.memory_space<hbm>> -> memref<800xi32, #tpu.memory_space<hbm>>
    %dma_wait3A_74 = tpu.memref_slice %arg3[%add3A_70] : memref<6400000xi32, #tpu.memory_space<hbm>> -> memref<800xi32, #tpu.memory_space<hbm>>
    tpu.wait_dma2 semaphore(%arg16 : memref<!tpu.dma_semaphore, #tpu.memory_space<semaphore_mem>>) src(%dma_wait3A_74 : memref<800xi32, #tpu.memory_space<hbm>>) dst(%arg7 : memref<800xi32, #tpu.memory_space<vmem>>)
    %dma_start3A_75 = tpu.memref_slice %arg4[%mul3A_69] : memref<1600000xi32, #tpu.memory_space<hbm>> -> memref<800xi32, #tpu.memory_space<hbm>>
    %dma_start3A_76 = tpu.memref_slice %arg4[%mul3A_69] : memref<1600000xi32, #tpu.memory_space<hbm>> -> memref<800xi32, #tpu.memory_space<hbm>>
    tpu.enqueue_dma source(%dma_start3A_76 : memref<800xi32, #tpu.memory_space<hbm>>) target(%arg8 : memref<800xi32, #tpu.memory_space<vmem>>) target_semaphore(%arg16 : memref<!tpu.dma_semaphore, #tpu.memory_space<semaphore_mem>>)
    %dma_wait3A_77 = tpu.memref_slice %arg4[%mul3A_69] : memref<1600000xi32, #tpu.memory_space<hbm>> -> memref<800xi32, #tpu.memory_space<hbm>>
    %dma_wait3A_78 = tpu.memref_slice %arg4[%mul3A_69] : memref<1600000xi32, #tpu.memory_space<hbm>> -> memref<800xi32, #tpu.memory_space<hbm>>
    tpu.wait_dma2 semaphore(%arg16 : memref<!tpu.dma_semaphore, #tpu.memory_space<semaphore_mem>>) src(%dma_wait3A_78 : memref<800xi32, #tpu.memory_space<hbm>>) dst(%arg8 : memref<800xi32, #tpu.memory_space<vmem>>)
    %dma_start3A_79 = arith.constant 0 : i32
    %dma_start3A_80 = arith.constant 0 : i32
    %dma_start3A_81 = tpu.memref_slice %arg2[%dma_start3A_79, %dma_start3A_80] : memref<400000x16xf32, #tpu.memory_space<hbm>> -> memref<400000x16xf32, #tpu.memory_space<hbm>>
    tpu.enqueue_indirect_dma source(%dma_start3A_81 : memref<400000x16xf32, #tpu.memory_space<hbm>>) target(%arg11 : memref<800x16xf32, #tpu.memory_space<vmem>>) offsets(%arg7 : memref<800xi32, #tpu.memory_space<vmem>>) semaphore(%arg14 : memref<!tpu.dma_semaphore, #tpu.memory_space<semaphore_mem>>)
    %scan3A_82 = arith.constant 0 : i32
    %scan3A_83 = arith.constant 0 : i32
    %scan3A_84 = arith.constant 62 : i32
    %scan3A_85 = arith.addi %scan3A_83, %scan3A_84 : i32
    %scan3A_86 = arith.constant 1 : i32
    scf.for %scan3A_110 = %scan3A_83 to %scan3A_85 step %scan3A_86  : i32 {
      %mul3A_111 = arith.constant 2 : i32
      %mul3A_112 = arith.muli %mul3A_111, %scan3A_110 : i32
      %add3A_113 = arith.constant 1 : i32
      %add3A_114 = arith.addi %mul3A_112, %add3A_113 : i32
      %add3A_115 = arith.addi %mul3A_65, %add3A_114 : i32
      %mul3A_116 = arith.constant 800 : i32
      %mul3A_117 = arith.muli %add3A_115, %mul3A_116 : i32
      %add3A_118 = arith.addi %mul3A_63, %mul3A_117 : i32
      %dma_start3A_119 = tpu.memref_slice %arg3[%add3A_118] : memref<6400000xi32, #tpu.memory_space<hbm>> -> memref<800xi32, #tpu.memory_space<hbm>>
      %dma_start3A_120 = tpu.memref_slice %arg3[%add3A_118] : memref<6400000xi32, #tpu.memory_space<hbm>> -> memref<800xi32, #tpu.memory_space<hbm>>
      tpu.enqueue_dma source(%dma_start3A_120 : memref<800xi32, #tpu.memory_space<hbm>>) target(%arg9 : memref<800xi32, #tpu.memory_space<vmem>>) target_semaphore(%arg16 : memref<!tpu.dma_semaphore, #tpu.memory_space<semaphore_mem>>)
      %dma_wait3A_121 = tpu.memref_slice %arg3[%add3A_118] : memref<6400000xi32, #tpu.memory_space<hbm>> -> memref<800xi32, #tpu.memory_space<hbm>>
      %dma_wait3A_122 = tpu.memref_slice %arg3[%add3A_118] : memref<6400000xi32, #tpu.memory_space<hbm>> -> memref<800xi32, #tpu.memory_space<hbm>>
      tpu.wait_dma2 semaphore(%arg16 : memref<!tpu.dma_semaphore, #tpu.memory_space<semaphore_mem>>) src(%dma_wait3A_122 : memref<800xi32, #tpu.memory_space<hbm>>) dst(%arg9 : memref<800xi32, #tpu.memory_space<vmem>>)
      %dma_start3A_123 = tpu.memref_slice %arg4[%mul3A_117] : memref<1600000xi32, #tpu.memory_space<hbm>> -> memref<800xi32, #tpu.memory_space<hbm>>
      %dma_start3A_124 = tpu.memref_slice %arg4[%mul3A_117] : memref<1600000xi32, #tpu.memory_space<hbm>> -> memref<800xi32, #tpu.memory_space<hbm>>
      tpu.enqueue_dma source(%dma_start3A_124 : memref<800xi32, #tpu.memory_space<hbm>>) target(%arg10 : memref<800xi32, #tpu.memory_space<vmem>>) target_semaphore(%arg16 : memref<!tpu.dma_semaphore, #tpu.memory_space<semaphore_mem>>)
      %dma_wait3A_125 = tpu.memref_slice %arg4[%mul3A_117] : memref<1600000xi32, #tpu.memory_space<hbm>> -> memref<800xi32, #tpu.memory_space<hbm>>
      %dma_wait3A_126 = tpu.memref_slice %arg4[%mul3A_117] : memref<1600000xi32, #tpu.memory_space<hbm>> -> memref<800xi32, #tpu.memory_space<hbm>>
      tpu.wait_dma2 semaphore(%arg16 : memref<!tpu.dma_semaphore, #tpu.memory_space<semaphore_mem>>) src(%dma_wait3A_126 : memref<800xi32, #tpu.memory_space<hbm>>) dst(%arg10 : memref<800xi32, #tpu.memory_space<vmem>>)
      %dma_start3A_127 = arith.constant 0 : i32
      %dma_start3A_128 = arith.constant 0 : i32
      %dma_start3A_129 = tpu.memref_slice %arg2[%dma_start3A_127, %dma_start3A_128] : memref<400000x16xf32, #tpu.memory_space<hbm>> -> memref<400000x16xf32, #tpu.memory_space<hbm>>
      tpu.enqueue_indirect_dma source(%dma_start3A_129 : memref<400000x16xf32, #tpu.memory_space<hbm>>) target(%arg12 : memref<800x16xf32, #tpu.memory_space<vmem>>) offsets(%arg9 : memref<800xi32, #tpu.memory_space<vmem>>) semaphore(%arg15 : memref<!tpu.dma_semaphore, #tpu.memory_space<semaphore_mem>>)
      %dma_wait3A_130 = arith.constant 0 : i32
      %dma_wait3A_131 = arith.constant 0 : i32
      %dma_wait3A_132 = tpu.memref_slice %arg2[%dma_wait3A_130, %dma_wait3A_131] : memref<400000x16xf32, #tpu.memory_space<hbm>> -> memref<400000x16xf32, #tpu.memory_space<hbm>>
      tpu.wait_indirect_dma semaphore(%arg14 : memref<!tpu.dma_semaphore, #tpu.memory_space<semaphore_mem>>) src(%dma_wait3A_132 : memref<400000x16xf32, #tpu.memory_space<hbm>>) dst(%arg11 : memref<800x16xf32, #tpu.memory_space<vmem>>)
      %dma_start3A_133 = arith.constant 0 : i32
      %dma_start3A_134 = arith.constant 0 : i32
      %dma_start3A_135 = tpu.memref_slice %arg13[%dma_start3A_133, %dma_start3A_134] : memref<100096x16xf32, #tpu.memory_space<vmem_shared>> -> memref<100096x16xf32, #tpu.memory_space<vmem_shared>>
      tpu.enqueue_indirect_dma source(%arg11 : memref<800x16xf32, #tpu.memory_space<vmem>>) target(%dma_start3A_135 : memref<100096x16xf32, #tpu.memory_space<vmem_shared>>) offsets(%arg8 : memref<800xi32, #tpu.memory_space<vmem>>) semaphore(%arg17 : memref<!tpu.dma_semaphore, #tpu.memory_space<semaphore_mem>>) {add = true}
      %dma_wait3A_136 = arith.constant 0 : i32
      %dma_wait3A_137 = arith.constant 0 : i32
      %dma_wait3A_138 = tpu.memref_slice %arg13[%dma_wait3A_136, %dma_wait3A_137] : memref<100096x16xf32, #tpu.memory_space<vmem_shared>> -> memref<100096x16xf32, #tpu.memory_space<vmem_shared>>
      tpu.wait_indirect_dma semaphore(%arg17 : memref<!tpu.dma_semaphore, #tpu.memory_space<semaphore_mem>>) src(%arg11 : memref<800x16xf32, #tpu.memory_space<vmem>>) dst(%dma_wait3A_138 : memref<100096x16xf32, #tpu.memory_space<vmem_shared>>)
      %add3A_139 = arith.constant 2 : i32
      %add3A_140 = arith.addi %mul3A_112, %add3A_139 : i32
      %add3A_141 = arith.addi %mul3A_65, %add3A_140 : i32
      %mul3A_142 = arith.constant 800 : i32
      %mul3A_143 = arith.muli %add3A_141, %mul3A_142 : i32
      %add3A_144 = arith.addi %mul3A_63, %mul3A_143 : i32
      %dma_start3A_145 = tpu.memref_slice %arg3[%add3A_144] : memref<6400000xi32, #tpu.memory_space<hbm>> -> memref<800xi32, #tpu.memory_space<hbm>>
      %dma_start3A_146 = tpu.memref_slice %arg3[%add3A_144] : memref<6400000xi32, #tpu.memory_space<hbm>> -> memref<800xi32, #tpu.memory_space<hbm>>
      tpu.enqueue_dma source(%dma_start3A_146 : memref<800xi32, #tpu.memory_space<hbm>>) target(%arg7 : memref<800xi32, #tpu.memory_space<vmem>>) target_semaphore(%arg16 : memref<!tpu.dma_semaphore, #tpu.memory_space<semaphore_mem>>)
      %dma_wait3A_147 = tpu.memref_slice %arg3[%add3A_144] : memref<6400000xi32, #tpu.memory_space<hbm>> -> memref<800xi32, #tpu.memory_space<hbm>>
      %dma_wait3A_148 = tpu.memref_slice %arg3[%add3A_144] : memref<6400000xi32, #tpu.memory_space<hbm>> -> memref<800xi32, #tpu.memory_space<hbm>>
      tpu.wait_dma2 semaphore(%arg16 : memref<!tpu.dma_semaphore, #tpu.memory_space<semaphore_mem>>) src(%dma_wait3A_148 : memref<800xi32, #tpu.memory_space<hbm>>) dst(%arg7 : memref<800xi32, #tpu.memory_space<vmem>>)
      %dma_start3A_149 = tpu.memref_slice %arg4[%mul3A_143] : memref<1600000xi32, #tpu.memory_space<hbm>> -> memref<800xi32, #tpu.memory_space<hbm>>
      %dma_start3A_150 = tpu.memref_slice %arg4[%mul3A_143] : memref<1600000xi32, #tpu.memory_space<hbm>> -> memref<800xi32, #tpu.memory_space<hbm>>
      tpu.enqueue_dma source(%dma_start3A_150 : memref<800xi32, #tpu.memory_space<hbm>>) target(%arg8 : memref<800xi32, #tpu.memory_space<vmem>>) target_semaphore(%arg16 : memref<!tpu.dma_semaphore, #tpu.memory_space<semaphore_mem>>)
      %dma_wait3A_151 = tpu.memref_slice %arg4[%mul3A_143] : memref<1600000xi32, #tpu.memory_space<hbm>> -> memref<800xi32, #tpu.memory_space<hbm>>
      %dma_wait3A_152 = tpu.memref_slice %arg4[%mul3A_143] : memref<1600000xi32, #tpu.memory_space<hbm>> -> memref<800xi32, #tpu.memory_space<hbm>>
      tpu.wait_dma2 semaphore(%arg16 : memref<!tpu.dma_semaphore, #tpu.memory_space<semaphore_mem>>) src(%dma_wait3A_152 : memref<800xi32, #tpu.memory_space<hbm>>) dst(%arg8 : memref<800xi32, #tpu.memory_space<vmem>>)
      %dma_start3A_153 = arith.constant 0 : i32
      %dma_start3A_154 = arith.constant 0 : i32
      %dma_start3A_155 = tpu.memref_slice %arg2[%dma_start3A_153, %dma_start3A_154] : memref<400000x16xf32, #tpu.memory_space<hbm>> -> memref<400000x16xf32, #tpu.memory_space<hbm>>
      tpu.enqueue_indirect_dma source(%dma_start3A_155 : memref<400000x16xf32, #tpu.memory_space<hbm>>) target(%arg11 : memref<800x16xf32, #tpu.memory_space<vmem>>) offsets(%arg7 : memref<800xi32, #tpu.memory_space<vmem>>) semaphore(%arg14 : memref<!tpu.dma_semaphore, #tpu.memory_space<semaphore_mem>>)
      %add3A_156 = arith.constant 1 : i32
      %add3A_157 = arith.addi %mul3A_112, %add3A_156 : i32
      %dma_wait3A_158 = arith.constant 0 : i32
      %dma_wait3A_159 = arith.constant 0 : i32
      %dma_wait3A_160 = tpu.memref_slice %arg2[%dma_wait3A_158, %dma_wait3A_159] : memref<400000x16xf32, #tpu.memory_space<hbm>> -> memref<400000x16xf32, #tpu.memory_space<hbm>>
      tpu.wait_indirect_dma semaphore(%arg15 : memref<!tpu.dma_semaphore, #tpu.memory_space<semaphore_mem>>) src(%dma_wait3A_160 : memref<400000x16xf32, #tpu.memory_space<hbm>>) dst(%arg12 : memref<800x16xf32, #tpu.memory_space<vmem>>)
      %dma_start3A_161 = arith.constant 0 : i32
      %dma_start3A_162 = arith.constant 0 : i32
      %dma_start3A_163 = tpu.memref_slice %arg13[%dma_start3A_161, %dma_start3A_162] : memref<100096x16xf32, #tpu.memory_space<vmem_shared>> -> memref<100096x16xf32, #tpu.memory_space<vmem_shared>>
      tpu.enqueue_indirect_dma source(%arg12 : memref<800x16xf32, #tpu.memory_space<vmem>>) target(%dma_start3A_163 : memref<100096x16xf32, #tpu.memory_space<vmem_shared>>) offsets(%arg10 : memref<800xi32, #tpu.memory_space<vmem>>) semaphore(%arg17 : memref<!tpu.dma_semaphore, #tpu.memory_space<semaphore_mem>>) {add = true}
      %dma_wait3A_164 = arith.constant 0 : i32
      %dma_wait3A_165 = arith.constant 0 : i32
      %dma_wait3A_166 = tpu.memref_slice %arg13[%dma_wait3A_164, %dma_wait3A_165] : memref<100096x16xf32, #tpu.memory_space<vmem_shared>> -> memref<100096x16xf32, #tpu.memory_space<vmem_shared>>
      tpu.wait_indirect_dma semaphore(%arg17 : memref<!tpu.dma_semaphore, #tpu.memory_space<semaphore_mem>>) src(%arg12 : memref<800x16xf32, #tpu.memory_space<vmem>>) dst(%dma_wait3A_166 : memref<100096x16xf32, #tpu.memory_space<vmem_shared>>)
    }
    %scan3A_87 = arith.constant 62 : i32
    %dma_wait3A_88 = arith.constant 0 : i32
    %dma_wait3A_89 = arith.constant 0 : i32
    %dma_wait3A_90 = tpu.memref_slice %arg2[%dma_wait3A_88, %dma_wait3A_89] : memref<400000x16xf32, #tpu.memory_space<hbm>> -> memref<400000x16xf32, #tpu.memory_space<hbm>>
    tpu.wait_indirect_dma semaphore(%arg14 : memref<!tpu.dma_semaphore, #tpu.memory_space<semaphore_mem>>) src(%dma_wait3A_90 : memref<400000x16xf32, #tpu.memory_space<hbm>>) dst(%arg11 : memref<800x16xf32, #tpu.memory_space<vmem>>)
    %dma_start3A_91 = arith.constant 0 : i32
    %dma_start3A_92 = arith.constant 0 : i32
    %dma_start3A_93 = tpu.memref_slice %arg13[%dma_start3A_91, %dma_start3A_92] : memref<100096x16xf32, #tpu.memory_space<vmem_shared>> -> memref<100096x16xf32, #tpu.memory_space<vmem_shared>>
    tpu.enqueue_indirect_dma source(%arg11 : memref<800x16xf32, #tpu.memory_space<vmem>>) target(%dma_start3A_93 : memref<100096x16xf32, #tpu.memory_space<vmem_shared>>) offsets(%arg8 : memref<800xi32, #tpu.memory_space<vmem>>) semaphore(%arg17 : memref<!tpu.dma_semaphore, #tpu.memory_space<semaphore_mem>>) {add = true}
    %dma_wait3A_94 = arith.constant 0 : i32
    %dma_wait3A_95 = arith.constant 0 : i32
    %dma_wait3A_96 = tpu.memref_slice %arg13[%dma_wait3A_94, %dma_wait3A_95] : memref<100096x16xf32, #tpu.memory_space<vmem_shared>> -> memref<100096x16xf32, #tpu.memory_space<vmem_shared>>
    tpu.wait_indirect_dma semaphore(%arg17 : memref<!tpu.dma_semaphore, #tpu.memory_space<semaphore_mem>>) src(%arg11 : memref<800x16xf32, #tpu.memory_space<vmem>>) dst(%dma_wait3A_96 : memref<100096x16xf32, #tpu.memory_space<vmem_shared>>)
    %barrier3A_97 = arith.constant 0 : index
    tpu.barrier barrier_id(%barrier3A_97)
    %mul3A_98 = arith.constant 100096 : i32
    %mul3A_99 = arith.muli %add3A_56, %mul3A_98 : i32
    %add3A_100 = arith.addi %mul3A_99, %mul3A_0 : i32
    %dma_start3A_101 = arith.constant 0 : i32
    %dma_start3A_102 = tpu.memref_slice %arg6[%add3A_100, %dma_start3A_101] : memref<400384x16xf32, #tpu.memory_space<hbm>> -> memref<6256x16xf32, #tpu.memory_space<hbm>>
    %dma_start3A_103 = arith.constant 0 : i32
    %dma_start3A_104 = tpu.memref_slice %arg13[%mul3A_0, %dma_start3A_103] : memref<100096x16xf32, #tpu.memory_space<vmem_shared>> -> memref<6256x16xf32, #tpu.memory_space<vmem_shared>>
    tpu.enqueue_dma source(%dma_start3A_104 : memref<6256x16xf32, #tpu.memory_space<vmem_shared>>) target(%dma_start3A_102 : memref<6256x16xf32, #tpu.memory_space<hbm>>) target_semaphore(%arg18 : memref<!tpu.dma_semaphore, #tpu.memory_space<semaphore_mem>>)
    %dma_wait3A_105 = arith.constant 0 : i32
    %dma_wait3A_106 = tpu.memref_slice %arg6[%add3A_100, %dma_wait3A_105] : memref<400384x16xf32, #tpu.memory_space<hbm>> -> memref<6256x16xf32, #tpu.memory_space<hbm>>
    %dma_wait3A_107 = arith.constant 0 : i32
    %dma_wait3A_108 = tpu.memref_slice %arg13[%mul3A_0, %dma_wait3A_107] : memref<100096x16xf32, #tpu.memory_space<vmem_shared>> -> memref<6256x16xf32, #tpu.memory_space<vmem_shared>>
    tpu.wait_dma2 semaphore(%arg18 : memref<!tpu.dma_semaphore, #tpu.memory_space<semaphore_mem>>) src(%dma_wait3A_108 : memref<6256x16xf32, #tpu.memory_space<vmem_shared>>) dst(%dma_wait3A_106 : memref<6256x16xf32, #tpu.memory_space<hbm>>)
    %barrier3A_109 = arith.constant 0 : index
    tpu.barrier barrier_id(%barrier3A_109)
    return
  }
}

module attributes {stable_mosaic.version = 14 : i64} {
  func.func @_combine_body(%arg0: i32, %arg1: i32, %arg2: memref<2000x18xf32, #tpu.memory_space<vmem>>, %arg3: memref<2000x16xf32, #tpu.memory_space<vmem>>, %arg4: memref<2000x16xf32, #tpu.memory_space<vmem>>, %arg5: memref<22x18xf32, #tpu.memory_space<vmem>>, %arg6: memref<1x18xf32, #tpu.memory_space<vmem>>, %arg7: memref<2000x16xf32, #tpu.memory_space<vmem>>, %arg8: memref<2000x18xf32, #tpu.memory_space<vmem>>) attributes {dimension_semantics = [#tpu.dimension_semantics<arbitrary>, #tpu.dimension_semantics<arbitrary>], iteration_bounds = array<i64: 50, 2>, scalar_prefetch = 0 : i64, scratch_operands = 1 : i64, tpu.core_type = #tpu.core_type<tc>, window_params = [{transform_indices = @transform_0, window_bounds = array<i64: 2000, 18>}, {transform_indices = @transform_1, window_bounds = array<i64: 2000, 16>}, {transform_indices = @transform_2, window_bounds = array<i64: 2000, 16>}, {pipeline_mode = #tpu.pipeline_mode<synchronous>, transform_indices = @transform_3, window_bounds = array<i64: 22, 18>}, {pipeline_mode = #tpu.pipeline_mode<synchronous>, transform_indices = @transform_4, window_bounds = array<i64: 1, 18>}, {transform_indices = @transform_5, window_bounds = array<i64: 2000, 16>}]} {
    %eq3A = arith.constant 0 : i32
    %eq3A_0 = arith.cmpi eq, %arg1, %eq3A : i32
    %convert_element_type3A = arith.extui %eq3A_0 : i1 to i32
    %cond3A = arith.constant 0 : i32
    %cond3A_1 = arith.cmpi ne, %convert_element_type3A, %cond3A : i32
    scf.if %cond3A_1 {
      %get3A = arith.constant 0 : index
      %get3A_7 = arith.constant 0 : index
      %get3A_8 = vector.load %arg3[%get3A, %get3A_7] : memref<2000x16xf32, #tpu.memory_space<vmem>>, vector<2000x16xf32>
      %get3A_9 = arith.constant 0 : index
      %get3A_10 = arith.constant 8 : index
      %get3A_11 = vector.load %arg4[%get3A_9, %get3A_10] : memref<2000x16xf32, #tpu.memory_space<vmem>>, vector<2000x6xf32>
      %concatenate3A = tpu.concatenate %get3A_8, %get3A_11 in 1 : vector<2000x16xf32>, vector<2000x6xf32> -> vector<2000x22xf32>
      %get3A_12 = arith.constant 0 : index
      %get3A_13 = arith.constant 0 : index
      %get3A_14 = vector.load %arg2[%get3A_12, %get3A_13] : memref<2000x18xf32, #tpu.memory_space<vmem>>, vector<2000x18xf32>
      %get3A_15 = arith.constant 0 : index
      %get3A_16 = arith.constant 0 : index
      %get3A_17 = vector.load %arg5[%get3A_15, %get3A_16] : memref<22x18xf32, #tpu.memory_space<vmem>>, vector<22x18xf32>
      %dot_general3A = arith.constant dense<0.000000e+00> : vector<2000x18xf32>
      %dot_general3A_18 = tpu.matmul %concatenate3A, %get3A_17, %dot_general3A {dimension_numbers = #tpu.dot_dimension_numbers<[1], [0], [0], [1], [0, 0, 1, 1], [], []>, transpose_lhs_hint = false} : vector<2000x22xf32>, vector<22x18xf32>, vector<2000x18xf32> -> vector<2000x18xf32>
      %add3A = arith.addf %get3A_14, %dot_general3A_18 : vector<2000x18xf32>
      %get3A_19 = arith.constant 0 : index
      %get3A_20 = arith.constant 14 : index
      %get3A_21 = vector.load %arg4[%get3A_19, %get3A_20] : memref<2000x16xf32, #tpu.memory_space<vmem>>, vector<2000x1xf32>
      %get3A_22 = arith.constant 0 : index
      %get3A_23 = arith.constant 0 : index
      %get3A_24 = vector.load %arg6[%get3A_22, %get3A_23] : memref<1x18xf32, #tpu.memory_space<vmem>>, vector<1x18xf32>
      %mul3A = vector.broadcast %get3A_21 : vector<2000x1xf32> to vector<2000x18xf32>
      %mul3A_25 = vector.broadcast %get3A_24 : vector<1x18xf32> to vector<2000x18xf32>
      %mul3A_26 = arith.mulf %mul3A, %mul3A_25 : vector<2000x18xf32>
      %add3A_27 = arith.addf %add3A, %mul3A_26 : vector<2000x18xf32>
      %swap3A = arith.constant 0 : index
      %swap3A_28 = arith.constant 0 : index
      %swap3A_29 = vector.load %arg8[%swap3A, %swap3A_28] : memref<2000x18xf32, #tpu.memory_space<vmem>>, vector<2000x18xf32>
      tpu.vector_store %arg8[%swap3A, %swap3A_28], %add3A_27 {strides = array<i32>} : memref<2000x18xf32, #tpu.memory_space<vmem>>, vector<2000x18xf32>,
      %get3A_30 = arith.constant 0 : index
      %get3A_31 = arith.constant 0 : index
      %get3A_32 = vector.load %arg8[%get3A_30, %get3A_31] : memref<2000x18xf32, #tpu.memory_space<vmem>>, vector<2000x16xf32>
      %swap3A_33 = arith.constant 0 : index
      %swap3A_34 = arith.constant 0 : index
      %swap3A_35 = vector.load %arg7[%swap3A_33, %swap3A_34] : memref<2000x16xf32, #tpu.memory_space<vmem>>, vector<2000x16xf32>
      tpu.vector_store %arg7[%swap3A_33, %swap3A_34], %get3A_32 {strides = array<i32>} : memref<2000x16xf32, #tpu.memory_space<vmem>>, vector<2000x16xf32>,
    } else {
    }
    %eq3A_2 = arith.constant 1 : i32
    %eq3A_3 = arith.cmpi eq, %arg1, %eq3A_2 : i32
    %convert_element_type3A_4 = arith.extui %eq3A_3 : i1 to i32
    %cond3A_5 = arith.constant 0 : i32
    %cond3A_6 = arith.cmpi ne, %convert_element_type3A_4, %cond3A_5 : i32
    scf.if %cond3A_6 {
      %get3A = arith.constant 0 : index
      %get3A_7 = arith.constant 16 : index
      %get3A_8 = vector.load %arg8[%get3A, %get3A_7] : memref<2000x18xf32, #tpu.memory_space<vmem>>, vector<2000x2xf32>
      %broadcast_in_dim3A = arith.constant 1.000000e+00 : f32
      %broadcast_in_dim3A_9 = vector.broadcast %broadcast_in_dim3A : f32 to vector<2000x1xf32>
      %broadcast_in_dim3A_10 = arith.constant 0.000000e+00 : f32
      %broadcast_in_dim3A_11 = vector.broadcast %broadcast_in_dim3A_10 : f32 to vector<2000x13xf32>
      %concatenate3A = tpu.concatenate %get3A_8, %broadcast_in_dim3A_9, %broadcast_in_dim3A_11 in 1 : vector<2000x2xf32>, vector<2000x1xf32>, vector<2000x13xf32> -> vector<2000x16xf32>
      %swap3A = arith.constant 0 : index
      %swap3A_12 = arith.constant 0 : index
      %swap3A_13 = vector.load %arg7[%swap3A, %swap3A_12] : memref<2000x16xf32, #tpu.memory_space<vmem>>, vector<2000x16xf32>
      tpu.vector_store %arg7[%swap3A, %swap3A_12], %concatenate3A {strides = array<i32>} : memref<2000x16xf32, #tpu.memory_space<vmem>>, vector<2000x16xf32>,
    } else {
    }
    return
  }
  func.func @transform_0(%arg0: i32, %arg1: i32) -> (i32, i32) {
    %c0_i32 = arith.constant 0 : i32
    %c0_i32_0 = arith.constant 0 : i32
    return %arg0, %c0_i32 : i32, i32
  }
  func.func @transform_1(%arg0: i32, %arg1: i32) -> (i32, i32) {
    %c0_i32 = arith.constant 0 : i32
    %c0_i32_0 = arith.constant 0 : i32
    return %arg0, %c0_i32 : i32, i32
  }
  func.func @transform_2(%arg0: i32, %arg1: i32) -> (i32, i32) {
    %c0_i32 = arith.constant 0 : i32
    %c0_i32_0 = arith.constant 0 : i32
    return %arg0, %c0_i32 : i32, i32
  }
  func.func @transform_3(%arg0: i32, %arg1: i32) -> (i32, i32) {
    %c0_i32 = arith.constant 0 : i32
    %c0_i32_0 = arith.constant 0 : i32
    %c0_i32_1 = arith.constant 0 : i32
    return %c0_i32, %c0_i32_0 : i32, i32
  }
  func.func @transform_4(%arg0: i32, %arg1: i32) -> (i32, i32) {
    %c0_i32 = arith.constant 0 : i32
    %c0_i32_0 = arith.constant 0 : i32
    %c0_i32_1 = arith.constant 0 : i32
    return %c0_i32, %c0_i32_0 : i32, i32
  }
  func.func @transform_5(%arg0: i32, %arg1: i32) -> (i32, i32) {
    %mul3A = arith.constant 50 : i32
    %mul3A_0 = arith.muli %arg1, %mul3A : i32
    %add3A = arith.addi %mul3A_0, %arg0 : i32
    %c0_i32 = arith.constant 0 : i32
    %c0_i32_1 = arith.constant 0 : i32
    return %add3A, %c0_i32 : i32, i32
  }
}

module attributes {stable_mosaic.version = 14 : i64} {
  func.func @_conv1_body(%arg0: i32, %arg1: i32, %arg2: memref<2000x16xf32, #tpu.memory_space<vmem>>, %arg3: memref<2000x16xf32, #tpu.memory_space<vmem>>, %arg4: memref<2000x16xf32, #tpu.memory_space<vmem>>, %arg5: memref<2000x16xf32, #tpu.memory_space<vmem>>, %arg6: memref<18x64xf32, #tpu.memory_space<vmem>>, %arg7: memref<18x64xf32, #tpu.memory_space<vmem>>, %arg8: memref<1x64xf32, #tpu.memory_space<vmem>>, %arg9: memref<64x64xf32, #tpu.memory_space<vmem>>, %arg10: memref<2000x16xf32, #tpu.memory_space<vmem>>, %arg11: memref<2000x64xf32, #tpu.memory_space<vmem>>, %arg12: memref<2000x1xf32, #tpu.memory_space<vmem>>, %arg13: memref<2000x64xf32, #tpu.memory_space<vmem>>) attributes {dimension_semantics = [#tpu.dimension_semantics<arbitrary>, #tpu.dimension_semantics<arbitrary>], iteration_bounds = array<i64: 50, 4>, scalar_prefetch = 0 : i64, scratch_operands = 1 : i64, tpu.core_type = #tpu.core_type<tc>, window_params = [{transform_indices = @transform_0, window_bounds = array<i64: 2000, 16>}, {transform_indices = @transform_1, window_bounds = array<i64: 2000, 16>}, {transform_indices = @transform_2, window_bounds = array<i64: 2000, 16>}, {transform_indices = @transform_3, window_bounds = array<i64: 2000, 16>}, {pipeline_mode = #tpu.pipeline_mode<synchronous>, transform_indices = @transform_4, window_bounds = array<i64: 18, 64>}, {pipeline_mode = #tpu.pipeline_mode<synchronous>, transform_indices = @transform_5, window_bounds = array<i64: 18, 64>}, {pipeline_mode = #tpu.pipeline_mode<synchronous>, transform_indices = @transform_6, window_bounds = array<i64: 1, 64>}, {pipeline_mode = #tpu.pipeline_mode<synchronous>, transform_indices = @transform_7, window_bounds = array<i64: 64, 64>}, {transform_indices = @transform_8, window_bounds = array<i64: 2000, 16>}, {transform_indices = @transform_9, window_bounds = array<i64: 2000, 64>}, {transform_indices = @transform_10, window_bounds = array<i64: 2000, 1>}]} {
    %eq3A = arith.constant 0 : i32
    %eq3A_0 = arith.cmpi eq, %arg1, %eq3A : i32
    %convert_element_type3A = arith.extui %eq3A_0 : i1 to i32
    %cond3A = arith.constant 0 : i32
    %cond3A_1 = arith.cmpi ne, %convert_element_type3A, %cond3A : i32
    scf.if %cond3A_1 {
      %get3A = arith.constant 0 : index
      %get3A_22 = arith.constant 2 : index
      %get3A_23 = vector.load %arg3[%get3A, %get3A_22] : memref<2000x16xf32, #tpu.memory_space<vmem>>, vector<2000x1xf32>
      %max3A = arith.constant 1.000000e+00 : f32
      %max3A_24 = vector.broadcast %max3A : f32 to vector<2000x1xf32>
      %max3A_25 = arith.maximumf %get3A_23, %max3A_24 : vector<2000x1xf32>
      %get3A_26 = arith.constant 0 : index
      %get3A_27 = arith.constant 0 : index
      %get3A_28 = vector.load %arg2[%get3A_26, %get3A_27] : memref<2000x16xf32, #tpu.memory_space<vmem>>, vector<2000x16xf32>
      %get3A_29 = arith.constant 0 : index
      %get3A_30 = arith.constant 0 : index
      %get3A_31 = vector.load %arg3[%get3A_29, %get3A_30] : memref<2000x16xf32, #tpu.memory_space<vmem>>, vector<2000x2xf32>
      %concatenate3A = tpu.concatenate %get3A_28, %get3A_31 in 1 : vector<2000x16xf32>, vector<2000x2xf32> -> vector<2000x18xf32>
      %div3A = vector.broadcast %max3A_25 : vector<2000x1xf32> to vector<2000x18xf32>
      %div3A_32 = arith.divf %concatenate3A, %div3A : vector<2000x18xf32>
      %get3A_33 = arith.constant 0 : index
      %get3A_34 = arith.constant 0 : index
      %get3A_35 = vector.load %arg4[%get3A_33, %get3A_34] : memref<2000x16xf32, #tpu.memory_space<vmem>>, vector<2000x16xf32>
      %get3A_36 = arith.constant 0 : index
      %get3A_37 = arith.constant 0 : index
      %get3A_38 = vector.load %arg5[%get3A_36, %get3A_37] : memref<2000x16xf32, #tpu.memory_space<vmem>>, vector<2000x2xf32>
      %concatenate3A_39 = tpu.concatenate %get3A_35, %get3A_38 in 1 : vector<2000x16xf32>, vector<2000x2xf32> -> vector<2000x18xf32>
      %get3A_40 = arith.constant 0 : index
      %get3A_41 = arith.constant 0 : index
      %get3A_42 = vector.load %arg6[%get3A_40, %get3A_41] : memref<18x64xf32, #tpu.memory_space<vmem>>, vector<18x64xf32>
      %dot_general3A = arith.constant dense<0.000000e+00> : vector<2000x64xf32>
      %dot_general3A_43 = tpu.matmul %div3A_32, %get3A_42, %dot_general3A {dimension_numbers = #tpu.dot_dimension_numbers<[1], [0], [0], [1], [0, 0, 1, 1], [], []>, transpose_lhs_hint = false} : vector<2000x18xf32>, vector<18x64xf32>, vector<2000x64xf32> -> vector<2000x64xf32>
      %get3A_44 = arith.constant 0 : index
      %get3A_45 = arith.constant 0 : index
      %get3A_46 = vector.load %arg7[%get3A_44, %get3A_45] : memref<18x64xf32, #tpu.memory_space<vmem>>, vector<18x64xf32>
      %dot_general3A_47 = arith.constant dense<0.000000e+00> : vector<2000x64xf32>
      %dot_general3A_48 = tpu.matmul %concatenate3A_39, %get3A_46, %dot_general3A_47 {dimension_numbers = #tpu.dot_dimension_numbers<[1], [0], [0], [1], [0, 0, 1, 1], [], []>, transpose_lhs_hint = false} : vector<2000x18xf32>, vector<18x64xf32>, vector<2000x64xf32> -> vector<2000x64xf32>
      %add3A = arith.addf %dot_general3A_43, %dot_general3A_48 : vector<2000x64xf32>
      %get3A_49 = arith.constant 0 : index
      %get3A_50 = arith.constant 0 : index
      %get3A_51 = vector.load %arg8[%get3A_49, %get3A_50] : memref<1x64xf32, #tpu.memory_space<vmem>>, vector<1x64xf32>
      %add3A_52 = vector.broadcast %get3A_51 : vector<1x64xf32> to vector<2000x64xf32>
      %add3A_53 = arith.addf %add3A, %add3A_52 : vector<2000x64xf32>
      %max3A_54 = arith.constant 0.000000e+00 : f32
      %max3A_55 = vector.broadcast %max3A_54 : f32 to vector<2000x64xf32>
      %max3A_56 = arith.maximumf %add3A_53, %max3A_55 : vector<2000x64xf32>
      %swap3A = arith.constant 0 : index
      %swap3A_57 = arith.constant 0 : index
      %swap3A_58 = vector.load %arg13[%swap3A, %swap3A_57] : memref<2000x64xf32, #tpu.memory_space<vmem>>, vector<2000x64xf32>
      tpu.vector_store %arg13[%swap3A, %swap3A_57], %max3A_56 {strides = array<i32>} : memref<2000x64xf32, #tpu.memory_space<vmem>>, vector<2000x64xf32>,
      %get3A_59 = arith.constant 0 : index
      %get3A_60 = arith.constant 0 : index
      %get3A_61 = vector.load %arg9[%get3A_59, %get3A_60] : memref<64x64xf32, #tpu.memory_space<vmem>>, vector<64x64xf32>
      %dot_general3A_62 = arith.constant dense<0.000000e+00> : vector<2000x64xf32>
      %dot_general3A_63 = tpu.matmul %max3A_56, %get3A_61, %dot_general3A_62 {dimension_numbers = #tpu.dot_dimension_numbers<[1], [0], [0], [1], [0, 0, 1, 1], [], []>, transpose_lhs_hint = false} : vector<2000x64xf32>, vector<64x64xf32>, vector<2000x64xf32> -> vector<2000x64xf32>
      %swap3A_64 = arith.constant 0 : index
      %swap3A_65 = arith.constant 0 : index
      %swap3A_66 = vector.load %arg11[%swap3A_64, %swap3A_65] : memref<2000x64xf32, #tpu.memory_space<vmem>>, vector<2000x64xf32>
      tpu.vector_store %arg11[%swap3A_64, %swap3A_65], %dot_general3A_63 {strides = array<i32>} : memref<2000x64xf32, #tpu.memory_space<vmem>>, vector<2000x64xf32>,
      %swap3A_67 = arith.constant 0 : index
      %swap3A_68 = arith.constant 0 : index
      %swap3A_69 = vector.load %arg12[%swap3A_67, %swap3A_68] : memref<2000x1xf32, #tpu.memory_space<vmem>>, vector<2000x1xf32>
      tpu.vector_store %arg12[%swap3A_67, %swap3A_68], %max3A_25 {strides = array<i32>} : memref<2000x1xf32, #tpu.memory_space<vmem>>, vector<2000x1xf32>,
    } else {
    }
    %eq3A_2 = arith.constant 0 : i32
    %eq3A_3 = arith.cmpi eq, %arg1, %eq3A_2 : i32
    %convert_element_type3A_4 = arith.extui %eq3A_3 : i1 to i32
    %cond3A_5 = arith.constant 0 : i32
    %cond3A_6 = arith.cmpi ne, %convert_element_type3A_4, %cond3A_5 : i32
    scf.if %cond3A_6 {
      %get3A = arith.constant 0 : index
      %get3A_22 = arith.constant 0 : index
      %get3A_23 = vector.load %arg13[%get3A, %get3A_22] : memref<2000x64xf32, #tpu.memory_space<vmem>>, vector<2000x16xf32>
      %swap3A = arith.constant 0 : index
      %swap3A_24 = arith.constant 0 : index
      %swap3A_25 = vector.load %arg10[%swap3A, %swap3A_24] : memref<2000x16xf32, #tpu.memory_space<vmem>>, vector<2000x16xf32>
      tpu.vector_store %arg10[%swap3A, %swap3A_24], %get3A_23 {strides = array<i32>} : memref<2000x16xf32, #tpu.memory_space<vmem>>, vector<2000x16xf32>,
    } else {
    }
    %eq3A_7 = arith.constant 1 : i32
    %eq3A_8 = arith.cmpi eq, %arg1, %eq3A_7 : i32
    %convert_element_type3A_9 = arith.extui %eq3A_8 : i1 to i32
    %cond3A_10 = arith.constant 0 : i32
    %cond3A_11 = arith.cmpi ne, %convert_element_type3A_9, %cond3A_10 : i32
    scf.if %cond3A_11 {
      %get3A = arith.constant 0 : index
      %get3A_22 = arith.constant 16 : index
      %get3A_23 = vector.load %arg13[%get3A, %get3A_22] : memref<2000x64xf32, #tpu.memory_space<vmem>>, vector<2000x16xf32>
      %swap3A = arith.constant 0 : index
      %swap3A_24 = arith.constant 0 : index
      %swap3A_25 = vector.load %arg10[%swap3A, %swap3A_24] : memref<2000x16xf32, #tpu.memory_space<vmem>>, vector<2000x16xf32>
      tpu.vector_store %arg10[%swap3A, %swap3A_24], %get3A_23 {strides = array<i32>} : memref<2000x16xf32, #tpu.memory_space<vmem>>, vector<2000x16xf32>,
    } else {
    }
    %eq3A_12 = arith.constant 2 : i32
    %eq3A_13 = arith.cmpi eq, %arg1, %eq3A_12 : i32
    %convert_element_type3A_14 = arith.extui %eq3A_13 : i1 to i32
    %cond3A_15 = arith.constant 0 : i32
    %cond3A_16 = arith.cmpi ne, %convert_element_type3A_14, %cond3A_15 : i32
    scf.if %cond3A_16 {
      %get3A = arith.constant 0 : index
      %get3A_22 = arith.constant 32 : index
      %get3A_23 = vector.load %arg13[%get3A, %get3A_22] : memref<2000x64xf32, #tpu.memory_space<vmem>>, vector<2000x16xf32>
      %swap3A = arith.constant 0 : index
      %swap3A_24 = arith.constant 0 : index
      %swap3A_25 = vector.load %arg10[%swap3A, %swap3A_24] : memref<2000x16xf32, #tpu.memory_space<vmem>>, vector<2000x16xf32>
      tpu.vector_store %arg10[%swap3A, %swap3A_24], %get3A_23 {strides = array<i32>} : memref<2000x16xf32, #tpu.memory_space<vmem>>, vector<2000x16xf32>,
    } else {
    }
    %eq3A_17 = arith.constant 3 : i32
    %eq3A_18 = arith.cmpi eq, %arg1, %eq3A_17 : i32
    %convert_element_type3A_19 = arith.extui %eq3A_18 : i1 to i32
    %cond3A_20 = arith.constant 0 : i32
    %cond3A_21 = arith.cmpi ne, %convert_element_type3A_19, %cond3A_20 : i32
    scf.if %cond3A_21 {
      %get3A = arith.constant 0 : index
      %get3A_22 = arith.constant 48 : index
      %get3A_23 = vector.load %arg13[%get3A, %get3A_22] : memref<2000x64xf32, #tpu.memory_space<vmem>>, vector<2000x16xf32>
      %swap3A = arith.constant 0 : index
      %swap3A_24 = arith.constant 0 : index
      %swap3A_25 = vector.load %arg10[%swap3A, %swap3A_24] : memref<2000x16xf32, #tpu.memory_space<vmem>>, vector<2000x16xf32>
      tpu.vector_store %arg10[%swap3A, %swap3A_24], %get3A_23 {strides = array<i32>} : memref<2000x16xf32, #tpu.memory_space<vmem>>, vector<2000x16xf32>,
    } else {
    }
    return
  }
  func.func @transform_0(%arg0: i32, %arg1: i32) -> (i32, i32) {
    %c0_i32 = arith.constant 0 : i32
    %c0_i32_0 = arith.constant 0 : i32
    return %arg0, %c0_i32 : i32, i32
  }
  func.func @transform_1(%arg0: i32, %arg1: i32) -> (i32, i32) {
    %c0_i32 = arith.constant 0 : i32
    %c0_i32_0 = arith.constant 0 : i32
    return %arg0, %c0_i32 : i32, i32
  }
  func.func @transform_2(%arg0: i32, %arg1: i32) -> (i32, i32) {
    %c0_i32 = arith.constant 0 : i32
    %c0_i32_0 = arith.constant 0 : i32
    return %arg0, %c0_i32 : i32, i32
  }
  func.func @transform_3(%arg0: i32, %arg1: i32) -> (i32, i32) {
    %c0_i32 = arith.constant 0 : i32
    %c0_i32_0 = arith.constant 0 : i32
    return %arg0, %c0_i32 : i32, i32
  }
  func.func @transform_4(%arg0: i32, %arg1: i32) -> (i32, i32) {
    %c0_i32 = arith.constant 0 : i32
    %c0_i32_0 = arith.constant 0 : i32
    %c0_i32_1 = arith.constant 0 : i32
    return %c0_i32, %c0_i32_0 : i32, i32
  }
  func.func @transform_5(%arg0: i32, %arg1: i32) -> (i32, i32) {
    %c0_i32 = arith.constant 0 : i32
    %c0_i32_0 = arith.constant 0 : i32
    %c0_i32_1 = arith.constant 0 : i32
    return %c0_i32, %c0_i32_0 : i32, i32
  }
  func.func @transform_6(%arg0: i32, %arg1: i32) -> (i32, i32) {
    %c0_i32 = arith.constant 0 : i32
    %c0_i32_0 = arith.constant 0 : i32
    %c0_i32_1 = arith.constant 0 : i32
    return %c0_i32, %c0_i32_0 : i32, i32
  }
  func.func @transform_7(%arg0: i32, %arg1: i32) -> (i32, i32) {
    %c0_i32 = arith.constant 0 : i32
    %c0_i32_0 = arith.constant 0 : i32
    %c0_i32_1 = arith.constant 0 : i32
    return %c0_i32, %c0_i32_0 : i32, i32
  }
  func.func @transform_8(%arg0: i32, %arg1: i32) -> (i32, i32) {
    %mul3A = arith.constant 50 : i32
    %mul3A_0 = arith.muli %arg1, %mul3A : i32
    %add3A = arith.addi %mul3A_0, %arg0 : i32
    %c0_i32 = arith.constant 0 : i32
    %c0_i32_1 = arith.constant 0 : i32
    return %add3A, %c0_i32 : i32, i32
  }
  func.func @transform_9(%arg0: i32, %arg1: i32) -> (i32, i32) {
    %c0_i32 = arith.constant 0 : i32
    %c0_i32_0 = arith.constant 0 : i32
    return %arg0, %c0_i32 : i32, i32
  }
  func.func @transform_10(%arg0: i32, %arg1: i32) -> (i32, i32) {
    %c0_i32 = arith.constant 0 : i32
    %c0_i32_0 = arith.constant 0 : i32
    return %arg0, %c0_i32 : i32, i32
  }
}

module attributes {stable_mosaic.version = 14 : i64} {
  func.func @_pool_body(%arg0: i32, %arg1: memref<2000x16xf32, #tpu.memory_space<vmem>>, %arg2: memref<2000x16xf32, #tpu.memory_space<vmem>>, %arg3: memref<2000x16xf32, #tpu.memory_space<vmem>>, %arg4: memref<2000x16xf32, #tpu.memory_space<vmem>>, %arg5: memref<2000x1xf32, #tpu.memory_space<vmem>>, %arg6: memref<2000x64xf32, #tpu.memory_space<vmem>>, %arg7: memref<64x64xf32, #tpu.memory_space<vmem>>, %arg8: memref<1x64xf32, #tpu.memory_space<vmem>>, %arg9: memref<1x1x2000xi32, #tpu.memory_space<vmem>>, %arg10: memref<64x128xf32, #tpu.memory_space<vmem>>, %arg11: memref<1x128xf32, #tpu.memory_space<vmem>>, %arg12: memref<64x128xf32, #tpu.memory_space<vmem>>, %arg13: memref<64x64xf32, #tpu.memory_space<vmem>>, %arg14: memref<64x1xf32, #tpu.memory_space<vmem>>) attributes {dimension_semantics = [#tpu.dimension_semantics<arbitrary>], iteration_bounds = array<i64: 50>, scalar_prefetch = 0 : i64, scratch_operands = 2 : i64, tpu.core_type = #tpu.core_type<tc>, window_params = [{transform_indices = @transform_0, window_bounds = array<i64: 2000, 16>}, {transform_indices = @transform_1, window_bounds = array<i64: 2000, 16>}, {transform_indices = @transform_2, window_bounds = array<i64: 2000, 16>}, {transform_indices = @transform_3, window_bounds = array<i64: 2000, 16>}, {transform_indices = @transform_4, window_bounds = array<i64: 2000, 1>}, {transform_indices = @transform_5, window_bounds = array<i64: 2000, 64>}, {pipeline_mode = #tpu.pipeline_mode<synchronous>, transform_indices = @transform_6, window_bounds = array<i64: 64, 64>}, {pipeline_mode = #tpu.pipeline_mode<synchronous>, transform_indices = @transform_7, window_bounds = array<i64: 1, 64>}, {transform_indices = @transform_8, window_bounds = array<i64: 1, 1, 2000>}, {pipeline_mode = #tpu.pipeline_mode<synchronous>, transform_indices = @transform_9, window_bounds = array<i64: 64, 128>}, {pipeline_mode = #tpu.pipeline_mode<synchronous>, transform_indices = @transform_10, window_bounds = array<i64: 1, 128>}, {pipeline_mode = #tpu.pipeline_mode<synchronous>, transform_indices = @transform_11, window_bounds = array<i64: 64, 128>}]} {
    %eq3A = arith.constant 0 : i32
    %eq3A_0 = arith.cmpi eq, %arg0, %eq3A : i32
    %convert_element_type3A = arith.extui %eq3A_0 : i1 to i32
    %cond3A = arith.constant 0 : i32
    %cond3A_1 = arith.cmpi ne, %convert_element_type3A, %cond3A : i32
    scf.if %cond3A_1 {
      %broadcast_in_dim3A_64 = arith.constant 0.000000e+00 : f32
      %broadcast_in_dim3A_65 = vector.broadcast %broadcast_in_dim3A_64 : f32 to vector<64x64xf32>
      %swap3A_66 = arith.constant 0 : index
      %swap3A_67 = arith.constant 0 : index
      %swap3A_68 = vector.load %arg13[%swap3A_66, %swap3A_67] : memref<64x64xf32, #tpu.memory_space<vmem>>, vector<64x64xf32>
      tpu.vector_store %arg13[%swap3A_66, %swap3A_67], %broadcast_in_dim3A_65 {strides = array<i32>} : memref<64x64xf32, #tpu.memory_space<vmem>>, vector<64x64xf32>,
      %broadcast_in_dim3A_69 = arith.constant 0.000000e+00 : f32
      %broadcast_in_dim3A_70 = vector.broadcast %broadcast_in_dim3A_69 : f32 to vector<64x1xf32>
      %swap3A_71 = arith.constant 0 : index
      %swap3A_72 = arith.constant 0 : index
      %swap3A_73 = vector.load %arg14[%swap3A_71, %swap3A_72] : memref<64x1xf32, #tpu.memory_space<vmem>>, vector<64x1xf32>
      tpu.vector_store %arg14[%swap3A_71, %swap3A_72], %broadcast_in_dim3A_70 {strides = array<i32>} : memref<64x1xf32, #tpu.memory_space<vmem>>, vector<64x1xf32>,
    } else {
    }
    %get3A = arith.constant 0 : index
    %get3A_2 = arith.constant 0 : index
    %get3A_3 = vector.load %arg1[%get3A, %get3A_2] : memref<2000x16xf32, #tpu.memory_space<vmem>>, vector<2000x16xf32>
    %get3A_4 = arith.constant 0 : index
    %get3A_5 = arith.constant 0 : index
    %get3A_6 = vector.load %arg2[%get3A_4, %get3A_5] : memref<2000x16xf32, #tpu.memory_space<vmem>>, vector<2000x16xf32>
    %get3A_7 = arith.constant 0 : index
    %get3A_8 = arith.constant 0 : index
    %get3A_9 = vector.load %arg3[%get3A_7, %get3A_8] : memref<2000x16xf32, #tpu.memory_space<vmem>>, vector<2000x16xf32>
    %get3A_10 = arith.constant 0 : index
    %get3A_11 = arith.constant 0 : index
    %get3A_12 = vector.load %arg4[%get3A_10, %get3A_11] : memref<2000x16xf32, #tpu.memory_space<vmem>>, vector<2000x16xf32>
    %concatenate3A = tpu.concatenate %get3A_3, %get3A_6, %get3A_9, %get3A_12 in 1 : vector<2000x16xf32>, vector<2000x16xf32>, vector<2000x16xf32>, vector<2000x16xf32> -> vector<2000x64xf32>
    %get3A_13 = arith.constant 0 : index
    %get3A_14 = arith.constant 0 : index
    %get3A_15 = vector.load %arg5[%get3A_13, %get3A_14] : memref<2000x1xf32, #tpu.memory_space<vmem>>, vector<2000x1xf32>
    %div3A = vector.broadcast %get3A_15 : vector<2000x1xf32> to vector<2000x64xf32>
    %div3A_16 = arith.divf %concatenate3A, %div3A : vector<2000x64xf32>
    %get3A_17 = arith.constant 0 : index
    %get3A_18 = arith.constant 0 : index
    %get3A_19 = vector.load %arg7[%get3A_17, %get3A_18] : memref<64x64xf32, #tpu.memory_space<vmem>>, vector<64x64xf32>
    %dot_general3A = arith.constant dense<0.000000e+00> : vector<2000x64xf32>
    %dot_general3A_20 = tpu.matmul %div3A_16, %get3A_19, %dot_general3A {dimension_numbers = #tpu.dot_dimension_numbers<[1], [0], [0], [1], [0, 0, 1, 1], [], []>, transpose_lhs_hint = false} : vector<2000x64xf32>, vector<64x64xf32>, vector<2000x64xf32> -> vector<2000x64xf32>
    %get3A_21 = arith.constant 0 : index
    %get3A_22 = arith.constant 0 : index
    %get3A_23 = vector.load %arg6[%get3A_21, %get3A_22] : memref<2000x64xf32, #tpu.memory_space<vmem>>, vector<2000x64xf32>
    %add3A = arith.addf %dot_general3A_20, %get3A_23 : vector<2000x64xf32>
    %get3A_24 = arith.constant 0 : index
    %get3A_25 = arith.constant 0 : index
    %get3A_26 = vector.load %arg8[%get3A_24, %get3A_25] : memref<1x64xf32, #tpu.memory_space<vmem>>, vector<1x64xf32>
    %add3A_27 = vector.broadcast %get3A_26 : vector<1x64xf32> to vector<2000x64xf32>
    %add3A_28 = arith.addf %add3A, %add3A_27 : vector<2000x64xf32>
    %max3A = arith.constant 0.000000e+00 : f32
    %max3A_29 = vector.broadcast %max3A : f32 to vector<2000x64xf32>
    %max3A_30 = arith.maximumf %add3A_28, %max3A_29 : vector<2000x64xf32>
    %get3A_31 = arith.constant 0 : index
    %get3A_32 = arith.constant 0 : index
    %get3A_33 = arith.constant 0 : index
    %get3A_34 = vector.load %arg9[%get3A_31, %get3A_32, %get3A_33] : memref<1x1x2000xi32, #tpu.memory_space<vmem>>, vector<1x1x2000xi32>
    %get3A_35 = vector.shape_cast %get3A_34 : vector<1x1x2000xi32> to vector<2000xi32>
    %broadcast_in_dim3A = vector.shape_cast %get3A_35 : vector<2000xi32> to vector<2000x1xi32>
    %iota3A = tpu.iota {dimensions = array<i32: 1>} : vector<2000x64xi32>
    %eq3A_36 = vector.broadcast %broadcast_in_dim3A : vector<2000x1xi32> to vector<2000x64xi32>
    %eq3A_37 = arith.cmpi eq, %eq3A_36, %iota3A : vector<2000x64xi32>
    %convert_element_type3A_38 = arith.extui %eq3A_37 : vector<2000x64xi1> to vector<2000x64xi32>
    %convert_element_type3A_39 = arith.sitofp %convert_element_type3A_38 : vector<2000x64xi32> to vector<2000x64xf32>
    %get3A_40 = arith.constant 0 : index
    %get3A_41 = arith.constant 0 : index
    %get3A_42 = vector.load %arg13[%get3A_40, %get3A_41] : memref<64x64xf32, #tpu.memory_space<vmem>>, vector<64x64xf32>
    %dot_general3A_43 = arith.constant dense<0.000000e+00> : vector<64x64xf32>
    %dot_general3A_44 = tpu.matmul %convert_element_type3A_39, %max3A_30, %dot_general3A_43 {dimension_numbers = #tpu.dot_dimension_numbers<[0], [0], [1], [1], [0, 1, 1, 1], [], []>, transpose_lhs_hint = false} : vector<2000x64xf32>, vector<2000x64xf32>, vector<64x64xf32> -> vector<64x64xf32>
    %add3A_45 = arith.addf %get3A_42, %dot_general3A_44 : vector<64x64xf32>
    %swap3A = arith.constant 0 : index
    %swap3A_46 = arith.constant 0 : index
    %swap3A_47 = vector.load %arg13[%swap3A, %swap3A_46] : memref<64x64xf32, #tpu.memory_space<vmem>>, vector<64x64xf32>
    tpu.vector_store %arg13[%swap3A, %swap3A_46], %add3A_45 {strides = array<i32>} : memref<64x64xf32, #tpu.memory_space<vmem>>, vector<64x64xf32>,
    %get3A_48 = arith.constant 0 : index
    %get3A_49 = arith.constant 0 : index
    %get3A_50 = vector.load %arg14[%get3A_48, %get3A_49] : memref<64x1xf32, #tpu.memory_space<vmem>>, vector<64x1xf32>
    %broadcast_in_dim3A_51 = arith.constant 1.000000e+00 : f32
    %broadcast_in_dim3A_52 = vector.broadcast %broadcast_in_dim3A_51 : f32 to vector<2000x1xf32>
    %dot_general3A_53 = arith.constant dense<0.000000e+00> : vector<64x1xf32>
    %dot_general3A_54 = tpu.matmul %convert_element_type3A_39, %broadcast_in_dim3A_52, %dot_general3A_53 {dimension_numbers = #tpu.dot_dimension_numbers<[0], [0], [1], [1], [0, 1, 1, 1], [], []>, transpose_lhs_hint = false} : vector<2000x64xf32>, vector<2000x1xf32>, vector<64x1xf32> -> vector<64x1xf32>
    %add3A_55 = arith.addf %get3A_50, %dot_general3A_54 : vector<64x1xf32>
    %swap3A_56 = arith.constant 0 : index
    %swap3A_57 = arith.constant 0 : index
    %swap3A_58 = vector.load %arg14[%swap3A_56, %swap3A_57] : memref<64x1xf32, #tpu.memory_space<vmem>>, vector<64x1xf32>
    tpu.vector_store %arg14[%swap3A_56, %swap3A_57], %add3A_55 {strides = array<i32>} : memref<64x1xf32, #tpu.memory_space<vmem>>, vector<64x1xf32>,
    %eq3A_59 = arith.constant 49 : i32
    %eq3A_60 = arith.cmpi eq, %arg0, %eq3A_59 : i32
    %convert_element_type3A_61 = arith.extui %eq3A_60 : i1 to i32
    %cond3A_62 = arith.constant 0 : i32
    %cond3A_63 = arith.cmpi ne, %convert_element_type3A_61, %cond3A_62 : i32
    scf.if %cond3A_63 {
      %get3A_64 = arith.constant 0 : index
      %get3A_65 = arith.constant 0 : index
      %get3A_66 = vector.load %arg13[%get3A_64, %get3A_65] : memref<64x64xf32, #tpu.memory_space<vmem>>, vector<64x64xf32>
      %get3A_67 = arith.constant 0 : index
      %get3A_68 = arith.constant 0 : index
      %get3A_69 = vector.load %arg14[%get3A_67, %get3A_68] : memref<64x1xf32, #tpu.memory_space<vmem>>, vector<64x1xf32>
      %max3A_70 = arith.constant 1.000000e+00 : f32
      %max3A_71 = vector.broadcast %max3A_70 : f32 to vector<64x1xf32>
      %max3A_72 = arith.maximumf %get3A_69, %max3A_71 : vector<64x1xf32>
      %div3A_73 = vector.broadcast %max3A_72 : vector<64x1xf32> to vector<64x64xf32>
      %div3A_74 = arith.divf %get3A_66, %div3A_73 : vector<64x64xf32>
      %get3A_75 = arith.constant 0 : index
      %get3A_76 = arith.constant 0 : index
      %get3A_77 = vector.load %arg10[%get3A_75, %get3A_76] : memref<64x128xf32, #tpu.memory_space<vmem>>, vector<64x128xf32>
      %dot_general3A_78 = arith.constant dense<0.000000e+00> : vector<64x128xf32>
      %dot_general3A_79 = tpu.matmul %div3A_74, %get3A_77, %dot_general3A_78 {dimension_numbers = #tpu.dot_dimension_numbers<[1], [0], [0], [1], [0, 0, 1, 1], [], []>, transpose_lhs_hint = false} : vector<64x64xf32>, vector<64x128xf32>, vector<64x128xf32> -> vector<64x128xf32>
      %get3A_80 = arith.constant 0 : index
      %get3A_81 = arith.constant 0 : index
      %get3A_82 = vector.load %arg11[%get3A_80, %get3A_81] : memref<1x128xf32, #tpu.memory_space<vmem>>, vector<1x128xf32>
      %add3A_83 = vector.broadcast %get3A_82 : vector<1x128xf32> to vector<64x128xf32>
      %add3A_84 = arith.addf %dot_general3A_79, %add3A_83 : vector<64x128xf32>
      %swap3A_85 = arith.constant 0 : index
      %swap3A_86 = arith.constant 0 : index
      %swap3A_87 = vector.load %arg12[%swap3A_85, %swap3A_86] : memref<64x128xf32, #tpu.memory_space<vmem>>, vector<64x128xf32>
      tpu.vector_store %arg12[%swap3A_85, %swap3A_86], %add3A_84 {strides = array<i32>} : memref<64x128xf32, #tpu.memory_space<vmem>>, vector<64x128xf32>,
    } else {
    }
    return
  }
  func.func @transform_0(%arg0: i32) -> (i32, i32) {
    %c0_i32 = arith.constant 0 : i32
    %c0_i32_0 = arith.constant 0 : i32
    return %arg0, %c0_i32 : i32, i32
  }
  func.func @transform_1(%arg0: i32) -> (i32, i32) {
    %c0_i32 = arith.constant 0 : i32
    %c0_i32_0 = arith.constant 0 : i32
    return %arg0, %c0_i32 : i32, i32
  }
  func.func @transform_2(%arg0: i32) -> (i32, i32) {
    %c0_i32 = arith.constant 0 : i32
    %c0_i32_0 = arith.constant 0 : i32
    return %arg0, %c0_i32 : i32, i32
  }
  func.func @transform_3(%arg0: i32) -> (i32, i32) {
    %c0_i32 = arith.constant 0 : i32
    %c0_i32_0 = arith.constant 0 : i32
    return %arg0, %c0_i32 : i32, i32
  }
  func.func @transform_4(%arg0: i32) -> (i32, i32) {
    %c0_i32 = arith.constant 0 : i32
    %c0_i32_0 = arith.constant 0 : i32
    return %arg0, %c0_i32 : i32, i32
  }
  func.func @transform_5(%arg0: i32) -> (i32, i32) {
    %c0_i32 = arith.constant 0 : i32
    %c0_i32_0 = arith.constant 0 : i32
    return %arg0, %c0_i32 : i32, i32
  }
  func.func @transform_6(%arg0: i32) -> (i32, i32) {
    %c0_i32 = arith.constant 0 : i32
    %c0_i32_0 = arith.constant 0 : i32
    %c0_i32_1 = arith.constant 0 : i32
    return %c0_i32, %c0_i32_0 : i32, i32
  }
  func.func @transform_7(%arg0: i32) -> (i32, i32) {
    %c0_i32 = arith.constant 0 : i32
    %c0_i32_0 = arith.constant 0 : i32
    %c0_i32_1 = arith.constant 0 : i32
    return %c0_i32, %c0_i32_0 : i32, i32
  }
  func.func @transform_8(%arg0: i32) -> (i32, i32, i32) {
    %c0_i32 = arith.constant 0 : i32
    %c0_i32_0 = arith.constant 0 : i32
    %c0_i32_1 = arith.constant 0 : i32
    return %arg0, %c0_i32, %c0_i32_0 : i32, i32, i32
  }
  func.func @transform_9(%arg0: i32) -> (i32, i32) {
    %c0_i32 = arith.constant 0 : i32
    %c0_i32_0 = arith.constant 0 : i32
    %c0_i32_1 = arith.constant 0 : i32
    return %c0_i32, %c0_i32_0 : i32, i32
  }
  func.func @transform_10(%arg0: i32) -> (i32, i32) {
    %c0_i32 = arith.constant 0 : i32
    %c0_i32_0 = arith.constant 0 : i32
    %c0_i32_1 = arith.constant 0 : i32
    return %c0_i32, %c0_i32_0 : i32, i32
  }
  func.func @transform_11(%arg0: i32) -> (i32, i32) {
    %c0_i32 = arith.constant 0 : i32
    %c0_i32_0 = arith.constant 0 : i32
    %c0_i32_1 = arith.constant 0 : i32
    return %c0_i32, %c0_i32_0 : i32, i32
  }
}

</mosaic_0001>

<sc_bundles>
// kernel: kernel.11.cloned.1.call-start
scs
__scs_entry_jumppad:
0x0: {  	(pc) =	sbr.rel $0x88, $3  }
0x1: {  	(tag) =	ssettag $0x0;
	lr =	simm.s32 $0x1  }
0x2: {  	[smem:$0x3F93] =	sst lr;
	_ =	strace $0xD0000000  }
0x3: {  	_ = 	snop  }
0x4: {  	_ = 	snop  }
0x5: {  	_ = 	snop  }
0x6: {  	_ = 	snop  }
0x7: {  	_ = 	snop  }
__scs_overlays_trampoline_lowered:
0x8: {  	[smem:$0x3FA2] =	sst s0  }
0x9: {  	[smem:$0x3FA3] =	sst s1  }
0xa: {  	[smem:$0x3FA4] =	sst s2  }
0xb: {  	[smem:$0x3FA5] =	sst s3  }
0xc: {  	[smem:$0x3FA6] =	sst s4  }
0xd: {  	[smem:$0x3FA7] =	sst s5  }
0xe: {  	[smem:$0x3FA8] =	sst s6  }
0xf: {  	[smem:$0x3FA9] =	sst s7  }
0x10: {  	[smem:$0x3FAA] =	sst s8  }
0x11: {  	[smem:$0x3FAB] =	sst s9;
	s0 =	simm.s32 @!p0 $0x0  }
0x12: {  	s1 =	sld [smem:$0x3F91];
	s0 =	simm.s32 @p0 $0x1  }
0x13: {  	[smem:$0x3FAC] =	sst s0;
	s0 =	simm.s32 @!p1 $0x0  }
0x14: {  	s2 =	sld [smem:$0x3F90];
	s0 =	simm.s32 @p1 $0x1  }
0x15: {  	[smem:$0x3FAD] =	sst s0;
	s0 =	simm.s32 @!p2 $0x0  }
0x16: {  	s3 =	sld [smem:$0x3FDB];
	s0 =	simm.s32 @p2 $0x1  }
0x17: {  	s4 =	simm.s32 $0x1BF5;
	[smem:$0x3FAF] =	sst s0  }
0x18: {  	s0 =	sld [smem:$0x3F92];
	_ =	swait.ge [sflag:s4], $0x0  }
0x19: {  	s7 =	sld [smem:$0x3F93]  }
0x1a: {  	s8 =	sadd.s32 $0xFFFFE003, lr  }
0x1b: {  	s9 =	sadd.s32 $0xFFFFFEF7, lr;
	s5 =	simm.s32 $0xFFFFFFFF;
	p2 =	slt.u32 s8, $0xFFFFF086  }
0x1c: {  	p1 =	slt.u32 s9, $0xF7A;
	s5 =	simm.s32 @!p2 $0x0  }
0x1d: {  	s5 =	simm.s32 @p1 $0x1;
	p0 =	seq.s32 s7, s2  }
0x1e: {  	s7 =	smul.u32 @!p0 $0xF7A, s2;
	p2 =	seq.s32 @!p0 s5, $0x0  }
0x1f: {  	s9 =	smul.u32 $0xF7A, s1;
	s8 =	simm.s32 @!p0 $0x1BF5;
	p2 =	por !p2, p0  }
0x20: {  	[sflag:s8] =	ssyncset.s32 @!p0 $0xFFFFF086;
	s6 =	sadd.s32 @!p0 s3, s7;
	s7 =	simm.s32 @!p0 $0x108  }
0x21: {  	s3 =	sadd.s32 s3, s9;
	s6 =	sadd.s32 @!p0 $0x88, s6;
	s7 =	simm.s32 @p2 $0x1082  }
0x22: {  	[simem:s7], [sflag:s8] =	dma.local @!p0 [hbm:s6], $0xF7A  }
0x23: {  	s9 =	sor.u32 $0xD0000000, s2;
	s6 =	simm.s32 $0x108;
	_ =	swait.ge @!p0 [sflag:s8], $0x0  }
0x24: {  	s3 =	sadd.s32 $0x88, s3;
	s6 =	simm.s32 @!p1 $0x1082;
	[sflag:s4] =	ssyncset.s32 $0xFFFFF086  }
0x25: {  	[simem:s6], [sflag:s4] =	dma.local [hbm:s3], $0xF7A  }
0x26: {  	[smem:$0x3F93] =	sst s1;
	(tag) =	ssettag s2;
	_ =	strace s9  }
0x27: {  	s1 =	sld [smem:$0x3FA3]  }
0x28: {  	s2 =	sld [smem:$0x3FA4]  }
0x29: {  	s4 =	sld [smem:$0x3FA6]  }
0x2a: {  	p0 =	seq.s32 s5, $0x0;
	s5 =	sld [smem:$0x3FA7]  }
0x2b: {  	s6 =	sld [smem:$0x3FA8]  }
0x2c: {  	s7 =	sld [smem:$0x3FA9]  }
0x2d: {  	s3 =	simm.s32 $0x108;
	s8 =	sld [smem:$0x3FAA]  }
0x2e: {  	s3 =	simm.s32 @!p0 $0x1082;
	s9 =	sld [smem:$0x3FAB]  }
0x2f: {  	lr =	sadd.s32 s0, s3;
	s0 =	sld [smem:$0x3FA2]  }
0x30: {  	s3 =	sld [smem:$0x3FA5]  }
0x31: {  	[smem:$0x3FAE] =	sst s10  }
0x32: {  	s10 =	sld [smem:$0x3FAC];
	_ =	sdelay $0x3  }
0x33: {  	p0 =	seq.s32 s10, $0x1;
	s10 =	sld [smem:$0x3FAE];
	_ =	sdelay $0x3  }
0x34: {  	[smem:$0x3FAE] =	sst s10  }
0x35: {  	s10 =	sld [smem:$0x3FAD];
	_ =	sdelay $0x3  }
0x36: {  	p1 =	seq.s32 s10, $0x1;
	s10 =	sld [smem:$0x3FAE];
	_ =	sdelay $0x3  }
0x37: {  	[smem:$0x3FAE] =	sst s10  }
0x38: {  	s10 =	sld [smem:$0x3FAF]  }
0x39: {  	_ = 	snop;
	(pc) =	sbr.ind lr, $3  }
0x3a: {  	_ = 	snop  }
0x3b: {  	_ = 	snop  }
0x3c: {  	p2 =	seq.s32 s10, $0x1;
	s10 =	sld [smem:$0x3FAE]  }
0x3d: {  	_ =	shalt  }
0x3e: {  	_ =	shalt  }
0x3f: {  	_ =	shalt  }
0x40: {  	_ =	shalt  }
0x41: {  	_ =	shalt  }
0x42: {  	_ =	shalt  }
0x43: {  	_ =	shalt  }
0x44: {  	_ =	shalt  }
0x45: {  	_ =	shalt  }
0x46: {  	_ =	shalt  }
0x47: {  	_ =	shalt  }
0x48: {  	_ =	shalt  }
0x49: {  	_ =	shalt  }
0x4a: {  	_ =	shalt  }
0x4b: {  	_ =	shalt  }
0x4c: {  	_ =	shalt  }
0x4d: {  	_ =	shalt  }
0x4e: {  	_ =	shalt  }
0x4f: {  	_ =	shalt  }
0x50: {  	_ =	shalt  }
0x51: {  	_ =	shalt  }
0x52: {  	_ =	shalt  }
0x53: {  	_ =	shalt  }
0x54: {  	_ =	shalt  }
0x55: {  	_ =	shalt  }
0x56: {  	_ =	shalt  }
0x57: {  	_ =	shalt  }
0x58: {  	_ =	shalt  }
0x59: {  	_ =	shalt  }
0x5a: {  	_ =	shalt  }
0x5b: {  	_ =	shalt  }
0x5c: {  	_ =	shalt  }
0x5d: {  	_ =	shalt  }
0x5e: {  	_ =	shalt  }
0x5f: {  	_ =	shalt  }
0x60: {  	_ =	shalt  }
0x61: {  	_ =	shalt  }
0x62: {  	_ =	shalt  }
0x63: {  	_ =	shalt  }
0x64: {  	_ =	shalt  }
0x65: {  	_ =	shalt  }
0x66: {  	_ =	shalt  }
0x67: {  	_ =	shalt  }
0x68: {  	_ =	shalt  }
0x69: {  	_ =	shalt  }
0x6a: {  	_ =	shalt  }
0x6b: {  	_ =	shalt  }
0x6c: {  	_ =	shalt  }
0x6d: {  	_ =	shalt  }
0x6e: {  	_ =	shalt  }
0x6f: {  	_ =	shalt  }
0x70: {  	_ =	shalt  }
0x71: {  	_ =	shalt  }
0x72: {  	_ =	shalt  }
0x73: {  	_ =	shalt  }
0x74: {  	_ =	shalt  }
0x75: {  	_ =	shalt  }
0x76: {  	_ =	shalt  }
0x77: {  	_ =	shalt  }
0x78: {  	_ =	shalt  }
0x79: {  	_ =	shalt  }
0x7a: {  	_ =	shalt  }
0x7b: {  	_ =	shalt  }
0x7c: {  	_ =	shalt  }
0x7d: {  	_ =	shalt  }
0x7e: {  	_ =	shalt  }
0x7f: {  	_ =	shalt  }
0x80: {  	_ =	shalt  }
0x81: {  	_ =	shalt  }
0x82: {  	_ =	shalt  }
0x83: {  	_ =	shalt  }
0x84: {  	_ =	shalt  }
0x85: {  	_ =	shalt  }
0x86: {  	_ =	shalt  }
0x87: {  	_ =	shalt  }
.Lfunc_end0:
.L_simem_size_0:
called_computation.2_lowered:
.L_overlay_start_0:
0x88: {  	s2 =	sld [smem:$0x3FD9]  }
0x89: {  	s3 =	sld [smem:$0x3FFE];
	_ =	sdelay $0x1  }
0x8a: {  	s1 =	srdreg.scid  }
0x8b: {  	s0 =	sand.u32 $0x1, s1  }
0x8c: {  	s16 =	sshll.u32 s0, $0xA;
	s2 =	sadd.s32 s3, s2  }
0x8d: {  	s2 =	sadd.s32 s2, s16  }
0x8e: {  	[smem:$0x3FBA] =	sst s2  }
0x8f: {  	_ = 	snop  }
0x90: {  	(tm) =	ssettm $0x1  }
0x91: {  	s17 =	sld [smem:$0x3FFB];
	_ =	sdelay $0x3  }
0x92: {  	_ =	strace s17  }
0x93: {  	s2 =	sld [smem:$0x3FFC];
	_ =	sdelay $0x3  }
0x94: {  	_ =	strace s2  }
0x95: {  	s2 =	sld [smem:$0x3FFD];
	_ =	sdelay $0x3  }
0x96: {  	_ =	strace s2  }
0x97: {  	_ =	strace $0x8FFFFFFF  }
0x98: {  	s18 =	sld [smem:$0x3FDB];
	_ =	sdelay $0x1  }
0x99: {  	s19 =	simm.s32 $_scs_section_size  }
0x9a: {  	s4 =	simm.s32 $_size__tile_overlayer_lowered;
	s5 =	simm.s32 $_tile_overlayer_lowered  }
0x9b: {  	s22 =	simm.s32 $0x1BFF;
	s21 =	sshll.u32 s5, $0x1;
	s2 =	sadd.s32 s19, s18  }
0x9c: {  	s6 =	simm.s32 $0x0;
	s20 =	sshll.u32 s4, $0x1;
	s4 =	sadd.s32 s21, s2  }
0x9d: {  	[timem:s6], [sflag:s22] =	dma.local [hbm:s4], s20  }
0x9e: {  	_ =	swait.ge [sflag:s22], s20  }
0x9f: {  	s3 =	ssub.s32 $0x0, s20;
	[sflag:s22] =	ssyncset.done $0x0  }
0xa0: {  	[sflag:s22] =	ssyncadd.s32 s3;
	_ =	sdelay $0x1  }
0xa1: {  	s23 =	simm.s32 $0x1B8B  }
0xa2: {  	_ =	swait.ge [sflag:s23], $0x1  }
0xa3: {  	[sflag:s23] =	ssyncset.done $0x0  }
0xa4: {  	s25 =	simm.s32 $0x1B8E;
	s24 =	sld [smem:$0x3FFE];
	[sflag:s23] =	ssyncadd.s32 $0xFFFFFFFF  }
0xa5: {  	s26 =	simm.s32 $execute0_lowered;
	[smem:$0x3FD2] =	sst s25  }
0xa6: {  	s4 =	sshll.u32 s26, $0x1;
	_ =	strace $0x8000004C;
	[dreg:$0x1] =	wrdreg $0xFFFFFFFF  }
0xa7: {  	s28 =	simm.s32 $_size_execute0_lowered;
	s2 =	sadd.s32 s2, s4;
	[dreg:$0x0] =	wrdreg $0x0  }
0xa8: {  	s4 =	sshll.u32 s28, $0x1;
	[dreg:$0x2] =	wrdreg s2  }
0xa9: {  	[dreg:$0x3] =	wrdreg s4  }
0xaa: {  	[dreg:$0x4] =	wrdreg $0xC0  }
0xab: {  	_ =	task [dreg:s6], $0x5FFFF  }
0xac: {  	[dreg:$0x1] =	wrdreg $0xFFFFFFFF  }
0xad: {  	[dreg:$0x0] =	wrdreg $0x60  }
0xae: {  	[dreg:$0x2] =	wrdreg s24  }
0xaf: {  	[dreg:$0x3] =	wrdreg $0x70800  }
0xb0: {  	[dreg:$0x4] =	wrdreg $0x9  }
0xb1: {  	_ =	task.clear_ibuf [dreg:s6], $0x5FFFF;
	_ =	strace $0x9000004C  }
0xb2: {  	s29 =	simm.s32 $0x9;
	_ =	strace $0x8000004E  }
0xb3: {  	_ =	swait.ge [sflag:s29], $0x1  }
0xb4: {  	[sflag:s29] =	ssyncadd.s32 $0xFFFFFFFF  }
0xb5: {  	_ =	strace $0x9000004E  }
0xb6: {  	_ =	sfence  }
0xb7: {  	s30 =	sld [smem:$0x0];
	_ =	sdelay $0x2  }
0xb8: {  	s31 =	sshll.u32 s1, $0xD;
	s1 =	sshrl.u32 s1, $0x2  }
0xb9: {  	s3 =	sand.u32 $0x4000, s31;
	s1 =	sadd.s32 s1, s30  }
0xba: {  	s0 =	sor.u32 s3, s0;
	s1 =	sshll.u32 s1, $0x11  }
0xbb: {  	s0 =	sor.u32 s1, s0  }
0xbc: {  	s0 =	sadd.s32 $0x8F2B, s0  }
0xbd: {  	[sflag:s0] =	ssyncadd.remote.s32 $0x1  }
0xbe: {  	_ =	sfence.sel $0xFFFF  }
0xbf: {  	[dreg:$0x0] =	wrdreg $0xFFFFFFFF;
	(pc) =	sbr.abs _section_cstart, $3  }
0xc0: {  	[dreg:$0x1] =	wrdreg $0xFFFFFFFF  }
0xc1: {  	_ =	task.clear_ibuf [dreg:s6], $0x2FFFF;
	_ =	strace $0x9FFFFFFF  }
0xc2: {  	(tm) =	ssettm $0x7FFFFFFF  }
0xc3: {  	_ =	shalt  }
tec
execute0_lowered:
.L_overlay_start_1:
0x0: {  	(tag) =	ssettag $0x1  }
0x1: {  	s7 =	rddreg [dreg:$0x0]  }
0x2: {  	s2 =	rddreg [dreg:$0x1];
	s3 =	simm.s32 $0x0  }
0x3: {  	s4 =	srdreg.scid;
	s0 =	stileid.u32;
	s19 =	simm.s32 $0xC80  }
0x4: {  	s20 =	simm.s32 $0x640;
	s21 =	simm.s32 $0x960;
	s8 =	smul.u32 $0x30E0, s0  }
0x5: {  	s22 =	simm.s32 $0x3E80;
	[smem:$0x7FF] =	sst s3;
	s10 =	smul.u32 $0x61C00, s0  }
0x6: {  	s6 =	sand.u32 $0x1, s4;
	s5 =	sadd.s32 $0x717C00, s7;
	s13 =	smul.u32 $0x186A0, s0  }
0x7: {  	s4 =	sadd.s32 $0x313000, s7;
	s12 =	sadd.s32 $0x1D34800, s7;
	s30 =	smul.u32 $0x30D4, s0  }
0x8: {  	s26 =	sshll.u32 s0, $0x6;
	_ =	strace $0x8000004D;
	s9 =	smul.u32 $0x30E00, s6  }
0x9: {  	s11 =	smul.u32 $0x186A00, s6;
	s23 =	ssub.s32 $0x2, s6;
	s6 =	sadd.s32 $0x499A00, s7  }
0xa: {  	s24 =	sshrl.u32 s23, $0x1;
	s25 =	sshrl.u32 s10, $0x2;
	s29 =	sshrl.u32 s13, $0x3  }
0xb: {  	s8 =	sadd.s32 s8, s9;
	s15 =	ssub.s32 s23, s24;
	s16 =	sadd.s32 s13, s11  }
0xc: {  	s17 =	sadd.s32 s25, s2;
	s9 =	sadd.s32 s12, s29;
	s12 =	sadd.s32 s30, s12  }
0xd: {  	s23 =	simm.s32 $0x1;
	s24 =	simm.s32 $0x4;
	s25 =	simm.s32 $0x2  }
0xe: {  	s14 =	sadd.s32 s8, s7;
	s28 =	sshrl.u32 s16, $0x3;
	s7 =	sor.u32 $0x1C05, s26  }
0xf: {  	s18 =	sadd.s32 $0x320, s16;
	s11 =	smax.u32 s15, $0x1;
	s13 =	sadd.s32 $0x640, s16  }
0x10: {  	s15 =	sshrl.u32 s17, $0x3;
	s16 =	simm.s32 $0x5;
	s17 =	simm.s32 $0x3  }
0x11: {  	s26 =	simm.s32 $0x0;
	s8 =	sadd.s32 s5, s28;
	s31 =	sshrl.u32 s18, $0x3  }
0x12: {  	s10 =	sadd.s32 $0x374C00, s14;
	s18 =	simm.s32 $0x320;
	s14 =	sadd.s32 s31, s5  }
.LBB2_1:
0x13: {  	[spmem:s15], [sflag:s7] =	dma.local [hbm:s6], $0x30E0  }
0x14: {  	_ =	swait.ge [sflag:s16], $0x30E0  }
0x15: {  	[sflag:s16] =	ssyncset.done $0x0  }
0x16: {  	[sflag:s16] =	ssyncadd.s32 $0xFFFFCF20  }
0x17: {  	[bflag:$0x0] =	sbarrier.arrive $0xFFFF  }
0x18: {  	[tilespmem:s3], [sflag:$0x3] =	stream.linear.gather [hbm4b:s8+s3], $0x320, $0x38;
	[tilespmem:$0x1F780] =	vst v63  }
0x19: {  	_ =	swait.ge [sflag:s17], $0x320  }
0x1a: {  	[sflag:s17] =	ssyncset.done $0x0  }
0x1b: {  	[sflag:s17] =	ssyncadd.s32 $0xFFFFFCE0  }
0x1c: {  	[tilespmem:s18], [sflag:$0x3] =	stream.linear.gather [hbm4b:s9+s3], $0x320, $0x38;
	[tilespmem:$0x1F780] =	vst v63  }
0x1d: {  	_ =	swait.ge [sflag:s17], $0x320  }
0x1e: {  	[sflag:s17] =	ssyncset.done $0x0  }
0x1f: {  	[sflag:s17] =	ssyncadd.s32 $0xFFFFFCE0  }
0x20: {  	[tilespmem:s19], [sflag:$0x1] =	stream.indirect.gather [hbm4b:s4+s18], $0x10, s3, s18, $0xb8;
	[tilespmem:$0x1F780] =	vst v63  }
0x21: {  	s28 =	sadd.s32 $0x0, s14  }
0x22: {  	[tilespmem:s20], [sflag:$0x3] =	stream.linear.gather [hbm4b:s28+s3], $0x320, $0x38;
	[tilespmem:$0x1F780] =	vst v63  }
0x23: {  	_ =	swait.ge [sflag:s17], $0x320  }
0x24: {  	s28 =	sadd.s32 $0x0, s12;
	[sflag:s17] =	ssyncset.done $0x0  }
0x25: {  	s29 =	sadd.s32 $0x64, s28;
	[sflag:s17] =	ssyncadd.s32 $0xFFFFFCE0  }
0x26: {  	[tilespmem:s21], [sflag:$0x3] =	stream.linear.gather [hbm4b:s29+s3], $0x320, $0x38;
	[tilespmem:$0x1F780] =	vst v63  }
0x27: {  	_ =	swait.ge [sflag:s17], $0x320  }
0x28: {  	[sflag:s17] =	ssyncset.done $0x0  }
0x29: {  	[sflag:s17] =	ssyncadd.s32 $0xFFFFFCE0  }
0x2a: {  	[tilespmem:s22], [sflag:$0x2] =	stream.indirect.gather [hbm4b:s4+s18], $0x10, s20, s18, $0xb8;
	[tilespmem:$0x1F780] =	vst v63  }
0x2b: {  	_ =	swait.ge [sflag:s23], $0x3200  }
0x2c: {  	[sflag:s23] =	ssyncset.done $0x0  }
0x2d: {  	[sflag:s23] =	ssyncadd.s32 $0xFFFFCE00  }
0x2e: {  	[spmem:s2] =	stream.indirect.scatter.add.f32 [tilespmem:s19], [sflag:$0x4], $0x10, s18, s18, $0xb8;
	[tilespmem:$0x1F780] =	vst v63  }
0x2f: {  	_ =	swait.ge [sflag:s24], $0x3200  }
0x30: {  	s29 =	sshrl.u32 s13, $0x3;
	[sflag:s24] =	ssyncset.done $0x0  }
0x31: {  	s29 =	sadd.s32 s5, s29;
	[sflag:s24] =	ssyncadd.s32 $0xFFFFCE00  }
0x32: {  	[tilespmem:s3], [sflag:$0x3] =	stream.linear.gather [hbm4b:s29+s3], $0x320, $0x38;
	[tilespmem:$0x1F780] =	vst v63  }
0x33: {  	_ =	swait.ge [sflag:s17], $0x320  }
0x34: {  	[sflag:s17] =	ssyncset.done $0x0  }
0x35: {  	s28 =	sadd.s32 $0xC8, s28;
	[sflag:s17] =	ssyncadd.s32 $0xFFFFFCE0  }
0x36: {  	[tilespmem:s18], [sflag:$0x3] =	stream.linear.gather [hbm4b:s28+s3], $0x320, $0x38;
	[tilespmem:$0x1F780] =	vst v63  }
0x37: {  	_ =	swait.ge [sflag:s17], $0x320  }
0x38: {  	[sflag:s17] =	ssyncset.done $0x0  }
0x39: {  	[sflag:s17] =	ssyncadd.s32 $0xFFFFFCE0  }
0x3a: {  	[tilespmem:s19], [sflag:$0x1] =	stream.indirect.gather [hbm4b:s4+s18], $0x10, s3, s18, $0xb8;
	[tilespmem:$0x1F780] =	vst v63  }
0x3b: {  	_ =	swait.ge [sflag:s25], $0x3200  }
0x3c: {  	[sflag:s25] =	ssyncset.done $0x0  }
0x3d: {  	[sflag:s25] =	ssyncadd.s32 $0xFFFFCE00  }
0x3e: {  	[spmem:s2] =	stream.indirect.scatter.add.f32 [tilespmem:s22], [sflag:$0x4], $0x10, s21, s18, $0xb8;
	[tilespmem:$0x1F780] =	vst v63  }
0x3f: {  	s31 =	simm.s32 $0x190;
	_ =	swait.ge [sflag:s24], $0x3200  }
0x40: {  	s29 =	simm.s32 $0xC8;
	s28 =	sadd.s32 $0x640, s13;
	[sflag:s24] =	ssyncset.done $0x0  }
.LBB2_2:
0x41: {  	s0 =	sadd.s32 s29, s14  }
0x42: {  	[sflag:s24] =	ssyncadd.s32 $0xFFFFCE00;
	s1 =	smov.u32 s31;
	s30 =	sadd.s32 $0xC8, s31  }
0x43: {  	[tilespmem:s20], [sflag:$0x3] =	stream.linear.gather [hbm4b:s0+s3], $0x320, $0x38;
	[tilespmem:$0x1F780] =	vst v63  }
0x44: {  	p0 =	sne.s32 s31, $0x2FA8;
	_ =	swait.ge [sflag:s17], $0x320  }
0x45: {  	s0 =	sadd.s32 s29, s12;
	s29 =	smov.u32 s1;
	[sflag:s17] =	ssyncset.done $0x0  }
0x46: {  	s1 =	sadd.s32 $0x64, s0;
	[sflag:s17] =	ssyncadd.s32 $0xFFFFFCE0  }
0x47: {  	[tilespmem:s21], [sflag:$0x3] =	stream.linear.gather [hbm4b:s1+s3], $0x320, $0x38;
	[tilespmem:$0x1F780] =	vst v63  }
0x48: {  	_ =	swait.ge [sflag:s17], $0x320  }
0x49: {  	[sflag:s17] =	ssyncset.done $0x0  }
0x4a: {  	[sflag:s17] =	ssyncadd.s32 $0xFFFFFCE0  }
0x4b: {  	[tilespmem:s22], [sflag:$0x2] =	stream.indirect.gather [hbm4b:s4+s18], $0x10, s20, s18, $0xb8;
	[tilespmem:$0x1F780] =	vst v63  }
0x4c: {  	_ =	swait.ge [sflag:s23], $0x3200  }
0x4d: {  	[sflag:s23] =	ssyncset.done $0x0  }
0x4e: {  	[sflag:s23] =	ssyncadd.s32 $0xFFFFCE00  }
0x4f: {  	[spmem:s2] =	stream.indirect.scatter.add.f32 [tilespmem:s19], [sflag:$0x4], $0x10, s18, s18, $0xb8;
	[tilespmem:$0x1F780] =	vst v63  }
0x50: {  	_ =	swait.ge [sflag:s24], $0x3200  }
0x51: {  	s1 =	sshrl.u32 s28, $0x3;
	[sflag:s24] =	ssyncset.done $0x0  }
0x52: {  	s1 =	sadd.s32 s5, s1;
	[sflag:s24] =	ssyncadd.s32 $0xFFFFCE00  }
0x53: {  	[tilespmem:s3], [sflag:$0x3] =	stream.linear.gather [hbm4b:s1+s3], $0x320, $0x38;
	[tilespmem:$0x1F780] =	vst v63  }
0x54: {  	_ =	swait.ge [sflag:s17], $0x320  }
0x55: {  	[sflag:s17] =	ssyncset.done $0x0  }
0x56: {  	s0 =	sadd.s32 $0xC8, s0;
	[sflag:s17] =	ssyncadd.s32 $0xFFFFFCE0  }
0x57: {  	[tilespmem:s18], [sflag:$0x3] =	stream.linear.gather [hbm4b:s0+s3], $0x320, $0x38;
	[tilespmem:$0x1F780] =	vst v63  }
0x58: {  	_ =	swait.ge [sflag:s17], $0x320  }
0x59: {  	[sflag:s17] =	ssyncset.done $0x0  }
0x5a: {  	[sflag:s17] =	ssyncadd.s32 $0xFFFFFCE0  }
0x5b: {  	[tilespmem:s19], [sflag:$0x1] =	stream.indirect.gather [hbm4b:s4+s18], $0x10, s3, s18, $0xb8;
	[tilespmem:$0x1F780] =	vst v63  }
0x5c: {  	_ =	swait.ge [sflag:s25], $0x3200  }
.Ltmp0:
0x5d: {  	[sflag:s25] =	ssyncset.done $0x0;
	(pc) =	sbr.rel @p0 .LBB2_2-.Ltmp0, $4  }
0x5e: {  	[sflag:s25] =	ssyncadd.s32 $0xFFFFCE00  }
0x5f: {  	[spmem:s2] =	stream.indirect.scatter.add.f32 [tilespmem:s22], [sflag:$0x4], $0x10, s21, s18, $0xb8;
	[tilespmem:$0x1F780] =	vst v63  }
0x60: {  	_ =	swait.ge [sflag:s24], $0x3200  }
0x61: {  	s31 =	smov.u32 s30;
	s28 =	sadd.s32 $0x640, s28;
	[sflag:s24] =	ssyncset.done $0x0  }
0x62: {  	s0 =	sadd.s32 s29, s14;
	[sflag:s24] =	ssyncadd.s32 $0xFFFFCE00  }
0x63: {  	[tilespmem:s20], [sflag:$0x3] =	stream.linear.gather [hbm4b:s0+s3], $0x320, $0x38;
	[tilespmem:$0x1F780] =	vst v63  }
0x64: {  	_ =	swait.ge [sflag:s17], $0x320  }
0x65: {  	s30 =	sadd.s32 s29, s12;
	[sflag:s17] =	ssyncset.done $0x0  }
0x66: {  	s1 =	sadd.s32 $0x64, s30;
	[sflag:s17] =	ssyncadd.s32 $0xFFFFFCE0  }
0x67: {  	[tilespmem:s21], [sflag:$0x3] =	stream.linear.gather [hbm4b:s1+s3], $0x320, $0x38;
	[tilespmem:$0x1F780] =	vst v63  }
0x68: {  	_ =	swait.ge [sflag:s17], $0x320  }
0x69: {  	[sflag:s17] =	ssyncset.done $0x0  }
0x6a: {  	[sflag:s17] =	ssyncadd.s32 $0xFFFFFCE0  }
0x6b: {  	[tilespmem:s22], [sflag:$0x2] =	stream.indirect.gather [hbm4b:s4+s18], $0x10, s20, s18, $0xb8;
	[tilespmem:$0x1F780] =	vst v63  }
0x6c: {  	_ =	swait.ge [sflag:s23], $0x3200  }
0x6d: {  	[sflag:s23] =	ssyncset.done $0x0  }
0x6e: {  	[sflag:s23] =	ssyncadd.s32 $0xFFFFCE00  }
0x6f: {  	[spmem:s2] =	stream.indirect.scatter.add.f32 [tilespmem:s19], [sflag:$0x4], $0x10, s18, s18, $0xb8;
	[tilespmem:$0x1F780] =	vst v63  }
0x70: {  	_ =	swait.ge [sflag:s24], $0x3200  }
0x71: {  	s31 =	sshrl.u32 s28, $0x3;
	[sflag:s24] =	ssyncset.done $0x0  }
0x72: {  	s1 =	sadd.s32 s5, s31;
	[sflag:s24] =	ssyncadd.s32 $0xFFFFCE00  }
0x73: {  	[tilespmem:s3], [sflag:$0x3] =	stream.linear.gather [hbm4b:s1+s3], $0x320, $0x38;
	[tilespmem:$0x1F780] =	vst v63  }
0x74: {  	_ =	swait.ge [sflag:s17], $0x320  }
0x75: {  	[sflag:s17] =	ssyncset.done $0x0  }
0x76: {  	s0 =	sadd.s32 $0xC8, s30;
	[sflag:s17] =	ssyncadd.s32 $0xFFFFFCE0  }
0x77: {  	[tilespmem:s18], [sflag:$0x3] =	stream.linear.gather [hbm4b:s0+s3], $0x320, $0x38;
	[tilespmem:$0x1F780] =	vst v63  }
0x78: {  	_ =	swait.ge [sflag:s17], $0x320  }
0x79: {  	[sflag:s17] =	ssyncset.done $0x0  }
0x7a: {  	[sflag:s17] =	ssyncadd.s32 $0xFFFFFCE0  }
0x7b: {  	[tilespmem:s19], [sflag:$0x1] =	stream.indirect.gather [hbm4b:s4+s18], $0x10, s3, s18, $0xb8;
	[tilespmem:$0x1F780] =	vst v63  }
0x7c: {  	_ =	swait.ge [sflag:s25], $0x3200  }
0x7d: {  	[sflag:s25] =	ssyncset.done $0x0  }
0x7e: {  	[sflag:s25] =	ssyncadd.s32 $0xFFFFCE00  }
0x7f: {  	[spmem:s2] =	stream.indirect.scatter.add.f32 [tilespmem:s22], [sflag:$0x4], $0x10, s21, s18, $0xb8;
	[tilespmem:$0x1F780] =	vst v63  }
0x80: {  	_ =	swait.ge [sflag:s24], $0x3200  }
0x81: {  	[sflag:s24] =	ssyncset.done $0x0  }
0x82: {  	[sflag:s24] =	ssyncadd.s32 $0xFFFFCE00  }
0x83: {  	_ =	swait.ge [sflag:s23], $0x3200  }
0x84: {  	[sflag:s23] =	ssyncset.done $0x0  }
0x85: {  	[sflag:s23] =	ssyncadd.s32 $0xFFFFCE00  }
0x86: {  	[spmem:s2] =	stream.indirect.scatter.add.f32 [tilespmem:s19], [sflag:$0x4], $0x10, s18, s18, $0xb8;
	[tilespmem:$0x1F780] =	vst v63  }
0x87: {  	_ =	swait.ge [sflag:s24], $0x3200  }
0x88: {  	s26 =	sadd.s32 $0x1, s26;
	[sflag:s24] =	ssyncset.done $0x0  }
0x89: {  	p0 =	sne.s32 s26, s11;
	[sflag:s24] =	ssyncadd.s32 $0xFFFFCE00  }
.Ltmp1:
0x8a: {  	[bflag:$0x0] =	sbarrier.arrive $0xFFFF;
	(pc) =	sbr.rel @p0 .LBB2_1-.Ltmp1, $4  }
0x8b: {  	[hbm:s10], [sflag:s7] =	dma.local [spmem:s15], $0x30E0  }
0x8c: {  	_ =	swait.ge [sflag:s16], $0x30E0  }
0x8d: {  	[sflag:s16] =	ssyncset.done $0x0  }
0x8e: {  	[sflag:s16] =	ssyncadd.s32 $0xFFFFCF20  }
0x8f: {  	_ =	sfence.sel $0x180000  }
0x90: {  	[bflag:$0x0] =	sbarrier.arrive $0xFFFF  }
0x91: {  	_ =	strace $0x9000004D  }
0x92: {  	s0 =	stileid.u32;
	[bflag:$0x2] =	sbarrier.arrive $0xFFFF  }
0x93: {  	p0 =	sne.s32 s0, $0x0;
	s0 =	rddreg [dreg:$0x2]  }
0x94: {  	s0 =	sadd.s32 @!p0 $0x100000, s0  }
0x95: {  	[sflag:s0] =	ssyncadd.tile.s32 @!p0 $0x1;
	_ =	shalt  }
.Lfunc_end2:
_tile_overlayer_lowered:
.L_overlay_start_2:
0x96: {  	(tag) =	ssettag $0x2  }
0x97: {  	s0 =	rddreg [dreg:$0x0];
	s2 =	stileid.u32  }
0x98: {  	s1 =	rddreg [dreg:$0x1];
	p0 =	sne.s32 s2, $0x0  }
0x99: {  	s3 =	rddreg [dreg:$0x2];
	[bflag:$0x3] =	sbarrier.arrive $0xFFFF;
	s2 =	simm.s32 @!p0 $0x1C06  }
0x9a: {  	[timem:s3], [sflag:s2] =	dma.local @!p0 [hbm:s0], s1  }
0x9b: {  	s0 =	simm.s32 @!p0 $0x6  }
0x9c: {  	_ =	swait.ge @!p0 [sflag:s0], s1  }
0x9d: {  	s1 =	ssub.s32 @!p0 $0x0, s1;
	[sflag:s0] =	ssyncset.done @!p0 $0x0  }
0x9e: {  	[sflag:s0] =	ssyncadd.s32 @!p0 s1  }
0x9f: {  	[bflag:$0x3] =	sbarrier.arrive $0xFFFF  }
0xa0: {  	_ =	shalt  }

// kernel: kernel.14.cloned.1.call-start
scs
__scs_entry_jumppad:
0x0: {  	(pc) =	sbr.rel $0x88, $3  }
0x1: {  	(tag) =	ssettag $0x0;
	lr =	simm.s32 $0x1  }
0x2: {  	[smem:$0x3F93] =	sst lr;
	_ =	strace $0xD0000000  }
0x3: {  	_ = 	snop  }
0x4: {  	_ = 	snop  }
0x5: {  	_ = 	snop  }
0x6: {  	_ = 	snop  }
0x7: {  	_ = 	snop  }
__scs_overlays_trampoline_lowered:
0x8: {  	[smem:$0x3FA2] =	sst s0  }
0x9: {  	[smem:$0x3FA3] =	sst s1  }
0xa: {  	[smem:$0x3FA4] =	sst s2  }
0xb: {  	[smem:$0x3FA5] =	sst s3  }
0xc: {  	[smem:$0x3FA6] =	sst s4  }
0xd: {  	[smem:$0x3FA7] =	sst s5  }
0xe: {  	[smem:$0x3FA8] =	sst s6  }
0xf: {  	[smem:$0x3FA9] =	sst s7  }
0x10: {  	[smem:$0x3FAA] =	sst s8  }
0x11: {  	[smem:$0x3FAB] =	sst s9;
	s0 =	simm.s32 @!p0 $0x0  }
0x12: {  	s1 =	sld [smem:$0x3F91];
	s0 =	simm.s32 @p0 $0x1  }
0x13: {  	[smem:$0x3FAC] =	sst s0;
	s0 =	simm.s32 @!p1 $0x0  }
0x14: {  	s2 =	sld [smem:$0x3F90];
	s0 =	simm.s32 @p1 $0x1  }
0x15: {  	[smem:$0x3FAD] =	sst s0;
	s0 =	simm.s32 @!p2 $0x0  }
0x16: {  	s3 =	sld [smem:$0x3FDB];
	s0 =	simm.s32 @p2 $0x1  }
0x17: {  	s4 =	simm.s32 $0x1BF5;
	[smem:$0x3FAF] =	sst s0  }
0x18: {  	s0 =	sld [smem:$0x3F92];
	_ =	swait.ge [sflag:s4], $0x0  }
0x19: {  	s7 =	sld [smem:$0x3F93]  }
0x1a: {  	s8 =	sadd.s32 $0xFFFFE003, lr  }
0x1b: {  	s9 =	sadd.s32 $0xFFFFFEF7, lr;
	s5 =	simm.s32 $0xFFFFFFFF;
	p2 =	slt.u32 s8, $0xFFFFF086  }
0x1c: {  	p1 =	slt.u32 s9, $0xF7A;
	s5 =	simm.s32 @!p2 $0x0  }
0x1d: {  	s5 =	simm.s32 @p1 $0x1;
	p0 =	seq.s32 s7, s2  }
0x1e: {  	s7 =	smul.u32 @!p0 $0xF7A, s2;
	p2 =	seq.s32 @!p0 s5, $0x0  }
0x1f: {  	s9 =	smul.u32 $0xF7A, s1;
	s8 =	simm.s32 @!p0 $0x1BF5;
	p2 =	por !p2, p0  }
0x20: {  	[sflag:s8] =	ssyncset.s32 @!p0 $0xFFFFF086;
	s6 =	sadd.s32 @!p0 s3, s7;
	s7 =	simm.s32 @!p0 $0x108  }
0x21: {  	s3 =	sadd.s32 s3, s9;
	s6 =	sadd.s32 @!p0 $0x88, s6;
	s7 =	simm.s32 @p2 $0x1082  }
0x22: {  	[simem:s7], [sflag:s8] =	dma.local @!p0 [hbm:s6], $0xF7A  }
0x23: {  	s9 =	sor.u32 $0xD0000000, s2;
	s6 =	simm.s32 $0x108;
	_ =	swait.ge @!p0 [sflag:s8], $0x0  }
0x24: {  	s3 =	sadd.s32 $0x88, s3;
	s6 =	simm.s32 @!p1 $0x1082;
	[sflag:s4] =	ssyncset.s32 $0xFFFFF086  }
0x25: {  	[simem:s6], [sflag:s4] =	dma.local [hbm:s3], $0xF7A  }
0x26: {  	[smem:$0x3F93] =	sst s1;
	(tag) =	ssettag s2;
	_ =	strace s9  }
0x27: {  	s1 =	sld [smem:$0x3FA3]  }
0x28: {  	s2 =	sld [smem:$0x3FA4]  }
0x29: {  	s4 =	sld [smem:$0x3FA6]  }
0x2a: {  	p0 =	seq.s32 s5, $0x0;
	s5 =	sld [smem:$0x3FA7]  }
0x2b: {  	s6 =	sld [smem:$0x3FA8]  }
0x2c: {  	s7 =	sld [smem:$0x3FA9]  }
0x2d: {  	s3 =	simm.s32 $0x108;
	s8 =	sld [smem:$0x3FAA]  }
0x2e: {  	s3 =	simm.s32 @!p0 $0x1082;
	s9 =	sld [smem:$0x3FAB]  }
0x2f: {  	lr =	sadd.s32 s0, s3;
	s0 =	sld [smem:$0x3FA2]  }
0x30: {  	s3 =	sld [smem:$0x3FA5]  }
0x31: {  	[smem:$0x3FAE] =	sst s10  }
0x32: {  	s10 =	sld [smem:$0x3FAC];
	_ =	sdelay $0x3  }
0x33: {  	p0 =	seq.s32 s10, $0x1;
	s10 =	sld [smem:$0x3FAE];
	_ =	sdelay $0x3  }
0x34: {  	[smem:$0x3FAE] =	sst s10  }
0x35: {  	s10 =	sld [smem:$0x3FAD];
	_ =	sdelay $0x3  }
0x36: {  	p1 =	seq.s32 s10, $0x1;
	s10 =	sld [smem:$0x3FAE];
	_ =	sdelay $0x3  }
0x37: {  	[smem:$0x3FAE] =	sst s10  }
0x38: {  	s10 =	sld [smem:$0x3FAF]  }
0x39: {  	_ = 	snop;
	(pc) =	sbr.ind lr, $3  }
0x3a: {  	_ = 	snop  }
0x3b: {  	_ = 	snop  }
0x3c: {  	p2 =	seq.s32 s10, $0x1;
	s10 =	sld [smem:$0x3FAE]  }
0x3d: {  	_ =	shalt  }
0x3e: {  	_ =	shalt  }
0x3f: {  	_ =	shalt  }
0x40: {  	_ =	shalt  }
0x41: {  	_ =	shalt  }
0x42: {  	_ =	shalt  }
0x43: {  	_ =	shalt  }
0x44: {  	_ =	shalt  }
0x45: {  	_ =	shalt  }
0x46: {  	_ =	shalt  }
0x47: {  	_ =	shalt  }
0x48: {  	_ =	shalt  }
0x49: {  	_ =	shalt  }
0x4a: {  	_ =	shalt  }
0x4b: {  	_ =	shalt  }
0x4c: {  	_ =	shalt  }
0x4d: {  	_ =	shalt  }
0x4e: {  	_ =	shalt  }
0x4f: {  	_ =	shalt  }
0x50: {  	_ =	shalt  }
0x51: {  	_ =	shalt  }
0x52: {  	_ =	shalt  }
0x53: {  	_ =	shalt  }
0x54: {  	_ =	shalt  }
0x55: {  	_ =	shalt  }
0x56: {  	_ =	shalt  }
0x57: {  	_ =	shalt  }
0x58: {  	_ =	shalt  }
0x59: {  	_ =	shalt  }
0x5a: {  	_ =	shalt  }
0x5b: {  	_ =	shalt  }
0x5c: {  	_ =	shalt  }
0x5d: {  	_ =	shalt  }
0x5e: {  	_ =	shalt  }
0x5f: {  	_ =	shalt  }
0x60: {  	_ =	shalt  }
0x61: {  	_ =	shalt  }
0x62: {  	_ =	shalt  }
0x63: {  	_ =	shalt  }
0x64: {  	_ =	shalt  }
0x65: {  	_ =	shalt  }
0x66: {  	_ =	shalt  }
0x67: {  	_ =	shalt  }
0x68: {  	_ =	shalt  }
0x69: {  	_ =	shalt  }
0x6a: {  	_ =	shalt  }
0x6b: {  	_ =	shalt  }
0x6c: {  	_ =	shalt  }
0x6d: {  	_ =	shalt  }
0x6e: {  	_ =	shalt  }
0x6f: {  	_ =	shalt  }
0x70: {  	_ =	shalt  }
0x71: {  	_ =	shalt  }
0x72: {  	_ =	shalt  }
0x73: {  	_ =	shalt  }
0x74: {  	_ =	shalt  }
0x75: {  	_ =	shalt  }
0x76: {  	_ =	shalt  }
0x77: {  	_ =	shalt  }
0x78: {  	_ =	shalt  }
0x79: {  	_ =	shalt  }
0x7a: {  	_ =	shalt  }
0x7b: {  	_ =	shalt  }
0x7c: {  	_ =	shalt  }
0x7d: {  	_ =	shalt  }
0x7e: {  	_ =	shalt  }
0x7f: {  	_ =	shalt  }
0x80: {  	_ =	shalt  }
0x81: {  	_ =	shalt  }
0x82: {  	_ =	shalt  }
0x83: {  	_ =	shalt  }
0x84: {  	_ =	shalt  }
0x85: {  	_ =	shalt  }
0x86: {  	_ =	shalt  }
0x87: {  	_ =	shalt  }
.Lfunc_end0:
.L_simem_size_0:
called_computation.3_lowered:
.L_overlay_start_0:
0x88: {  	s2 =	sld [smem:$0x3FD9]  }
0x89: {  	s3 =	sld [smem:$0x3FFE];
	_ =	sdelay $0x1  }
0x8a: {  	s1 =	srdreg.scid  }
0x8b: {  	s0 =	sand.u32 $0x1, s1  }
0x8c: {  	s16 =	sshll.u32 s0, $0xA;
	s2 =	sadd.s32 s3, s2  }
0x8d: {  	s2 =	sadd.s32 s2, s16  }
0x8e: {  	[smem:$0x3FBA] =	sst s2  }
0x8f: {  	_ = 	snop  }
0x90: {  	(tm) =	ssettm $0x1  }
0x91: {  	s17 =	sld [smem:$0x3FFB];
	_ =	sdelay $0x3  }
0x92: {  	_ =	strace s17  }
0x93: {  	s2 =	sld [smem:$0x3FFC];
	_ =	sdelay $0x3  }
0x94: {  	_ =	strace s2  }
0x95: {  	s2 =	sld [smem:$0x3FFD];
	_ =	sdelay $0x3  }
0x96: {  	_ =	strace s2  }
0x97: {  	_ =	strace $0x8FFFFFFF  }
0x98: {  	s18 =	sld [smem:$0x3FDB];
	_ =	sdelay $0x1  }
0x99: {  	s19 =	simm.s32 $_scs_section_size  }
0x9a: {  	s4 =	simm.s32 $_size__tile_overlayer_lowered;
	s5 =	simm.s32 $_tile_overlayer_lowered  }
0x9b: {  	s22 =	simm.s32 $0x1BFF;
	s21 =	sshll.u32 s5, $0x1;
	s2 =	sadd.s32 s19, s18  }
0x9c: {  	s6 =	simm.s32 $0x0;
	s20 =	sshll.u32 s4, $0x1;
	s4 =	sadd.s32 s21, s2  }
0x9d: {  	[timem:s6], [sflag:s22] =	dma.local [hbm:s4], s20  }
0x9e: {  	_ =	swait.ge [sflag:s22], s20  }
0x9f: {  	s3 =	ssub.s32 $0x0, s20;
	[sflag:s22] =	ssyncset.done $0x0  }
0xa0: {  	[sflag:s22] =	ssyncadd.s32 s3;
	_ =	sdelay $0x1  }
0xa1: {  	s23 =	simm.s32 $0x1B8B  }
0xa2: {  	_ =	swait.ge [sflag:s23], $0x1  }
0xa3: {  	[sflag:s23] =	ssyncset.done $0x0  }
0xa4: {  	s25 =	simm.s32 $0x1B8E;
	s24 =	sld [smem:$0x3FFE];
	[sflag:s23] =	ssyncadd.s32 $0xFFFFFFFF  }
0xa5: {  	s26 =	simm.s32 $execute0_lowered;
	[smem:$0x3FD2] =	sst s25  }
0xa6: {  	s4 =	sshll.u32 s26, $0x1;
	_ =	strace $0x8000004F;
	[dreg:$0x1] =	wrdreg $0xFFFFFFFF  }
0xa7: {  	s28 =	simm.s32 $_size_execute0_lowered;
	s2 =	sadd.s32 s2, s4;
	[dreg:$0x0] =	wrdreg $0x0  }
0xa8: {  	s4 =	sshll.u32 s28, $0x1;
	[dreg:$0x2] =	wrdreg s2  }
0xa9: {  	[dreg:$0x3] =	wrdreg s4  }
0xaa: {  	[dreg:$0x4] =	wrdreg $0xC0  }
0xab: {  	_ =	task [dreg:s6], $0x5FFFF  }
0xac: {  	[dreg:$0x1] =	wrdreg $0xFFFFFFFF  }
0xad: {  	[dreg:$0x0] =	wrdreg $0x60  }
0xae: {  	[dreg:$0x2] =	wrdreg s24  }
0xaf: {  	[dreg:$0x3] =	wrdreg $0x70800  }
0xb0: {  	[dreg:$0x4] =	wrdreg $0x9  }
0xb1: {  	_ =	task.clear_ibuf [dreg:s6], $0x5FFFF;
	_ =	strace $0x9000004F  }
0xb2: {  	s29 =	simm.s32 $0x9;
	_ =	strace $0x80000051  }
0xb3: {  	_ =	swait.ge [sflag:s29], $0x1  }
0xb4: {  	[sflag:s29] =	ssyncadd.s32 $0xFFFFFFFF  }
0xb5: {  	_ =	strace $0x90000051  }
0xb6: {  	_ =	sfence  }
0xb7: {  	s30 =	sld [smem:$0x0];
	_ =	sdelay $0x2  }
0xb8: {  	s31 =	sshll.u32 s1, $0xD;
	s1 =	sshrl.u32 s1, $0x2  }
0xb9: {  	s3 =	sand.u32 $0x4000, s31;
	s1 =	sadd.s32 s1, s30  }
0xba: {  	s0 =	sor.u32 s3, s0;
	s1 =	sshll.u32 s1, $0x11  }
0xbb: {  	s0 =	sor.u32 s1, s0  }
0xbc: {  	s0 =	sadd.s32 $0x8F2B, s0  }
0xbd: {  	[sflag:s0] =	ssyncadd.remote.s32 $0x1  }
0xbe: {  	_ =	sfence.sel $0xFFFF  }
0xbf: {  	[dreg:$0x0] =	wrdreg $0xFFFFFFFF;
	(pc) =	sbr.abs _section_cstart, $3  }
0xc0: {  	[dreg:$0x1] =	wrdreg $0xFFFFFFFF  }
0xc1: {  	_ =	task.clear_ibuf [dreg:s6], $0x2FFFF;
	_ =	strace $0x9FFFFFFF  }
0xc2: {  	(tm) =	ssettm $0x7FFFFFFF  }
0xc3: {  	_ =	shalt  }
tec
execute0_lowered:
.L_overlay_start_1:
0x0: {  	(tag) =	ssettag $0x1  }
0x1: {  	s0 =	rddreg [dreg:$0x0]  }
0x2: {  	s1 =	rddreg [dreg:$0x1]  }
0x3: {  	s2 =	simm.s32 $0x0;
	s7 =	srdreg.scid;
	s18 =	stileid.u32  }
0x4: {  	s28 =	simm.s32 $0x1;
	s29 =	simm.s32 $0x4;
	s30 =	simm.s32 $0x2  }
0x5: {  	s31 =	simm.s32 $0x0;
	s5 =	sadd.s32 $0x49CC00, s0;
	s8 =	smul.u32 $0x61C00, s18  }
0x6: {  	[smem:$0x7FF] =	sst s2;
	s3 =	sadd.s32 $0x1D34800, s0;
	s10 =	smul.u32 $0x1870, s18  }
0x7: {  	s4 =	sadd.s32 $0x313000, s0;
	s6 =	sadd.s32 $0x499A00, s0;
	s26 =	smul.u32 $0x186A0, s18  }
0x8: {  	s7 =	sand.u32 $0x1, s7;
	s0 =	sadd.s32 $0x560200, s0;
	s23 =	smul.u32 $0x30D4, s18  }
0x9: {  	s19 =	sshll.u32 s18, $0x6;
	_ =	strace $0x80000050;
	s12 =	smul.u32 $0x30D400, s7  }
0xa: {  	s9 =	ssub.s32 $0x2, s7;
	s14 =	smul.u32 $0x30E00, s7;
	s15 =	sshllo.u32 s7, $0x1  }
0xb: {  	s7 =	sor.u32 $0x1C05, s19;
	s11 =	sshrl.u32 s9, $0x1;
	s20 =	smul.u32 $0x186A00, s15  }
0xc: {  	s8 =	sshrl.u32 s8, $0x2;
	s17 =	sshrl.u32 s26, $0x3;
	s15 =	smul.u32 $0x18700, s15  }
0xd: {  	s13 =	ssub.s32 s9, s11;
	s16 =	sadd.s32 s26, s12;
	s14 =	sadd.s32 s10, s14  }
0xe: {  	s8 =	sadd.s32 s8, s1;
	s21 =	sshrl.u32 s16, $0x3;
	s14 =	sshll.u32 s14, $0x1  }
0xf: {  	s11 =	sadd.s32 s26, s20;
	s10 =	sadd.s32 s10, s15;
	s13 =	smax.u32 s13, $0x1  }
0x10: {  	s24 =	sadd.s32 $0x320, s16;
	s15 =	sadd.s32 s23, s3;
	s25 =	sadd.s32 $0x187040, s16  }
0x11: {  	s26 =	sadd.s32 $0x186D20, s16;
	s19 =	sshrl.u32 s8, $0x3;
	s20 =	simm.s32 $0x5  }
0x12: {  	s23 =	simm.s32 $0xC80;
	s9 =	sadd.s32 s5, s21;
	s22 =	sadd.s32 s0, s14  }
0x13: {  	s11 =	sshrl.u32 s11, $0x3;
	s10 =	sshll.u32 s10, $0x1;
	s14 =	sadd.s32 $0x640, s16  }
0x14: {  	s21 =	simm.s32 $0x3;
	[dreg:$0x3] =	wrdreg s9;
	s9 =	sadd.s32 s3, s17  }
0x15: {  	[dreg:$0x4] =	wrdreg s22;
	s11 =	sadd.s32 s5, s11;
	s0 =	sadd.s32 s0, s10  }
0x16: {  	s10 =	sshrl.u32 s24, $0x3;
	s3 =	sshrl.u32 s26, $0x3;
	s22 =	simm.s32 $0x320  }
0x17: {  	s24 =	simm.s32 $0x640;
	s26 =	simm.s32 $0x3E80;
	[dreg:$0x5] =	wrdreg s11  }
0x18: {  	[dreg:$0x6] =	wrdreg s0;
	s0 =	sshrl.u32 s25, $0x3;
	s16 =	sadd.s32 s10, s5  }
0x19: {  	s18 =	sadd.s32 s3, s5;
	s25 =	simm.s32 $0x960;
	s17 =	sadd.s32 s0, s5  }
.LBB2_1:
0x1a: {  	[spmem:s19], [sflag:s7] =	dma.local [hbm:s6], $0x30E0  }
0x1b: {  	_ =	swait.ge [sflag:s20], $0x30E0  }
0x1c: {  	[sflag:s20] =	ssyncset.done $0x0  }
0x1d: {  	[sflag:s20] =	ssyncadd.s32 $0xFFFFCF20  }
0x1e: {  	[bflag:$0x0] =	sbarrier.arrive $0xFFFF  }
0x1f: {  	s0 =	rddreg [dreg:$0x3]  }
0x20: {  	[tilespmem:s2], [sflag:$0x3] =	stream.linear.gather [hbm4b:s0+s2], $0x320, $0x38;
	[tilespmem:$0x1F780] =	vst v63  }
0x21: {  	_ =	swait.ge [sflag:s21], $0x320  }
0x22: {  	[sflag:s21] =	ssyncset.done $0x0  }
0x23: {  	[sflag:s21] =	ssyncadd.s32 $0xFFFFFCE0  }
0x24: {  	[tilespmem:s22], [sflag:$0x3] =	stream.linear.gather [hbm4b:s9+s2], $0x320, $0x38;
	[tilespmem:$0x1F780] =	vst v63  }
0x25: {  	_ =	swait.ge [sflag:s21], $0x320  }
0x26: {  	[sflag:s21] =	ssyncset.done $0x0  }
0x27: {  	[sflag:s21] =	ssyncadd.s32 $0xFFFFFCE0  }
0x28: {  	[tilespmem:s23], [sflag:$0x1] =	stream.indirect.gather [hbm4b:s4+s22], $0x10, s2, s22, $0xb8;
	[tilespmem:$0x1F780] =	vst v63  }
0x29: {  	s10 =	sadd.s32 $0x0, s16  }
0x2a: {  	[tilespmem:s24], [sflag:$0x3] =	stream.linear.gather [hbm4b:s10+s2], $0x320, $0x38;
	[tilespmem:$0x1F780] =	vst v63  }
0x2b: {  	_ =	swait.ge [sflag:s21], $0x320  }
0x2c: {  	s11 =	sadd.s32 $0x0, s15;
	[sflag:s21] =	ssyncset.done $0x0  }
0x2d: {  	s3 =	sadd.s32 $0x64, s11;
	[sflag:s21] =	ssyncadd.s32 $0xFFFFFCE0  }
0x2e: {  	[tilespmem:s25], [sflag:$0x3] =	stream.linear.gather [hbm4b:s3+s2], $0x320, $0x38;
	[tilespmem:$0x1F780] =	vst v63  }
0x2f: {  	_ =	swait.ge [sflag:s21], $0x320  }
0x30: {  	[sflag:s21] =	ssyncset.done $0x0  }
0x31: {  	[sflag:s21] =	ssyncadd.s32 $0xFFFFFCE0  }
0x32: {  	[tilespmem:s26], [sflag:$0x2] =	stream.indirect.gather [hbm4b:s4+s22], $0x10, s24, s22, $0xb8;
	[tilespmem:$0x1F780] =	vst v63  }
0x33: {  	_ =	swait.ge [sflag:s28], $0x3200  }
0x34: {  	[sflag:s28] =	ssyncset.done $0x0  }
0x35: {  	[sflag:s28] =	ssyncadd.s32 $0xFFFFCE00  }
0x36: {  	[spmem:s1] =	stream.indirect.scatter.add.f32 [tilespmem:s23], [sflag:$0x4], $0x10, s22, s22, $0xb8;
	[tilespmem:$0x1F780] =	vst v63  }
0x37: {  	_ =	swait.ge [sflag:s29], $0x3200  }
0x38: {  	s12 =	sshrl.u32 s14, $0x3;
	[sflag:s29] =	ssyncset.done $0x0  }
0x39: {  	s3 =	sadd.s32 s5, s12;
	[sflag:s29] =	ssyncadd.s32 $0xFFFFCE00  }
0x3a: {  	[tilespmem:s2], [sflag:$0x3] =	stream.linear.gather [hbm4b:s3+s2], $0x320, $0x38;
	[tilespmem:$0x1F780] =	vst v63  }
0x3b: {  	_ =	swait.ge [sflag:s21], $0x320  }
0x3c: {  	[sflag:s21] =	ssyncset.done $0x0  }
0x3d: {  	s0 =	sadd.s32 $0xC8, s11;
	[sflag:s21] =	ssyncadd.s32 $0xFFFFFCE0  }
0x3e: {  	[tilespmem:s22], [sflag:$0x3] =	stream.linear.gather [hbm4b:s0+s2], $0x320, $0x38;
	[tilespmem:$0x1F780] =	vst v63  }
0x3f: {  	_ =	swait.ge [sflag:s21], $0x320  }
0x40: {  	[sflag:s21] =	ssyncset.done $0x0  }
0x41: {  	[sflag:s21] =	ssyncadd.s32 $0xFFFFFCE0  }
0x42: {  	[tilespmem:s23], [sflag:$0x1] =	stream.indirect.gather [hbm4b:s4+s22], $0x10, s2, s22, $0xb8;
	[tilespmem:$0x1F780] =	vst v63  }
0x43: {  	_ =	swait.ge [sflag:s30], $0x3200  }
0x44: {  	[sflag:s30] =	ssyncset.done $0x0  }
0x45: {  	[sflag:s30] =	ssyncadd.s32 $0xFFFFCE00  }
0x46: {  	[spmem:s1] =	stream.indirect.scatter.add.f32 [tilespmem:s26], [sflag:$0x4], $0x10, s25, s22, $0xb8;
	[tilespmem:$0x1F780] =	vst v63  }
0x47: {  	s8 =	simm.s32 $0x190;
	_ =	swait.ge [sflag:s29], $0x3200  }
0x48: {  	s3 =	simm.s32 $0xC8;
	s0 =	sadd.s32 $0x640, s14;
	[sflag:s29] =	ssyncset.done $0x0  }
.LBB2_2:
0x49: {  	s11 =	sadd.s32 s3, s16  }
0x4a: {  	[sflag:s29] =	ssyncadd.s32 $0xFFFFCE00;
	s12 =	smov.u32 s8;
	s10 =	sadd.s32 $0xC8, s8  }
0x4b: {  	[tilespmem:s24], [sflag:$0x3] =	stream.linear.gather [hbm4b:s11+s2], $0x320, $0x38;
	[tilespmem:$0x1F780] =	vst v63  }
0x4c: {  	p0 =	sne.s32 s8, $0x2FA8;
	_ =	swait.ge [sflag:s21], $0x320  }
0x4d: {  	s8 =	sadd.s32 s3, s15;
	s3 =	smov.u32 s12;
	[sflag:s21] =	ssyncset.done $0x0  }
0x4e: {  	s11 =	sadd.s32 $0x64, s8;
	[sflag:s21] =	ssyncadd.s32 $0xFFFFFCE0  }
0x4f: {  	[tilespmem:s25], [sflag:$0x3] =	stream.linear.gather [hbm4b:s11+s2], $0x320, $0x38;
	[tilespmem:$0x1F780] =	vst v63  }
0x50: {  	_ =	swait.ge [sflag:s21], $0x320  }
0x51: {  	[sflag:s21] =	ssyncset.done $0x0  }
0x52: {  	[sflag:s21] =	ssyncadd.s32 $0xFFFFFCE0  }
0x53: {  	[tilespmem:s26], [sflag:$0x2] =	stream.indirect.gather [hbm4b:s4+s22], $0x10, s24, s22, $0xb8;
	[tilespmem:$0x1F780] =	vst v63  }
0x54: {  	_ =	swait.ge [sflag:s28], $0x3200  }
0x55: {  	[sflag:s28] =	ssyncset.done $0x0  }
0x56: {  	[sflag:s28] =	ssyncadd.s32 $0xFFFFCE00  }
0x57: {  	[spmem:s1] =	stream.indirect.scatter.add.f32 [tilespmem:s23], [sflag:$0x4], $0x10, s22, s22, $0xb8;
	[tilespmem:$0x1F780] =	vst v63  }
0x58: {  	_ =	swait.ge [sflag:s29], $0x3200  }
0x59: {  	s11 =	sshrl.u32 s0, $0x3;
	[sflag:s29] =	ssyncset.done $0x0  }
0x5a: {  	s11 =	sadd.s32 s5, s11;
	[sflag:s29] =	ssyncadd.s32 $0xFFFFCE00  }
0x5b: {  	[tilespmem:s2], [sflag:$0x3] =	stream.linear.gather [hbm4b:s11+s2], $0x320, $0x38;
	[tilespmem:$0x1F780] =	vst v63  }
0x5c: {  	_ =	swait.ge [sflag:s21], $0x320  }
0x5d: {  	[sflag:s21] =	ssyncset.done $0x0  }
0x5e: {  	s8 =	sadd.s32 $0xC8, s8;
	[sflag:s21] =	ssyncadd.s32 $0xFFFFFCE0  }
0x5f: {  	[tilespmem:s22], [sflag:$0x3] =	stream.linear.gather [hbm4b:s8+s2], $0x320, $0x38;
	[tilespmem:$0x1F780] =	vst v63  }
0x60: {  	_ =	swait.ge [sflag:s21], $0x320  }
0x61: {  	[sflag:s21] =	ssyncset.done $0x0  }
0x62: {  	[sflag:s21] =	ssyncadd.s32 $0xFFFFFCE0  }
0x63: {  	[tilespmem:s23], [sflag:$0x1] =	stream.indirect.gather [hbm4b:s4+s22], $0x10, s2, s22, $0xb8;
	[tilespmem:$0x1F780] =	vst v63  }
0x64: {  	_ =	swait.ge [sflag:s30], $0x3200  }
.Ltmp0:
0x65: {  	[sflag:s30] =	ssyncset.done $0x0;
	(pc) =	sbr.rel @p0 .LBB2_2-.Ltmp0, $4  }
0x66: {  	[sflag:s30] =	ssyncadd.s32 $0xFFFFCE00  }
0x67: {  	[spmem:s1] =	stream.indirect.scatter.add.f32 [tilespmem:s26], [sflag:$0x4], $0x10, s25, s22, $0xb8;
	[tilespmem:$0x1F780] =	vst v63  }
0x68: {  	_ =	swait.ge [sflag:s29], $0x3200  }
0x69: {  	s0 =	sadd.s32 $0x640, s0;
	s8 =	smov.u32 s10;
	[sflag:s29] =	ssyncset.done $0x0  }
0x6a: {  	s8 =	sadd.s32 s3, s16;
	[sflag:s29] =	ssyncadd.s32 $0xFFFFCE00  }
0x6b: {  	[tilespmem:s24], [sflag:$0x3] =	stream.linear.gather [hbm4b:s8+s2], $0x320, $0x38;
	[tilespmem:$0x1F780] =	vst v63  }
0x6c: {  	_ =	swait.ge [sflag:s21], $0x320  }
0x6d: {  	s11 =	sadd.s32 s3, s15;
	[sflag:s21] =	ssyncset.done $0x0  }
0x6e: {  	s12 =	sadd.s32 $0x64, s11;
	[sflag:s21] =	ssyncadd.s32 $0xFFFFFCE0  }
0x6f: {  	[tilespmem:s25], [sflag:$0x3] =	stream.linear.gather [hbm4b:s12+s2], $0x320, $0x38;
	[tilespmem:$0x1F780] =	vst v63  }
0x70: {  	_ =	swait.ge [sflag:s21], $0x320  }
0x71: {  	[sflag:s21] =	ssyncset.done $0x0  }
0x72: {  	[sflag:s21] =	ssyncadd.s32 $0xFFFFFCE0  }
0x73: {  	[tilespmem:s26], [sflag:$0x2] =	stream.indirect.gather [hbm4b:s4+s22], $0x10, s24, s22, $0xb8;
	[tilespmem:$0x1F780] =	vst v63  }
0x74: {  	_ =	swait.ge [sflag:s28], $0x3200  }
0x75: {  	[sflag:s28] =	ssyncset.done $0x0  }
0x76: {  	[sflag:s28] =	ssyncadd.s32 $0xFFFFCE00  }
0x77: {  	[spmem:s1] =	stream.indirect.scatter.add.f32 [tilespmem:s23], [sflag:$0x4], $0x10, s22, s22, $0xb8;
	[tilespmem:$0x1F780] =	vst v63  }
0x78: {  	_ =	swait.ge [sflag:s29], $0x3200  }
0x79: {  	s0 =	sshrl.u32 s0, $0x3;
	[sflag:s29] =	ssyncset.done $0x0  }
0x7a: {  	s0 =	sadd.s32 s5, s0;
	[sflag:s29] =	ssyncadd.s32 $0xFFFFCE00  }
0x7b: {  	[tilespmem:s2], [sflag:$0x3] =	stream.linear.gather [hbm4b:s0+s2], $0x320, $0x38;
	[tilespmem:$0x1F780] =	vst v63  }
0x7c: {  	_ =	swait.ge [sflag:s21], $0x320  }
0x7d: {  	[sflag:s21] =	ssyncset.done $0x0  }
0x7e: {  	s8 =	sadd.s32 $0xC8, s11;
	[sflag:s21] =	ssyncadd.s32 $0xFFFFFCE0  }
0x7f: {  	[tilespmem:s22], [sflag:$0x3] =	stream.linear.gather [hbm4b:s8+s2], $0x320, $0x38;
	[tilespmem:$0x1F780] =	vst v63  }
0x80: {  	_ =	swait.ge [sflag:s21], $0x320  }
0x81: {  	[sflag:s21] =	ssyncset.done $0x0  }
0x82: {  	[sflag:s21] =	ssyncadd.s32 $0xFFFFFCE0  }
0x83: {  	[tilespmem:s23], [sflag:$0x1] =	stream.indirect.gather [hbm4b:s4+s22], $0x10, s2, s22, $0xb8;
	[tilespmem:$0x1F780] =	vst v63  }
0x84: {  	_ =	swait.ge [sflag:s30], $0x3200  }
0x85: {  	[sflag:s30] =	ssyncset.done $0x0  }
0x86: {  	[sflag:s30] =	ssyncadd.s32 $0xFFFFCE00  }
0x87: {  	[spmem:s1] =	stream.indirect.scatter.add.f32 [tilespmem:s26], [sflag:$0x4], $0x10, s25, s22, $0xb8;
	[tilespmem:$0x1F780] =	vst v63  }
0x88: {  	_ =	swait.ge [sflag:s29], $0x3200  }
0x89: {  	[sflag:s29] =	ssyncset.done $0x0  }
0x8a: {  	[sflag:s29] =	ssyncadd.s32 $0xFFFFCE00  }
0x8b: {  	_ =	swait.ge [sflag:s28], $0x3200  }
0x8c: {  	[sflag:s28] =	ssyncset.done $0x0  }
0x8d: {  	[sflag:s28] =	ssyncadd.s32 $0xFFFFCE00  }
0x8e: {  	[spmem:s1] =	stream.indirect.scatter.add.f32 [tilespmem:s23], [sflag:$0x4], $0x10, s22, s22, $0xb8;
	[tilespmem:$0x1F780] =	vst v63  }
0x8f: {  	_ =	swait.ge [sflag:s29], $0x3200  }
0x90: {  	[sflag:s29] =	ssyncset.done $0x0  }
0x91: {  	[sflag:s29] =	ssyncadd.s32 $0xFFFFCE00  }
0x92: {  	[bflag:$0x0] =	sbarrier.arrive $0xFFFF  }
0x93: {  	s10 =	rddreg [dreg:$0x4]  }
0x94: {  	[hbm:s10], [sflag:s7] =	dma.local [spmem:s19], $0x30E0  }
0x95: {  	_ =	swait.ge [sflag:s20], $0x30E0  }
0x96: {  	[sflag:s20] =	ssyncset.done $0x0  }
0x97: {  	[sflag:s20] =	ssyncadd.s32 $0xFFFFCF20  }
0x98: {  	[bflag:$0x0] =	sbarrier.arrive $0xFFFF  }
0x99: {  	[spmem:s19], [sflag:s7] =	dma.local [hbm:s6], $0x30E0  }
0x9a: {  	_ =	swait.ge [sflag:s20], $0x30E0  }
0x9b: {  	[sflag:s20] =	ssyncset.done $0x0  }
0x9c: {  	[sflag:s20] =	ssyncadd.s32 $0xFFFFCF20  }
0x9d: {  	[bflag:$0x0] =	sbarrier.arrive $0xFFFF  }
0x9e: {  	s11 =	simm.s32 $0x0;
	s12 =	rddreg [dreg:$0x5]  }
0x9f: {  	[tilespmem:s11], [sflag:$0x3] =	stream.linear.gather [hbm4b:s12+s11], $0x320, $0x38;
	[tilespmem:$0x1F780] =	vst v63  }
0xa0: {  	_ =	swait.ge [sflag:s21], $0x320  }
0xa1: {  	[sflag:s21] =	ssyncset.done $0x0  }
0xa2: {  	[sflag:s21] =	ssyncadd.s32 $0xFFFFFCE0  }
0xa3: {  	[tilespmem:s22], [sflag:$0x3] =	stream.linear.gather [hbm4b:s9+s11], $0x320, $0x38;
	[tilespmem:$0x1F780] =	vst v63  }
0xa4: {  	_ =	swait.ge [sflag:s21], $0x320  }
0xa5: {  	[sflag:s21] =	ssyncset.done $0x0  }
0xa6: {  	[sflag:s21] =	ssyncadd.s32 $0xFFFFFCE0  }
0xa7: {  	[tilespmem:s23], [sflag:$0x1] =	stream.indirect.gather [hbm4b:s4+s22], $0x10, s11, s22, $0xb8;
	[tilespmem:$0x1F780] =	vst v63  }
0xa8: {  	s8 =	sadd.s32 $0x0, s18  }
0xa9: {  	[tilespmem:s24], [sflag:$0x3] =	stream.linear.gather [hbm4b:s8+s2], $0x320, $0x38;
	[tilespmem:$0x1F780] =	vst v63  }
0xaa: {  	_ =	swait.ge [sflag:s21], $0x320  }
0xab: {  	s10 =	sadd.s32 $0x0, s15;
	[sflag:s21] =	ssyncset.done $0x0  }
0xac: {  	s11 =	sadd.s32 $0x64, s10;
	[sflag:s21] =	ssyncadd.s32 $0xFFFFFCE0  }
0xad: {  	[tilespmem:s25], [sflag:$0x3] =	stream.linear.gather [hbm4b:s11+s2], $0x320, $0x38;
	[tilespmem:$0x1F780] =	vst v63  }
0xae: {  	_ =	swait.ge [sflag:s21], $0x320  }
0xaf: {  	[sflag:s21] =	ssyncset.done $0x0  }
0xb0: {  	[sflag:s21] =	ssyncadd.s32 $0xFFFFFCE0  }
0xb1: {  	[tilespmem:s26], [sflag:$0x2] =	stream.indirect.gather [hbm4b:s4+s22], $0x10, s24, s22, $0xb8;
	[tilespmem:$0x1F780] =	vst v63  }
0xb2: {  	_ =	swait.ge [sflag:s28], $0x3200  }
0xb3: {  	[sflag:s28] =	ssyncset.done $0x0  }
0xb4: {  	[sflag:s28] =	ssyncadd.s32 $0xFFFFCE00  }
0xb5: {  	[spmem:s1] =	stream.indirect.scatter.add.f32 [tilespmem:s23], [sflag:$0x4], $0x10, s22, s22, $0xb8;
	[tilespmem:$0x1F780] =	vst v63  }
0xb6: {  	_ =	swait.ge [sflag:s29], $0x3200  }
0xb7: {  	[sflag:s29] =	ssyncset.done $0x0  }
0xb8: {  	s12 =	sadd.s32 $0x0, s17;
	[sflag:s29] =	ssyncadd.s32 $0xFFFFCE00  }
0xb9: {  	[tilespmem:s2], [sflag:$0x3] =	stream.linear.gather [hbm4b:s12+s2], $0x320, $0x38;
	[tilespmem:$0x1F780] =	vst v63  }
0xba: {  	_ =	swait.ge [sflag:s21], $0x320  }
0xbb: {  	[sflag:s21] =	ssyncset.done $0x0  }
0xbc: {  	s0 =	sadd.s32 $0xC8, s10;
	[sflag:s21] =	ssyncadd.s32 $0xFFFFFCE0  }
0xbd: {  	[tilespmem:s22], [sflag:$0x3] =	stream.linear.gather [hbm4b:s0+s2], $0x320, $0x38;
	[tilespmem:$0x1F780] =	vst v63  }
0xbe: {  	_ =	swait.ge [sflag:s21], $0x320  }
0xbf: {  	[sflag:s21] =	ssyncset.done $0x0  }
0xc0: {  	[sflag:s21] =	ssyncadd.s32 $0xFFFFFCE0  }
0xc1: {  	[tilespmem:s23], [sflag:$0x1] =	stream.indirect.gather [hbm4b:s4+s22], $0x10, s2, s22, $0xb8;
	[tilespmem:$0x1F780] =	vst v63  }
0xc2: {  	_ =	swait.ge [sflag:s30], $0x3200  }
0xc3: {  	[sflag:s30] =	ssyncset.done $0x0  }
0xc4: {  	[sflag:s30] =	ssyncadd.s32 $0xFFFFCE00  }
0xc5: {  	[spmem:s1] =	stream.indirect.scatter.add.f32 [tilespmem:s26], [sflag:$0x4], $0x10, s25, s22, $0xb8;
	[tilespmem:$0x1F780] =	vst v63  }
0xc6: {  	_ =	swait.ge [sflag:s29], $0x3200  }
0xc7: {  	s8 =	simm.s32 $0x190;
	s0 =	simm.s32 $0xC8;
	[sflag:s29] =	ssyncset.done $0x0  }
.LBB2_4:
0xc8: {  	s10 =	sadd.s32 s0, s18  }
0xc9: {  	[sflag:s29] =	ssyncadd.s32 $0xFFFFCE00;
	s11 =	smov.u32 s8;
	s3 =	sadd.s32 $0xC8, s8  }
0xca: {  	[tilespmem:s24], [sflag:$0x3] =	stream.linear.gather [hbm4b:s10+s2], $0x320, $0x38;
	[tilespmem:$0x1F780] =	vst v63  }
0xcb: {  	p0 =	sne.s32 s8, $0x2FA8;
	_ =	swait.ge [sflag:s21], $0x320  }
0xcc: {  	s8 =	sadd.s32 s0, s15;
	[sflag:s21] =	ssyncset.done $0x0  }
0xcd: {  	s10 =	sadd.s32 $0x64, s8;
	[sflag:s21] =	ssyncadd.s32 $0xFFFFFCE0  }
0xce: {  	[tilespmem:s25], [sflag:$0x3] =	stream.linear.gather [hbm4b:s10+s2], $0x320, $0x38;
	[tilespmem:$0x1F780] =	vst v63  }
0xcf: {  	_ =	swait.ge [sflag:s21], $0x320  }
0xd0: {  	[sflag:s21] =	ssyncset.done $0x0  }
0xd1: {  	[sflag:s21] =	ssyncadd.s32 $0xFFFFFCE0  }
0xd2: {  	[tilespmem:s26], [sflag:$0x2] =	stream.indirect.gather [hbm4b:s4+s22], $0x10, s24, s22, $0xb8;
	[tilespmem:$0x1F780] =	vst v63  }
0xd3: {  	_ =	swait.ge [sflag:s28], $0x3200  }
0xd4: {  	[sflag:s28] =	ssyncset.done $0x0  }
0xd5: {  	[sflag:s28] =	ssyncadd.s32 $0xFFFFCE00  }
0xd6: {  	[spmem:s1] =	stream.indirect.scatter.add.f32 [tilespmem:s23], [sflag:$0x4], $0x10, s22, s22, $0xb8;
	[tilespmem:$0x1F780] =	vst v63  }
0xd7: {  	_ =	swait.ge [sflag:s29], $0x3200  }
0xd8: {  	[sflag:s29] =	ssyncset.done $0x0  }
0xd9: {  	s10 =	sadd.s32 s0, s17;
	s0 =	smov.u32 s11;
	[sflag:s29] =	ssyncadd.s32 $0xFFFFCE00  }
0xda: {  	[tilespmem:s2], [sflag:$0x3] =	stream.linear.gather [hbm4b:s10+s2], $0x320, $0x38;
	[tilespmem:$0x1F780] =	vst v63  }
0xdb: {  	_ =	swait.ge [sflag:s21], $0x320  }
0xdc: {  	[sflag:s21] =	ssyncset.done $0x0  }
0xdd: {  	s8 =	sadd.s32 $0xC8, s8;
	[sflag:s21] =	ssyncadd.s32 $0xFFFFFCE0  }
0xde: {  	[tilespmem:s22], [sflag:$0x3] =	stream.linear.gather [hbm4b:s8+s2], $0x320, $0x38;
	[tilespmem:$0x1F780] =	vst v63  }
0xdf: {  	_ =	swait.ge [sflag:s21], $0x320  }
0xe0: {  	[sflag:s21] =	ssyncset.done $0x0  }
0xe1: {  	[sflag:s21] =	ssyncadd.s32 $0xFFFFFCE0  }
0xe2: {  	[tilespmem:s23], [sflag:$0x1] =	stream.indirect.gather [hbm4b:s4+s22], $0x10, s2, s22, $0xb8;
	[tilespmem:$0x1F780] =	vst v63  }
0xe3: {  	_ =	swait.ge [sflag:s30], $0x3200  }
.Ltmp1:
0xe4: {  	[sflag:s30] =	ssyncset.done $0x0;
	(pc) =	sbr.rel @p0 .LBB2_4-.Ltmp1, $4  }
0xe5: {  	[sflag:s30] =	ssyncadd.s32 $0xFFFFCE00  }
0xe6: {  	[spmem:s1] =	stream.indirect.scatter.add.f32 [tilespmem:s26], [sflag:$0x4], $0x10, s25, s22, $0xb8;
	[tilespmem:$0x1F780] =	vst v63  }
0xe7: {  	_ =	swait.ge [sflag:s29], $0x3200  }
0xe8: {  	s8 =	smov.u32 s3;
	[sflag:s29] =	ssyncset.done $0x0  }
0xe9: {  	s3 =	sadd.s32 s0, s18;
	[sflag:s29] =	ssyncadd.s32 $0xFFFFCE00  }
0xea: {  	[tilespmem:s24], [sflag:$0x3] =	stream.linear.gather [hbm4b:s3+s2], $0x320, $0x38;
	[tilespmem:$0x1F780] =	vst v63  }
0xeb: {  	_ =	swait.ge [sflag:s21], $0x320  }
0xec: {  	s12 =	sadd.s32 s0, s15;
	[sflag:s21] =	ssyncset.done $0x0  }
0xed: {  	s8 =	sadd.s32 $0x64, s12;
	[sflag:s21] =	ssyncadd.s32 $0xFFFFFCE0  }
0xee: {  	[tilespmem:s25], [sflag:$0x3] =	stream.linear.gather [hbm4b:s8+s2], $0x320, $0x38;
	[tilespmem:$0x1F780] =	vst v63  }
0xef: {  	_ =	swait.ge [sflag:s21], $0x320  }
0xf0: {  	[sflag:s21] =	ssyncset.done $0x0  }
0xf1: {  	[sflag:s21] =	ssyncadd.s32 $0xFFFFFCE0  }
0xf2: {  	[tilespmem:s26], [sflag:$0x2] =	stream.indirect.gather [hbm4b:s4+s22], $0x10, s24, s22, $0xb8;
	[tilespmem:$0x1F780] =	vst v63  }
0xf3: {  	_ =	swait.ge [sflag:s28], $0x3200  }
0xf4: {  	[sflag:s28] =	ssyncset.done $0x0  }
0xf5: {  	[sflag:s28] =	ssyncadd.s32 $0xFFFFCE00  }
0xf6: {  	[spmem:s1] =	stream.indirect.scatter.add.f32 [tilespmem:s23], [sflag:$0x4], $0x10, s22, s22, $0xb8;
	[tilespmem:$0x1F780] =	vst v63  }
0xf7: {  	_ =	swait.ge [sflag:s29], $0x3200  }
0xf8: {  	[sflag:s29] =	ssyncset.done $0x0  }
0xf9: {  	s10 =	sadd.s32 s0, s17;
	[sflag:s29] =	ssyncadd.s32 $0xFFFFCE00  }
0xfa: {  	[tilespmem:s2], [sflag:$0x3] =	stream.linear.gather [hbm4b:s10+s2], $0x320, $0x38;
	[tilespmem:$0x1F780] =	vst v63  }
0xfb: {  	_ =	swait.ge [sflag:s21], $0x320  }
0xfc: {  	[sflag:s21] =	ssyncset.done $0x0  }
0xfd: {  	s11 =	sadd.s32 $0xC8, s12;
	[sflag:s21] =	ssyncadd.s32 $0xFFFFFCE0  }
0xfe: {  	[tilespmem:s22], [sflag:$0x3] =	stream.linear.gather [hbm4b:s11+s2], $0x320, $0x38;
	[tilespmem:$0x1F780] =	vst v63  }
0xff: {  	_ =	swait.ge [sflag:s21], $0x320  }
0x100: {  	[sflag:s21] =	ssyncset.done $0x0  }
0x101: {  	[sflag:s21] =	ssyncadd.s32 $0xFFFFFCE0  }
0x102: {  	[tilespmem:s23], [sflag:$0x1] =	stream.indirect.gather [hbm4b:s4+s22], $0x10, s2, s22, $0xb8;
	[tilespmem:$0x1F780] =	vst v63  }
0x103: {  	_ =	swait.ge [sflag:s30], $0x3200  }
0x104: {  	[sflag:s30] =	ssyncset.done $0x0  }
0x105: {  	[sflag:s30] =	ssyncadd.s32 $0xFFFFCE00  }
0x106: {  	[spmem:s1] =	stream.indirect.scatter.add.f32 [tilespmem:s26], [sflag:$0x4], $0x10, s25, s22, $0xb8;
	[tilespmem:$0x1F780] =	vst v63  }
0x107: {  	_ =	swait.ge [sflag:s29], $0x3200  }
0x108: {  	[sflag:s29] =	ssyncset.done $0x0  }
0x109: {  	[sflag:s29] =	ssyncadd.s32 $0xFFFFCE00  }
0x10a: {  	_ =	swait.ge [sflag:s28], $0x3200  }
0x10b: {  	[sflag:s28] =	ssyncset.done $0x0  }
0x10c: {  	[sflag:s28] =	ssyncadd.s32 $0xFFFFCE00  }
0x10d: {  	[spmem:s1] =	stream.indirect.scatter.add.f32 [tilespmem:s23], [sflag:$0x4], $0x10, s22, s22, $0xb8;
	[tilespmem:$0x1F780] =	vst v63  }
0x10e: {  	_ =	swait.ge [sflag:s29], $0x3200  }
0x10f: {  	[sflag:s29] =	ssyncset.done $0x0  }
0x110: {  	[sflag:s29] =	ssyncadd.s32 $0xFFFFCE00  }
0x111: {  	s31 =	sadd.s32 $0x1, s31;
	[bflag:$0x0] =	sbarrier.arrive $0xFFFF  }
0x112: {  	p0 =	sne.s32 s31, s13;
	s12 =	rddreg [dreg:$0x6]  }
0x113: {  	[hbm:s12], [sflag:s7] =	dma.local [spmem:s19], $0x30E0  }
.Ltmp2:
0x114: {  	_ =	swait.ge [sflag:s20], $0x30E0;
	(pc) =	sbr.rel @p0 .LBB2_1-.Ltmp2, $3  }
0x115: {  	[sflag:s20] =	ssyncset.done $0x0  }
0x116: {  	[sflag:s20] =	ssyncadd.s32 $0xFFFFCF20  }
0x117: {  	[bflag:$0x0] =	sbarrier.arrive $0xFFFF;
	_ =	sdelay $0x1  }
0x118: {  	_ =	sfence.sel $0x180000  }
0x119: {  	[bflag:$0x0] =	sbarrier.arrive $0xFFFF  }
0x11a: {  	_ =	strace $0x90000050  }
0x11b: {  	s0 =	stileid.u32;
	[bflag:$0x2] =	sbarrier.arrive $0xFFFF  }
0x11c: {  	p0 =	sne.s32 s0, $0x0;
	s0 =	rddreg [dreg:$0x2]  }
0x11d: {  	s0 =	sadd.s32 @!p0 $0x100000, s0  }
0x11e: {  	[sflag:s0] =	ssyncadd.tile.s32 @!p0 $0x1;
	_ =	shalt  }
.Lfunc_end2:
_tile_overlayer_lowered:
.L_overlay_start_2:
0x11f: {  	(tag) =	ssettag $0x2  }
0x120: {  	s0 =	rddreg [dreg:$0x0];
	s2 =	stileid.u32  }
0x121: {  	s1 =	rddreg [dreg:$0x1];
	p0 =	sne.s32 s2, $0x0  }
0x122: {  	s3 =	rddreg [dreg:$0x2];
	[bflag:$0x3] =	sbarrier.arrive $0xFFFF;
	s2 =	simm.s32 @!p0 $0x1C06  }
0x123: {  	[timem:s3], [sflag:s2] =	dma.local @!p0 [hbm:s0], s1  }
0x124: {  	s0 =	simm.s32 @!p0 $0x6  }
0x125: {  	_ =	swait.ge @!p0 [sflag:s0], s1  }
0x126: {  	s1 =	ssub.s32 @!p0 $0x0, s1;
	[sflag:s0] =	ssyncset.done @!p0 $0x0  }
0x127: {  	[sflag:s0] =	ssyncadd.s32 @!p0 s1  }
0x128: {  	[bflag:$0x3] =	sbarrier.arrive $0xFFFF  }
0x129: {  	_ =	shalt  }

// kernel: kernel.8.cloned.1.call-start
scs
__scs_entry_jumppad:
0x0: {  	(pc) =	sbr.rel $0x88, $3  }
0x1: {  	(tag) =	ssettag $0x0;
	lr =	simm.s32 $0x1  }
0x2: {  	[smem:$0x3F93] =	sst lr;
	_ =	strace $0xD0000000  }
0x3: {  	_ = 	snop  }
0x4: {  	_ = 	snop  }
0x5: {  	_ = 	snop  }
0x6: {  	_ = 	snop  }
0x7: {  	_ = 	snop  }
__scs_overlays_trampoline_lowered:
0x8: {  	[smem:$0x3FA2] =	sst s0  }
0x9: {  	[smem:$0x3FA3] =	sst s1  }
0xa: {  	[smem:$0x3FA4] =	sst s2  }
0xb: {  	[smem:$0x3FA5] =	sst s3  }
0xc: {  	[smem:$0x3FA6] =	sst s4  }
0xd: {  	[smem:$0x3FA7] =	sst s5  }
0xe: {  	[smem:$0x3FA8] =	sst s6  }
0xf: {  	[smem:$0x3FA9] =	sst s7  }
0x10: {  	[smem:$0x3FAA] =	sst s8  }
0x11: {  	[smem:$0x3FAB] =	sst s9;
	s0 =	simm.s32 @!p0 $0x0  }
0x12: {  	s1 =	sld [smem:$0x3F91];
	s0 =	simm.s32 @p0 $0x1  }
0x13: {  	[smem:$0x3FAC] =	sst s0;
	s0 =	simm.s32 @!p1 $0x0  }
0x14: {  	s2 =	sld [smem:$0x3F90];
	s0 =	simm.s32 @p1 $0x1  }
0x15: {  	[smem:$0x3FAD] =	sst s0;
	s0 =	simm.s32 @!p2 $0x0  }
0x16: {  	s3 =	sld [smem:$0x3FDB];
	s0 =	simm.s32 @p2 $0x1  }
0x17: {  	s4 =	simm.s32 $0x1BF5;
	[smem:$0x3FAF] =	sst s0  }
0x18: {  	s0 =	sld [smem:$0x3F92];
	_ =	swait.ge [sflag:s4], $0x0  }
0x19: {  	s7 =	sld [smem:$0x3F93]  }
0x1a: {  	s8 =	sadd.s32 $0xFFFFE003, lr  }
0x1b: {  	s9 =	sadd.s32 $0xFFFFFEF7, lr;
	s5 =	simm.s32 $0xFFFFFFFF;
	p2 =	slt.u32 s8, $0xFFFFF086  }
0x1c: {  	p1 =	slt.u32 s9, $0xF7A;
	s5 =	simm.s32 @!p2 $0x0  }
0x1d: {  	s5 =	simm.s32 @p1 $0x1;
	p0 =	seq.s32 s7, s2  }
0x1e: {  	s7 =	smul.u32 @!p0 $0xF7A, s2;
	p2 =	seq.s32 @!p0 s5, $0x0  }
0x1f: {  	s9 =	smul.u32 $0xF7A, s1;
	s8 =	simm.s32 @!p0 $0x1BF5;
	p2 =	por !p2, p0  }
0x20: {  	[sflag:s8] =	ssyncset.s32 @!p0 $0xFFFFF086;
	s6 =	sadd.s32 @!p0 s3, s7;
	s7 =	simm.s32 @!p0 $0x108  }
0x21: {  	s3 =	sadd.s32 s3, s9;
	s6 =	sadd.s32 @!p0 $0x88, s6;
	s7 =	simm.s32 @p2 $0x1082  }
0x22: {  	[simem:s7], [sflag:s8] =	dma.local @!p0 [hbm:s6], $0xF7A  }
0x23: {  	s9 =	sor.u32 $0xD0000000, s2;
	s6 =	simm.s32 $0x108;
	_ =	swait.ge @!p0 [sflag:s8], $0x0  }
0x24: {  	s3 =	sadd.s32 $0x88, s3;
	s6 =	simm.s32 @!p1 $0x1082;
	[sflag:s4] =	ssyncset.s32 $0xFFFFF086  }
0x25: {  	[simem:s6], [sflag:s4] =	dma.local [hbm:s3], $0xF7A  }
0x26: {  	[smem:$0x3F93] =	sst s1;
	(tag) =	ssettag s2;
	_ =	strace s9  }
0x27: {  	s1 =	sld [smem:$0x3FA3]  }
0x28: {  	s2 =	sld [smem:$0x3FA4]  }
0x29: {  	s4 =	sld [smem:$0x3FA6]  }
0x2a: {  	p0 =	seq.s32 s5, $0x0;
	s5 =	sld [smem:$0x3FA7]  }
0x2b: {  	s6 =	sld [smem:$0x3FA8]  }
0x2c: {  	s7 =	sld [smem:$0x3FA9]  }
0x2d: {  	s3 =	simm.s32 $0x108;
	s8 =	sld [smem:$0x3FAA]  }
0x2e: {  	s3 =	simm.s32 @!p0 $0x1082;
	s9 =	sld [smem:$0x3FAB]  }
0x2f: {  	lr =	sadd.s32 s0, s3;
	s0 =	sld [smem:$0x3FA2]  }
0x30: {  	s3 =	sld [smem:$0x3FA5]  }
0x31: {  	[smem:$0x3FAE] =	sst s10  }
0x32: {  	s10 =	sld [smem:$0x3FAC];
	_ =	sdelay $0x3  }
0x33: {  	p0 =	seq.s32 s10, $0x1;
	s10 =	sld [smem:$0x3FAE];
	_ =	sdelay $0x3  }
0x34: {  	[smem:$0x3FAE] =	sst s10  }
0x35: {  	s10 =	sld [smem:$0x3FAD];
	_ =	sdelay $0x3  }
0x36: {  	p1 =	seq.s32 s10, $0x1;
	s10 =	sld [smem:$0x3FAE];
	_ =	sdelay $0x3  }
0x37: {  	[smem:$0x3FAE] =	sst s10  }
0x38: {  	s10 =	sld [smem:$0x3FAF]  }
0x39: {  	_ = 	snop;
	(pc) =	sbr.ind lr, $3  }
0x3a: {  	_ = 	snop  }
0x3b: {  	_ = 	snop  }
0x3c: {  	p2 =	seq.s32 s10, $0x1;
	s10 =	sld [smem:$0x3FAE]  }
0x3d: {  	_ =	shalt  }
0x3e: {  	_ =	shalt  }
0x3f: {  	_ =	shalt  }
0x40: {  	_ =	shalt  }
0x41: {  	_ =	shalt  }
0x42: {  	_ =	shalt  }
0x43: {  	_ =	shalt  }
0x44: {  	_ =	shalt  }
0x45: {  	_ =	shalt  }
0x46: {  	_ =	shalt  }
0x47: {  	_ =	shalt  }
0x48: {  	_ =	shalt  }
0x49: {  	_ =	shalt  }
0x4a: {  	_ =	shalt  }
0x4b: {  	_ =	shalt  }
0x4c: {  	_ =	shalt  }
0x4d: {  	_ =	shalt  }
0x4e: {  	_ =	shalt  }
0x4f: {  	_ =	shalt  }
0x50: {  	_ =	shalt  }
0x51: {  	_ =	shalt  }
0x52: {  	_ =	shalt  }
0x53: {  	_ =	shalt  }
0x54: {  	_ =	shalt  }
0x55: {  	_ =	shalt  }
0x56: {  	_ =	shalt  }
0x57: {  	_ =	shalt  }
0x58: {  	_ =	shalt  }
0x59: {  	_ =	shalt  }
0x5a: {  	_ =	shalt  }
0x5b: {  	_ =	shalt  }
0x5c: {  	_ =	shalt  }
0x5d: {  	_ =	shalt  }
0x5e: {  	_ =	shalt  }
0x5f: {  	_ =	shalt  }
0x60: {  	_ =	shalt  }
0x61: {  	_ =	shalt  }
0x62: {  	_ =	shalt  }
0x63: {  	_ =	shalt  }
0x64: {  	_ =	shalt  }
0x65: {  	_ =	shalt  }
0x66: {  	_ =	shalt  }
0x67: {  	_ =	shalt  }
0x68: {  	_ =	shalt  }
0x69: {  	_ =	shalt  }
0x6a: {  	_ =	shalt  }
0x6b: {  	_ =	shalt  }
0x6c: {  	_ =	shalt  }
0x6d: {  	_ =	shalt  }
0x6e: {  	_ =	shalt  }
0x6f: {  	_ =	shalt  }
0x70: {  	_ =	shalt  }
0x71: {  	_ =	shalt  }
0x72: {  	_ =	shalt  }
0x73: {  	_ =	shalt  }
0x74: {  	_ =	shalt  }
0x75: {  	_ =	shalt  }
0x76: {  	_ =	shalt  }
0x77: {  	_ =	shalt  }
0x78: {  	_ =	shalt  }
0x79: {  	_ =	shalt  }
0x7a: {  	_ =	shalt  }
0x7b: {  	_ =	shalt  }
0x7c: {  	_ =	shalt  }
0x7d: {  	_ =	shalt  }
0x7e: {  	_ =	shalt  }
0x7f: {  	_ =	shalt  }
0x80: {  	_ =	shalt  }
0x81: {  	_ =	shalt  }
0x82: {  	_ =	shalt  }
0x83: {  	_ =	shalt  }
0x84: {  	_ =	shalt  }
0x85: {  	_ =	shalt  }
0x86: {  	_ =	shalt  }
0x87: {  	_ =	shalt  }
.Lfunc_end0:
.L_simem_size_0:
called_computation.1_lowered:
.L_overlay_start_0:
0x88: {  	s2 =	sld [smem:$0x3FD9]  }
0x89: {  	s3 =	sld [smem:$0x3FFE];
	_ =	sdelay $0x1  }
0x8a: {  	s1 =	srdreg.scid  }
0x8b: {  	s0 =	sand.u32 $0x1, s1  }
0x8c: {  	s16 =	sshll.u32 s0, $0xA;
	s2 =	sadd.s32 s3, s2  }
0x8d: {  	s2 =	sadd.s32 s2, s16  }
0x8e: {  	[smem:$0x3FBA] =	sst s2  }
0x8f: {  	_ = 	snop  }
0x90: {  	(tm) =	ssettm $0x1  }
0x91: {  	s17 =	sld [smem:$0x3FFB];
	_ =	sdelay $0x3  }
0x92: {  	_ =	strace s17  }
0x93: {  	s2 =	sld [smem:$0x3FFC];
	_ =	sdelay $0x3  }
0x94: {  	_ =	strace s2  }
0x95: {  	s2 =	sld [smem:$0x3FFD];
	_ =	sdelay $0x3  }
0x96: {  	_ =	strace s2  }
0x97: {  	_ =	strace $0x8FFFFFFF  }
0x98: {  	s18 =	sld [smem:$0x3FDB];
	_ =	sdelay $0x1  }
0x99: {  	s19 =	simm.s32 $_scs_section_size  }
0x9a: {  	s4 =	simm.s32 $_size__tile_overlayer_lowered;
	s5 =	simm.s32 $_tile_overlayer_lowered  }
0x9b: {  	s22 =	simm.s32 $0x1BFF;
	s21 =	sshll.u32 s5, $0x1;
	s2 =	sadd.s32 s19, s18  }
0x9c: {  	s6 =	simm.s32 $0x0;
	s20 =	sshll.u32 s4, $0x1;
	s4 =	sadd.s32 s21, s2  }
0x9d: {  	[timem:s6], [sflag:s22] =	dma.local [hbm:s4], s20  }
0x9e: {  	_ =	swait.ge [sflag:s22], s20  }
0x9f: {  	s3 =	ssub.s32 $0x0, s20;
	[sflag:s22] =	ssyncset.done $0x0  }
0xa0: {  	[sflag:s22] =	ssyncadd.s32 s3;
	_ =	sdelay $0x1  }
0xa1: {  	s23 =	simm.s32 $0x1B8B  }
0xa2: {  	_ =	swait.ge [sflag:s23], $0x1  }
0xa3: {  	[sflag:s23] =	ssyncset.done $0x0  }
0xa4: {  	s25 =	simm.s32 $0x1B8E;
	s24 =	sld [smem:$0x3FFE];
	[sflag:s23] =	ssyncadd.s32 $0xFFFFFFFF  }
0xa5: {  	s26 =	simm.s32 $execute0_lowered;
	[smem:$0x3FD2] =	sst s25  }
0xa6: {  	s4 =	sshll.u32 s26, $0x1;
	_ =	strace $0x80000049;
	[dreg:$0x1] =	wrdreg $0xFFFFFFFF  }
0xa7: {  	s28 =	simm.s32 $_size_execute0_lowered;
	s2 =	sadd.s32 s2, s4;
	[dreg:$0x0] =	wrdreg $0x0  }
0xa8: {  	s4 =	sshll.u32 s28, $0x1;
	[dreg:$0x2] =	wrdreg s2  }
0xa9: {  	[dreg:$0x3] =	wrdreg s4  }
0xaa: {  	[dreg:$0x4] =	wrdreg $0xC0  }
0xab: {  	_ =	task [dreg:s6], $0x5FFFF  }
0xac: {  	[dreg:$0x1] =	wrdreg $0xFFFFFFFF  }
0xad: {  	[dreg:$0x0] =	wrdreg $0x60  }
0xae: {  	[dreg:$0x2] =	wrdreg s24  }
0xaf: {  	[dreg:$0x3] =	wrdreg $0x6A400  }
0xb0: {  	[dreg:$0x4] =	wrdreg $0x9  }
0xb1: {  	_ =	task.clear_ibuf [dreg:s6], $0x5FFFF;
	_ =	strace $0x90000049  }
0xb2: {  	s29 =	simm.s32 $0x9;
	_ =	strace $0x8000004B  }
0xb3: {  	_ =	swait.ge [sflag:s29], $0x1  }
0xb4: {  	[sflag:s29] =	ssyncadd.s32 $0xFFFFFFFF  }
0xb5: {  	_ =	strace $0x9000004B  }
0xb6: {  	_ =	sfence  }
0xb7: {  	s30 =	sld [smem:$0x0];
	_ =	sdelay $0x2  }
0xb8: {  	s31 =	sshll.u32 s1, $0xD;
	s1 =	sshrl.u32 s1, $0x2  }
0xb9: {  	s3 =	sand.u32 $0x4000, s31;
	s1 =	sadd.s32 s1, s30  }
0xba: {  	s0 =	sor.u32 s3, s0;
	s1 =	sshll.u32 s1, $0x11  }
0xbb: {  	s0 =	sor.u32 s1, s0  }
0xbc: {  	s0 =	sadd.s32 $0x8F2B, s0  }
0xbd: {  	[sflag:s0] =	ssyncadd.remote.s32 $0x1  }
0xbe: {  	_ =	sfence.sel $0xFFFF  }
0xbf: {  	[dreg:$0x0] =	wrdreg $0xFFFFFFFF;
	(pc) =	sbr.abs _section_cstart, $3  }
0xc0: {  	[dreg:$0x1] =	wrdreg $0xFFFFFFFF  }
0xc1: {  	_ =	task.clear_ibuf [dreg:s6], $0x2FFFF;
	_ =	strace $0x9FFFFFFF  }
0xc2: {  	(tm) =	ssettm $0x7FFFFFFF  }
0xc3: {  	_ =	shalt  }
tec
execute0_lowered:
.L_overlay_start_1:
0x0: {  	(tag) =	ssettag $0x1  }
0x1: {  	s5 =	rddreg [dreg:$0x0]  }
0x2: {  	s2 =	rddreg [dreg:$0x1]  }
0x3: {  	s0 =	rddreg [dreg:$0x2];
	s1 =	stileid.u32  }
0x4: {  	s3 =	simm.s32 $0x0;
	s6 =	srdreg.scid;
	s16 =	simm.s32 $0x18  }
0x5: {  	s17 =	simm.s32 $0x640;
	s18 =	simm.s32 $0x320;
	s19 =	simm.s32 $0x3840  }
0x6: {  	s20 =	simm.s32 $0x1;
	s21 =	simm.s32 $0x4;
	s4 =	smul.u32 $0x30D4, s1  }
0x7: {  	s22 =	simm.s32 $0x2;
	s23 =	simm.s32 $0x0;
	s25 =	smul.u32 $0x30E0, s1  }
0x8: {  	[smem:$0x7FF] =	sst s3;
	s10 =	sand.u32 $0x1, s6;
	s12 =	smul.u32 $0x61C00, s1  }
0x9: {  	s9 =	sadd.s32 $0x5C00, s5;
	s29 =	sshll.u32 s1, $0x6;
	s15 =	smul.u32 $0x493E0, s1  }
0xa: {  	_ =	strace $0x8000004A;
	s7 =	smul.u32 $0x30E00, s10;
	s8 =	ssub.s32 $0x2, s10  }
0xb: {  	s30 =	sadd.s32 s9, s10;
	s11 =	sadd.s32 s4, s5;
	s4 =	sadd.s32 $0x499A00, s5  }
0xc: {  	s26 =	sshrl.u32 s8, $0x1;
	s28 =	sshrl.u32 s12, $0x2;
	s31 =	sadd.s32 s15, s9  }
0xd: {  	s6 =	sadd.s32 s25, s7;
	s14 =	ssub.s32 s8, s26;
	s12 =	sadd.s32 s28, s2  }
0xe: {  	s7 =	sadd.s32 s15, s30;
	s10 =	sadd.s32 s10, s31;
	s15 =	simm.s32 $0x10  }
0xf: {  	s13 =	sadd.s32 s6, s5;
	s5 =	sor.u32 $0x1C05, s29;
	s6 =	sadd.s32 $0x1D03A00, s11  }
0x10: {  	s9 =	smax.u32 s14, $0x1;
	s11 =	sadd.s32 $0x1D03AC8, s11;
	s12 =	sshrl.u32 s12, $0x3  }
0x11: {  	s14 =	simm.s32 $0x3;
	s8 =	sadd.s32 $0x49CC00, s13;
	s13 =	simm.s32 $0x5  }
.LBB2_1:
0x12: {  	[spmem:s12], [sflag:s5] =	dma.local [hbm:s4], $0x30E0  }
0x13: {  	_ =	swait.ge [sflag:s13], $0x30E0  }
0x14: {  	[sflag:s13] =	ssyncset.done $0x0  }
0x15: {  	[sflag:s13] =	ssyncadd.s32 $0xFFFFCF20  }
0x16: {  	[bflag:$0x0] =	sbarrier.arrive $0xFFFF  }
0x17: {  	[tilespmem:s3], [sflag:$0x3] =	stream.linear.gather [hbm4b:s6+s3], $0x320, $0x38;
	[tilespmem:$0x1F140] =	vst v63  }
0x18: {  	_ =	swait.ge [sflag:s14], $0x320  }
0x19: {  	[sflag:s14] =	ssyncset.done $0x0  }
0x1a: {  	[sflag:s14] =	ssyncadd.s32 $0xFFFFFCE0  }
0x1b: {  	[tilespmem:s17], [sflag:$0x1] =	stream.strided.gather [hbm4b:s7+s15], $0x3200, s16, s15, $0x38;
	[tilespmem:$0x1F140] =	vst v63  }
0x1c: {  	s24 =	sadd.s32 $0xFFFFFF9C, s11  }
0x1d: {  	[tilespmem:s18], [sflag:$0x3] =	stream.linear.gather [hbm4b:s24+s3], $0x320, $0x38;
	[tilespmem:$0x1F140] =	vst v63  }
0x1e: {  	_ =	swait.ge [sflag:s14], $0x320  }
0x1f: {  	s31 =	sadd.s32 $0x0, s10;
	[sflag:s14] =	ssyncset.done $0x0  }
0x20: {  	s25 =	sadd.s32 $0x960, s31;
	[sflag:s14] =	ssyncadd.s32 $0xFFFFFCE0  }
0x21: {  	[tilespmem:s19], [sflag:$0x2] =	stream.strided.gather [hbm4b:s25+s15], $0x3200, s16, s15, $0x38;
	[tilespmem:$0x1F140] =	vst v63  }
0x22: {  	_ =	swait.ge [sflag:s20], $0x3200  }
0x23: {  	[sflag:s20] =	ssyncset.done $0x0  }
0x24: {  	[sflag:s20] =	ssyncadd.s32 $0xFFFFCE00  }
0x25: {  	[spmem:s2] =	stream.indirect.scatter.add.f32 [tilespmem:s17], [sflag:$0x4], $0x10, s3, s18, $0xb8;
	[tilespmem:$0x1F140] =	vst v63  }
0x26: {  	_ =	swait.ge [sflag:s21], $0x3200  }
0x27: {  	[sflag:s21] =	ssyncset.done $0x0  }
0x28: {  	[sflag:s21] =	ssyncadd.s32 $0xFFFFCE00  }
0x29: {  	[tilespmem:s3], [sflag:$0x3] =	stream.linear.gather [hbm4b:s11+s3], $0x320, $0x38;
	[tilespmem:$0x1F140] =	vst v63  }
0x2a: {  	_ =	swait.ge [sflag:s14], $0x320  }
0x2b: {  	[sflag:s14] =	ssyncset.done $0x0  }
0x2c: {  	s24 =	sadd.s32 $0x12C0, s31;
	[sflag:s14] =	ssyncadd.s32 $0xFFFFFCE0  }
0x2d: {  	[tilespmem:s17], [sflag:$0x1] =	stream.strided.gather [hbm4b:s24+s15], $0x3200, s16, s15, $0x38;
	[tilespmem:$0x1F140] =	vst v63  }
0x2e: {  	_ =	swait.ge [sflag:s22], $0x3200  }
0x2f: {  	[sflag:s22] =	ssyncset.done $0x0  }
0x30: {  	[sflag:s22] =	ssyncadd.s32 $0xFFFFCE00  }
0x31: {  	[spmem:s2] =	stream.indirect.scatter.add.f32 [tilespmem:s19], [sflag:$0x4], $0x10, s18, s18, $0xb8;
	[tilespmem:$0x1F140] =	vst v63  }
0x32: {  	s26 =	simm.s32 $0x2580;
	_ =	swait.ge [sflag:s21], $0x3200  }
0x33: {  	s25 =	simm.s32 $0x12C0;
	s24 =	sadd.s32 $0xC8, s11;
	[sflag:s21] =	ssyncset.done $0x0  }
.LBB2_2:
0x34: {  	p0 =	sne.s32 s26, $0x477C0;
	s28 =	sadd.s32 $0xFFFFFF9C, s24;
	[sflag:s21] =	ssyncadd.s32 $0xFFFFCE00  }
0x35: {  	[tilespmem:s18], [sflag:$0x3] =	stream.linear.gather [hbm4b:s28+s3], $0x320, $0x38;
	[tilespmem:$0x1F140] =	vst v63  }
0x36: {  	s28 =	smov.u32 s26;
	s26 =	sadd.s32 $0x12C0, s26;
	_ =	swait.ge [sflag:s14], $0x320  }
0x37: {  	s29 =	sadd.s32 s25, s10;
	s25 =	smov.u32 s28;
	[sflag:s14] =	ssyncset.done $0x0  }
0x38: {  	s28 =	sadd.s32 $0x960, s29;
	[sflag:s14] =	ssyncadd.s32 $0xFFFFFCE0  }
0x39: {  	[tilespmem:s19], [sflag:$0x2] =	stream.strided.gather [hbm4b:s28+s15], $0x3200, s16, s15, $0x38;
	[tilespmem:$0x1F140] =	vst v63  }
0x3a: {  	_ =	swait.ge [sflag:s20], $0x3200  }
0x3b: {  	[sflag:s20] =	ssyncset.done $0x0  }
0x3c: {  	[sflag:s20] =	ssyncadd.s32 $0xFFFFCE00  }
0x3d: {  	[spmem:s2] =	stream.indirect.scatter.add.f32 [tilespmem:s17], [sflag:$0x4], $0x10, s3, s18, $0xb8;
	[tilespmem:$0x1F140] =	vst v63  }
0x3e: {  	_ =	swait.ge [sflag:s21], $0x3200  }
0x3f: {  	[sflag:s21] =	ssyncset.done $0x0  }
0x40: {  	[sflag:s21] =	ssyncadd.s32 $0xFFFFCE00  }
0x41: {  	[tilespmem:s3], [sflag:$0x3] =	stream.linear.gather [hbm4b:s24+s3], $0x320, $0x38;
	[tilespmem:$0x1F140] =	vst v63  }
0x42: {  	_ =	swait.ge [sflag:s14], $0x320  }
0x43: {  	[sflag:s14] =	ssyncset.done $0x0  }
0x44: {  	s28 =	sadd.s32 $0x12C0, s29;
	[sflag:s14] =	ssyncadd.s32 $0xFFFFFCE0  }
0x45: {  	[tilespmem:s17], [sflag:$0x1] =	stream.strided.gather [hbm4b:s28+s15], $0x3200, s16, s15, $0x38;
	[tilespmem:$0x1F140] =	vst v63  }
0x46: {  	_ =	swait.ge [sflag:s22], $0x3200  }
.Ltmp0:
0x47: {  	[sflag:s22] =	ssyncset.done $0x0;
	(pc) =	sbr.rel @p0 .LBB2_2-.Ltmp0, $4  }
0x48: {  	[sflag:s22] =	ssyncadd.s32 $0xFFFFCE00  }
0x49: {  	[spmem:s2] =	stream.indirect.scatter.add.f32 [tilespmem:s19], [sflag:$0x4], $0x10, s18, s18, $0xb8;
	[tilespmem:$0x1F140] =	vst v63  }
0x4a: {  	_ =	swait.ge [sflag:s21], $0x3200  }
0x4b: {  	s24 =	sadd.s32 $0xC8, s24;
	[sflag:s21] =	ssyncset.done $0x0  }
0x4c: {  	s26 =	sadd.s32 $0xFFFFFF9C, s24;
	[sflag:s21] =	ssyncadd.s32 $0xFFFFCE00  }
0x4d: {  	[tilespmem:s18], [sflag:$0x3] =	stream.linear.gather [hbm4b:s26+s3], $0x320, $0x38;
	[tilespmem:$0x1F140] =	vst v63  }
0x4e: {  	_ =	swait.ge [sflag:s14], $0x320  }
0x4f: {  	s25 =	sadd.s32 s25, s10;
	[sflag:s14] =	ssyncset.done $0x0  }
0x50: {  	s30 =	sadd.s32 $0x960, s25;
	[sflag:s14] =	ssyncadd.s32 $0xFFFFFCE0  }
0x51: {  	[tilespmem:s19], [sflag:$0x2] =	stream.strided.gather [hbm4b:s30+s15], $0x3200, s16, s15, $0x38;
	[tilespmem:$0x1F140] =	vst v63  }
0x52: {  	_ =	swait.ge [sflag:s20], $0x3200  }
0x53: {  	[sflag:s20] =	ssyncset.done $0x0  }
0x54: {  	[sflag:s20] =	ssyncadd.s32 $0xFFFFCE00  }
0x55: {  	[spmem:s2] =	stream.indirect.scatter.add.f32 [tilespmem:s17], [sflag:$0x4], $0x10, s3, s18, $0xb8;
	[tilespmem:$0x1F140] =	vst v63  }
0x56: {  	_ =	swait.ge [sflag:s21], $0x3200  }
0x57: {  	[sflag:s21] =	ssyncset.done $0x0  }
0x58: {  	[sflag:s21] =	ssyncadd.s32 $0xFFFFCE00  }
0x59: {  	[tilespmem:s3], [sflag:$0x3] =	stream.linear.gather [hbm4b:s24+s3], $0x320, $0x38;
	[tilespmem:$0x1F140] =	vst v63  }
0x5a: {  	_ =	swait.ge [sflag:s14], $0x320  }
0x5b: {  	[sflag:s14] =	ssyncset.done $0x0  }
0x5c: {  	s31 =	sadd.s32 $0x12C0, s25;
	[sflag:s14] =	ssyncadd.s32 $0xFFFFFCE0  }
0x5d: {  	[tilespmem:s17], [sflag:$0x1] =	stream.strided.gather [hbm4b:s31+s15], $0x3200, s16, s15, $0x38;
	[tilespmem:$0x1F140] =	vst v63  }
0x5e: {  	_ =	swait.ge [sflag:s22], $0x3200  }
0x5f: {  	[sflag:s22] =	ssyncset.done $0x0  }
0x60: {  	[sflag:s22] =	ssyncadd.s32 $0xFFFFCE00  }
0x61: {  	[spmem:s2] =	stream.indirect.scatter.add.f32 [tilespmem:s19], [sflag:$0x4], $0x10, s18, s18, $0xb8;
	[tilespmem:$0x1F140] =	vst v63  }
0x62: {  	_ =	swait.ge [sflag:s21], $0x3200  }
0x63: {  	[sflag:s21] =	ssyncset.done $0x0  }
0x64: {  	[sflag:s21] =	ssyncadd.s32 $0xFFFFCE00  }
0x65: {  	_ =	swait.ge [sflag:s20], $0x3200  }
0x66: {  	[sflag:s20] =	ssyncset.done $0x0  }
0x67: {  	[sflag:s20] =	ssyncadd.s32 $0xFFFFCE00  }
0x68: {  	[spmem:s2] =	stream.indirect.scatter.add.f32 [tilespmem:s17], [sflag:$0x4], $0x10, s3, s18, $0xb8;
	[tilespmem:$0x1F140] =	vst v63  }
0x69: {  	_ =	swait.ge [sflag:s21], $0x3200  }
0x6a: {  	s23 =	sadd.s32 $0x1, s23;
	[sflag:s21] =	ssyncset.done $0x0  }
0x6b: {  	p0 =	sne.s32 s23, s9;
	[sflag:s21] =	ssyncadd.s32 $0xFFFFCE00  }
.Ltmp1:
0x6c: {  	[bflag:$0x0] =	sbarrier.arrive $0xFFFF;
	(pc) =	sbr.rel @p0 .LBB2_1-.Ltmp1, $4  }
0x6d: {  	[hbm:s8], [sflag:s5] =	dma.local [spmem:s12], $0x30E0  }
0x6e: {  	_ =	swait.ge [sflag:s13], $0x30E0  }
0x6f: {  	[sflag:s13] =	ssyncset.done $0x0  }
0x70: {  	[sflag:s13] =	ssyncadd.s32 $0xFFFFCF20  }
0x71: {  	_ =	sfence.sel $0x180000  }
0x72: {  	[bflag:$0x0] =	sbarrier.arrive $0xFFFF  }
0x73: {  	p0 =	sne.s32 s1, $0x0;
	_ =	strace $0x9000004A  }
0x74: {  	s0 =	sadd.s32 @!p0 $0x100000, s0;
	[bflag:$0x2] =	sbarrier.arrive $0xFFFF  }
0x75: {  	[sflag:s0] =	ssyncadd.tile.s32 @!p0 $0x1;
	_ =	shalt  }
.Lfunc_end2:
_tile_overlayer_lowered:
.L_overlay_start_2:
0x76: {  	(tag) =	ssettag $0x2  }
0x77: {  	s0 =	rddreg [dreg:$0x0];
	s2 =	stileid.u32  }
0x78: {  	s1 =	rddreg [dreg:$0x1];
	p0 =	sne.s32 s2, $0x0  }
0x79: {  	s3 =	rddreg [dreg:$0x2];
	[bflag:$0x3] =	sbarrier.arrive $0xFFFF;
	s2 =	simm.s32 @!p0 $0x1C06  }
0x7a: {  	[timem:s3], [sflag:s2] =	dma.local @!p0 [hbm:s0], s1  }
0x7b: {  	s0 =	simm.s32 @!p0 $0x6  }
0x7c: {  	_ =	swait.ge @!p0 [sflag:s0], s1  }
0x7d: {  	s1 =	ssub.s32 @!p0 $0x0, s1;
	[sflag:s0] =	ssyncset.done @!p0 $0x0  }
0x7e: {  	[sflag:s0] =	ssyncadd.s32 @!p0 s1  }
0x7f: {  	[bflag:$0x3] =	sbarrier.arrive $0xFFFF  }
0x80: {  	_ =	shalt  }

// kernel: sparse-core-data-format-call.cloned.1.call-start
scs
called_computation_lowered:
.L_overlay_start_0:
0x0: {  	s1 =	sld [smem:$0x3FD9]  }
0x1: {  	s2 =	sld [smem:$0x3FFE];
	_ =	sdelay $0x1  }
0x2: {  	s3 =	srdreg.scid  }
0x3: {  	s0 =	sand.u32 $0x1, s3  }
0x4: {  	s17 =	sshll.u32 s0, $0xA;
	s1 =	sadd.s32 s2, s1  }
0x5: {  	s1 =	sadd.s32 s1, s17  }
0x6: {  	[smem:$0x3FBA] =	sst s1  }
0x7: {  	_ = 	snop  }
0x8: {  	(tm) =	ssettm $0x1  }
0x9: {  	s18 =	sld [smem:$0x3FFB];
	_ =	sdelay $0x3  }
0xa: {  	_ =	strace s18  }
0xb: {  	s1 =	sld [smem:$0x3FFC];
	_ =	sdelay $0x3  }
0xc: {  	_ =	strace s1  }
0xd: {  	s1 =	sld [smem:$0x3FFD];
	_ =	sdelay $0x3  }
0xe: {  	_ =	strace s1  }
0xf: {  	_ =	strace $0x8FFFFFFF  }
0x10: {  	s19 =	sld [smem:$0x3FDB];
	_ =	sdelay $0x1  }
0x11: {  	s20 =	simm.s32 $_scs_section_size  }
0x12: {  	s4 =	simm.s32 $_size__tile_overlayer_lowered;
	s5 =	simm.s32 $_tile_overlayer_lowered  }
0x13: {  	s23 =	simm.s32 $0x1BFF;
	s22 =	sshll.u32 s5, $0x1;
	s1 =	sadd.s32 s20, s19  }
0x14: {  	s6 =	simm.s32 $0x0;
	s21 =	sshll.u32 s4, $0x1;
	s4 =	sadd.s32 s22, s1  }
0x15: {  	[timem:s6], [sflag:s23] =	dma.local [hbm:s4], s21  }
0x16: {  	_ =	swait.ge [sflag:s23], s21  }
0x17: {  	s2 =	ssub.s32 $0x0, s21;
	[sflag:s23] =	ssyncset.done $0x0  }
0x18: {  	[sflag:s23] =	ssyncadd.s32 s2;
	_ =	sdelay $0x1  }
0x19: {  	s24 =	simm.s32 $0x1B8B  }
0x1a: {  	_ =	swait.ge [sflag:s24], $0x1  }
0x1b: {  	[sflag:s24] =	ssyncset.done $0x0  }
0x1c: {  	s26 =	simm.s32 $0x1B8E;
	s25 =	sld [smem:$0x3FFE];
	[sflag:s24] =	ssyncadd.s32 $0xFFFFFFFF  }
0x1d: {  	s27 =	simm.s32 $execute0_lowered;
	[smem:$0x3FD2] =	sst s26  }
0x1e: {  	s4 =	sshll.u32 s27, $0x1;
	_ =	strace $0x80000046;
	[dreg:$0x1] =	wrdreg $0xFFFFFFFF  }
0x1f: {  	s28 =	simm.s32 $_size_execute0_lowered;
	s1 =	sadd.s32 s1, s4;
	[dreg:$0x0] =	wrdreg $0x0  }
0x20: {  	s4 =	sshll.u32 s28, $0x1;
	[dreg:$0x2] =	wrdreg s1  }
0x21: {  	[dreg:$0x3] =	wrdreg s4  }
0x22: {  	[dreg:$0x4] =	wrdreg $0xC0  }
0x23: {  	_ =	task [dreg:s6], $0x5FFFF  }
0x24: {  	[dreg:$0x1] =	wrdreg $0xFFFFFFFF  }
0x25: {  	[dreg:$0x0] =	wrdreg $0x60  }
0x26: {  	[dreg:$0x2] =	wrdreg s25  }
0x27: {  	[dreg:$0x3] =	wrdreg $0x9  }
0x28: {  	_ =	task.clear_ibuf [dreg:s6], $0x4FFFF;
	_ =	strace $0x90000046  }
0x29: {  	s29 =	simm.s32 $0x9;
	_ =	strace $0x80000048  }
0x2a: {  	_ =	swait.ge [sflag:s29], $0x1  }
0x2b: {  	[sflag:s29] =	ssyncadd.s32 $0xFFFFFFFF  }
0x2c: {  	_ =	strace $0x90000048  }
0x2d: {  	_ =	sfence  }
0x2e: {  	s30 =	sld [smem:$0x0];
	_ =	sdelay $0x2  }
0x2f: {  	s31 =	sshll.u32 s3, $0xD;
	s3 =	sshrl.u32 s3, $0x2  }
0x30: {  	s2 =	sand.u32 $0x4000, s31;
	s1 =	sadd.s32 s3, s30  }
0x31: {  	s0 =	sor.u32 s2, s0;
	s1 =	sshll.u32 s1, $0x11  }
0x32: {  	s0 =	sor.u32 s1, s0  }
0x33: {  	s0 =	sadd.s32 $0x8F2B, s0  }
0x34: {  	[sflag:s0] =	ssyncadd.remote.s32 $0x1  }
0x35: {  	_ =	sfence.sel $0xFFFF  }
0x36: {  	[dreg:$0x0] =	wrdreg $0xFFFFFFFF;
	(pc) =	sbr.abs _section_cstart, $3  }
0x37: {  	[dreg:$0x1] =	wrdreg $0xFFFFFFFF  }
0x38: {  	_ =	task.clear_ibuf [dreg:s6], $0x2FFFF;
	_ =	strace $0x9FFFFFFF  }
0x39: {  	(tm) =	ssettm $0x7FFFFFFF  }
tec
execute0_lowered:
.L_overlay_start_1:
0x0: {  	(tag) =	ssettag $0x1  }
0x1: {  	s0 =	srdreg.scid  }
0x2: {  	s6 =	rddreg [dreg:$0x0];
	s7 =	simm.s32 $0x1;
	s1 =	sshll.u32 s0, $0x4  }
0x3: {  	s8 =	simm.s32 $0x2;
	s0 =	stileid.u32;
	s1 =	sand.u32 $0x10, s1  }
0x4: {  	s13 =	simm.s32 $0x0;
	s12 =	simm.s32 $0x0;
	s1 =	sor.u32 s0, s1  }
0x5: {  	s10 =	simm.s32 $0x0;
	s3 =	sadd.s32 $0x5C00, s6;
	s2 =	sshll.u32 s1, $0x9  }
0x6: {  	s11 =	simm.s32 $0x0;
	s6 =	sadd.s32 $0x499A00, s6;
	s5 =	ssub.s32 $0x186A00, s2  }
.Ltmp0:
0x7: {  	s1 =	rddreg [dreg:$0x1];
	s4 =	sand.u32 $0x3E00, s5;
	(pc) =	sbr.rel .LBB1_1-.Ltmp0, $4  }
0x8: {  	_ =	strace $0x80000047;
	s9 =	smov.u32 s2;
	p0 =	sne.s32 s4, $0x0  }
0x9: {  	s5 =	sshrl.u32 s5, $0xE;
	s4 =	simm.s32 $0x1;
	s7 =	simm.s32 @!p0 $0x0  }
0xa: {  	[sflag:s4] =	ssyncpa.u1 $0x0;
	p0 =	por $0x0, $0x0;
	s5 =	sadd.s32 s7, s5  }
0xb: {  	[sflag:s8] =	ssyncpa.u1 $0x0;
	s8 =	simm.s32 $0x80;
	s7 =	sadd.s32 $0x1, s5  }
.LBB1_4:
0xc: {  	_ = 	snop  }
0xd: {  	[tilespmem:s18+$0x2D60 ss:$0x21] =	vst.msk $0xffff, v7  }
0xe: {  	[tilespmem:s18+$0x2F70 ss:$0x21] =	vst.msk $0xffff, v6  }
0xf: {  	[tilespmem:s18+$0x3390 ss:$0x21] =	vst.msk $0xffff, v3  }
0x10: {  	s21 =	sor.u32 s24, s23;
	v31 =	vld.idx.msk [tilespmem:v0+s16+$0xC70 ss:$0x1], $0xffff;
	[tilespmem:s18+$0x35A0 ss:$0x21] =	vst.msk $0xffff, v1  }
0x11: {  	[tilespmem:s18+$0x37B0 ss:$0x21] =	vst.msk $0xffff, v2;
	v43 =	vld.idx.msk [tilespmem:v0+s21+$0x410 ss:$0x1], $0xffff  }
0x12: {  	[tilespmem:s18+$0x39C0 ss:$0x21] =	vst.msk $0xffff, v4;
	v44 =	vld.idx.msk [tilespmem:v0+s21+$0x420 ss:$0x1], $0xffff  }
0x13: {  	[tilespmem:s18+$0x3BD0 ss:$0x21] =	vst.msk $0xffff, v5;
	s22 =	sand.u32 $0x3200, s21;
	v45 =	vld.idx.msk [tilespmem:v0+s21+$0x430 ss:$0x1], $0xffff  }
0x14: {  	s20 =	sand.u32 $0x180, s20;
	s25 =	sshra.s32 s19, $0x2;
	[tilespmem:s18+$0x3DE0 ss:$0x21] =	vst.msk $0xffff, v8;
	v46 =	vld.idx.msk [tilespmem:v0+s21+$0x440 ss:$0x1], $0xffff;
	s15 =	sadd.s32 s22, s15  }
0x15: {  	v47 =	vld.idx.msk [tilespmem:v0+s21+$0x450 ss:$0x1], $0xffff;
	s24 =	sadd.s32 s20, s15;
	s15 =	sadd.s32 s25, s17;
	[tilespmem:s18+$0x3FF0 ss:$0x21] =	vst.msk $0xffff, v31  }
0x16: {  	v48 =	vld.idx.msk [tilespmem:v0+s21+$0x460 ss:$0x1], $0xffff;
	[tilespmem:s15+$0x1290 ss:$0x21] =	vst.msk $0xffff, v43  }
0x17: {  	v49 =	vld.idx.msk [tilespmem:v0+s21+$0x470 ss:$0x1], $0xffff;
	[tilespmem:s15+$0x14A0 ss:$0x21] =	vst.msk $0xffff, v44  }
0x18: {  	v50 =	vld.idx.msk [tilespmem:v0+s21+$0x810 ss:$0x1], $0xffff;
	[tilespmem:s15+$0x16B0 ss:$0x21] =	vst.msk $0xffff, v45  }
0x19: {  	v51 =	vld.idx.msk [tilespmem:v0+s21+$0x820 ss:$0x1], $0xffff;
	[tilespmem:s15+$0x18C0 ss:$0x21] =	vst.msk $0xffff, v46  }
0x1a: {  	v52 =	vld.idx.msk [tilespmem:v0+s21+$0x830 ss:$0x1], $0xffff;
	[tilespmem:s15+$0x1AD0 ss:$0x21] =	vst.msk $0xffff, v47  }
0x1b: {  	v53 =	vld.idx.msk [tilespmem:v0+s21+$0x840 ss:$0x1], $0xffff;
	[tilespmem:s15+$0x1CE0 ss:$0x21] =	vst.msk $0xffff, v48  }
0x1c: {  	v54 =	vld.idx.msk [tilespmem:v0+s21+$0x850 ss:$0x1], $0xffff;
	[tilespmem:s15+$0x1EF0 ss:$0x21] =	vst.msk $0xffff, v49  }
0x1d: {  	v55 =	vld.idx.msk [tilespmem:v0+s21+$0x860 ss:$0x1], $0xffff;
	[tilespmem:s15+$0x2310 ss:$0x21] =	vst.msk $0xffff, v50  }
0x1e: {  	v56 =	vld.idx.msk [tilespmem:v0+s21+$0x870 ss:$0x1], $0xffff;
	[tilespmem:s15+$0x2520 ss:$0x21] =	vst.msk $0xffff, v51  }
0x1f: {  	v57 =	vld.idx.msk [tilespmem:v0+s21+$0xC10 ss:$0x1], $0xffff;
	[tilespmem:s15+$0x2730 ss:$0x21] =	vst.msk $0xffff, v52  }
0x20: {  	v58 =	vld.idx.msk [tilespmem:v0+s21+$0xC20 ss:$0x1], $0xffff;
	[tilespmem:s15+$0x2940 ss:$0x21] =	vst.msk $0xffff, v53  }
0x21: {  	v59 =	vld.idx.msk [tilespmem:v0+s21+$0xC30 ss:$0x1], $0xffff;
	[tilespmem:s15+$0x2B50 ss:$0x21] =	vst.msk $0xffff, v54  }
0x22: {  	v60 =	vld.idx.msk [tilespmem:v0+s21+$0xC40 ss:$0x1], $0xffff;
	[tilespmem:s15+$0x2D60 ss:$0x21] =	vst.msk $0xffff, v55  }
0x23: {  	v61 =	vld.idx.msk [tilespmem:v0+s21+$0xC50 ss:$0x1], $0xffff;
	[tilespmem:s15+$0x2F70 ss:$0x21] =	vst.msk $0xffff, v56  }
0x24: {  	v62 =	vld.idx.msk [tilespmem:v0+s21+$0xC60 ss:$0x1], $0xffff;
	[tilespmem:s15+$0x3390 ss:$0x21] =	vst.msk $0xffff, v57  }
0x25: {  	v63 =	vld.idx.msk [tilespmem:v0+s21+$0xC70 ss:$0x1], $0xffff;
	[tilespmem:s15+$0x35A0 ss:$0x21] =	vst.msk $0xffff, v58  }
0x26: {  	v32 =	vld [tilespmem:s24+$0xC00];
	[tilespmem:s15+$0x37B0 ss:$0x21] =	vst.msk $0xffff, v59  }
0x27: {  	v33 =	vld [tilespmem:s24+$0x0];
	[tilespmem:s15+$0x39C0 ss:$0x21] =	vst.msk $0xffff, v60  }
0x28: {  	v34 =	vld [tilespmem:s24+$0x10];
	[tilespmem:s15+$0x3BD0 ss:$0x21] =	vst.msk $0xffff, v61  }
0x29: {  	s13 =	sshll.u32 s13, $0x7;
	s26 =	sshll.u32 s12, $0x3;
	v35 =	vld [tilespmem:s24+$0x20];
	[tilespmem:s15+$0x3DE0 ss:$0x21] =	vst.msk $0xffff, v62  }
0x2a: {  	s27 =	sand.u32 $0xFFFFFC00, s13;
	s16 =	sand.u32 $0xFFFFFC00, s26;
	v36 =	vld [tilespmem:s24+$0x30];
	[tilespmem:s15+$0x3FF0 ss:$0x21] =	vst.msk $0xffff, v63  }
0x2b: {  	s13 =	sand.u32 $0x380, s13;
	s16 =	sadd.s32 s16, s27;
	v37 =	vld [tilespmem:s24+$0x40];
	[tilespmem:s15+$0x3180 ss:$0x21] =	vst.msk $0xffff, v32  }
0x2c: {  	s13 =	sor.u32 s13, s16;
	v38 =	vld [tilespmem:s24+$0x50];
	[tilespmem:s15+$0x0 ss:$0x21] =	vst.msk $0xffff, v33  }
0x2d: {  	v39 =	vld [tilespmem:s24+$0x60];
	s13 =	sshrl.u32 s13, $0x7;
	[tilespmem:s15+$0x210 ss:$0x21] =	vst.msk $0xffff, v34  }
0x2e: {  	v40 =	vld [tilespmem:s24+$0x70];
	s28 =	smulhi.u32 $0x14F8B59, s13;
	[tilespmem:s15+$0x420 ss:$0x21] =	vst.msk $0xffff, v35  }
0x2f: {  	v41 =	vld [tilespmem:s24+$0x400];
	[tilespmem:s15+$0x630 ss:$0x21] =	vst.msk $0xffff, v36  }
0x30: {  	v42 =	vld [tilespmem:s24+$0x800];
	s16 =	sshrl.u32 s28, $0xD;
	[tilespmem:s15+$0x840 ss:$0x21] =	vst.msk $0xffff, v37  }
0x31: {  	s16 =	smul.u32 $0x186A00, s16;
	[tilespmem:s15+$0xA50 ss:$0x21] =	vst.msk $0xffff, v38  }
0x32: {  	s29 =	sshrl.u32 s12, $0x3;
	[tilespmem:s15+$0xC60 ss:$0x21] =	vst.msk $0xffff, v39  }
0x33: {  	s31 =	sand.u32 $0x7, s12;
	s30 =	sand.u32 $0xF, s29;
	[tilespmem:s15+$0xE70 ss:$0x21] =	vst.msk $0xffff, v40;
	s13 =	ssub.s32 s13, s16  }
0x34: {  	s12 =	sshll.u32 s31, $0x12;
	[tilespmem:s15+$0x1080 ss:$0x21] =	vst.msk $0xffff, v41;
	s16 =	sadd.s32 s6, s30;
	s13 =	sshll.u32 s13, $0x4  }
0x35: {  	s12 =	sor.u32 $0x20, s12;
	[tilespmem:s15+$0x2100 ss:$0x21] =	vst.msk $0xffff, v42;
	s13 =	sadd.s32 s13, s16  }
0x36: {  	[hbm4b:s13+s12] =	stream.strided.scatter [tilespmem:s14], [sflag:$0x2], $0x4000, s8, s12, $0x10;
	[tilespmem:$0x10400] =	vst v63  }
.LBB1_5:
0x37: {  	s14 =	sadd.s32 $0x4000, s9  }
0x38: {  	s12 =	sadd.s32 $0x20, s10;
	s16 =	smov.u32 s10;
	p2 =	sgt.s32 s14, $0x1869FF  }
0x39: {  	s16 =	smov.u32 @p2 s12  }
0x3a: {  	s14 =	smov.u32 @p2 s2;
	p2 =	sgt.s32 s16, $0x17  }
0x3b: {  	s16 =	simm.s32 @p2 $0x0;
	p2 =	sne.s32 s11, s7  }
.Ltmp1:
0x3c: {  	p1 =	slt.u32 s11, $0x2;
	(pc) =	sbr.rel @!p2 .LBB1_6-.Ltmp1, $4  }
0x3d: {  	s15 =	simm.s32 @!p1 $0x2  }
0x3e: {  	s13 =	smov.u32 s9;
	p0 =	por !p0, !p0;
	_ =	swait.ge @!p1 [sflag:s15], $0x4000  }
0x3f: {  	s12 =	smov.u32 s10;
	[sflag:s15] =	ssyncset.done @!p1 $0x0;
	s9 =	smov.u32 s14  }
0x40: {  	s11 =	sadd.s32 $0x1, s11;
	[sflag:s15] =	ssyncadd.s32 @!p1 $0xFFFFC000;
	s10 =	smov.u32 s16  }
.LBB1_1:
0x41: {  	p1 =	sge.u32 s11, s5  }
0x42: {  	s14 =	sshrl.u32 @!p1 s10, $0x3  }
0x43: {  	s20 =	smov.u32 s9;
	s15 =	sshll.u32 @!p1 s9, $0x3;
	s14 =	smul.u32 @!p1 $0xC35000, s14  }
0x44: {  	s31 =	sadd.s32 $0xFFFFFFFF, s11;
	s16 =	sshll.u32 @!p1 s10, $0x7;
	s15 =	sand.u32 @!p1 $0xFFFFFC00, s15  }
0x45: {  	s17 =	sand.u32 @!p1 $0x7F, s9;
	s14 =	sadd.s32 @!p1 s14, s15;
	s15 =	sand.u32 @!p1 $0x380, s16  }
0x46: {  	p2 =	sgt.s32 @!p1 s10, $0xFFFFFFF8;
	s19 =	sshra.s32 @!p1 s10, $0x1F;
	s14 =	sor.u32 @!p1 s15, s14  }
0x47: {  	s21 =	sshra.s32 @!p1 s9, $0x1F;
	p2 =	por !p2, p1;
	s15 =	sshrl.u32 @!p1 s14, $0x9  }
0x48: {  	s14 =	sor.u32 @!p1 s17, s14;
	s17 =	smov.u32 s10;
	s15 =	smulhi.u32 @!p1 $0xA7C5AD, s15  }
0x49: {  	s19 =	sand.u32 @!p1 s19, s10;
	s17 =	simm.s32 @p2 $0xFFFFFFF8;
	p2 =	sgt.s32 @!p1 s9, $0x186800  }
0x4a: {  	s21 =	sand.u32 @!p1 s21, s9;
	p2 =	por !p2, p1;
	s15 =	sshrl.u32 @!p1 s15, $0x3  }
0x4b: {  	s16 =	sxor.u32 @!p1 $0xFFFFFFFF, s11;
	s20 =	simm.s32 @p2 $0x186800;
	s18 =	smul.u32 @!p1 $0xAAB, s15  }
0x4c: {  	s16 =	sshll.u32 @!p1 s16, $0xE;
	s17 =	ssub.s32 @!p1 s17, s19;
	s19 =	ssub.s32 @!p1 s20, s21  }
0x4d: {  	s20 =	sadd.s32 @!p1 $0x8, s17;
	s17 =	ssub.s32 @!p1 $0x18, s17;
	s18 =	sshrl.u32 @!p1 s18, $0x10  }
0x4e: {  	s21 =	sadd.s32 @!p1 $0xFFE79800, s19;
	p2 =	sgt.s32 @!p1 s20, $0x1F;
	s18 =	smul.u32 @!p1 $0x18, s18  }
0x4f: {  	s19 =	ssub.s32 @!p1 $0x186A00, s19;
	p3 =	sgt.s32 @!p1 s21, $0x1FF;
	p2 =	por !p2, p1  }
0x50: {  	p3 =	por !p3, p1;
	s18 =	ssub.s32 @!p1 s15, s18;
	s15 =	smul.u32 @!p1 $0x186A00, s15  }
0x51: {  	s16 =	sand.u32 @!p1 $0x4000, s16;
	s17 =	simm.s32 @!p2 $0x0;
	s19 =	simm.s32 @!p3 $0x0  }
0x52: {  	s17 =	smul.u32 @!p1 s17, s19;
	s14 =	ssub.s32 @!p1 s14, s15;
	s15 =	sand.u32 @!p1 $0xFFFF, s18  }
0x53: {  	s15 =	smul.u32 @!p1 $0x30D40, s15;
	s18 =	sshrl.u32 @!p1 s14, $0x3;
	s14 =	sand.u32 @!p1 $0x7, s14  }
0x54: {  	s17 =	sand.u32 @!p1 $0x3FFFFFFF, s17;
	s18 =	sadd.s32 @!p1 s3, s18;
	s14 =	sshll.u32 @!p1 s14, $0x12  }
0x55: {  	s15 =	sadd.s32 @!p1 s15, s18;
	s14 =	sor.u32 @!p1 $0x1000, s14;
	s18 =	simm.s32 @!p1 $0xC35000  }
0x56: {  	[tilespmem:s16], [sflag:$0x1] =	stream.strided.gather @!p1 [hbm4b:s15+s14], s17, s18, s14, $0x38;
	[tilespmem:$0x10400] =	vst v63  }
0x57: {  	p1 =	sge.u32 s31, s5  }
.Ltmp2:
0x58: {  	_ = 	snop;
	(pc) =	sbr.rel @p1 .LBB1_5-.Ltmp2, $1  }
0x59: {  	_ =	sdelay $0x3  }
0x5a: {  	p1 =	sgt.s32 s12, $0xFFFFFFF8  }
0x5b: {  	s14 =	smov.u32 s12;
	s15 =	sshra.s32 s12, $0x1F;
	s16 =	smov.u32 s13  }
0x5c: {  	s17 =	sshra.s32 s13, $0x1F;
	s14 =	simm.s32 @!p1 $0xFFFFFFF8;
	p1 =	sgt.s32 s13, $0x186800  }
0x5d: {  	s15 =	sand.u32 s15, s12;
	s24 =	sand.u32 s17, s13;
	s16 =	simm.s32 @!p1 $0x186800  }
0x5e: {  	s14 =	ssub.s32 s14, s15;
	s15 =	ssub.s32 s16, s24  }
0x5f: {  	s25 =	sadd.s32 $0x8, s14;
	s17 =	ssub.s32 $0x18, s14;
	s16 =	sadd.s32 $0xFFE79800, s15  }
0x60: {  	p1 =	sgt.s32 s25, $0x1F;
	s15 =	ssub.s32 $0x186A00, s15;
	p2 =	sgt.s32 s16, $0x1FF  }
0x61: {  	s26 =	sand.u32 $0x1, s11;
	s17 =	simm.s32 @p1 $0x0;
	s15 =	simm.s32 @p2 $0x0  }
0x62: {  	s27 =	smul.u32 s17, s15;
	s15 =	sshll.u32 s26, $0xE  }
0x63: {  	v0 =	vmov s15  }
0x64: {  	s18 =	simm.s32 $0x0;
	s16 =	sand.u32 $0x3FFFFFFF, s27  }
0x65: {  	s29 =	sand.u32 $0x3000, s18;
	_ =	swait.ge [sflag:s4], s16  }
0x66: {  	s19 =	sand.u32 $0x380, s18;
	s28 =	ssub.s32 $0x0, s16;
	[sflag:s4] =	ssyncset.done $0x0  }
0x67: {  	s16 =	sor.u32 s19, s29;
	[sflag:s4] =	ssyncadd.s32 s28  }
0x68: {  	v1 =	vld.idx.msk [tilespmem:v0+s16+$0x410 ss:$0x1], $0xffff  }
0x69: {  	s19 =	simm.s32 $0x1;
	v2 =	vld.idx.msk [tilespmem:v0+s16+$0x420 ss:$0x1], $0xffff  }
0x6a: {  	s19 =	simm.s32 @!p0 $0x0;
	v3 =	vld.idx.msk [tilespmem:v0+s16+$0x430 ss:$0x1], $0xffff  }
0x6b: {  	s30 =	sand.u32 $0x3200, s16;
	s31 =	smul.u32 $0x10800, s19;
	v10 =	vld.idx.msk [tilespmem:v0+s16+$0x820 ss:$0x1], $0xffff  }
0x6c: {  	s18 =	sand.u32 $0x180, s18;
	s17 =	sadd.s32 s30, s15;
	v11 =	vld.idx.msk [tilespmem:v0+s16+$0x830 ss:$0x1], $0xffff  }
0x6d: {  	s20 =	sadd.s32 s18, s17;
	v12 =	vld.idx.msk [tilespmem:v0+s16+$0x840 ss:$0x1], $0xffff;
	s17 =	sshrl.u32 s31, $0x2  }
0x6e: {  	v13 =	vld.idx.msk [tilespmem:v0+s16+$0x850 ss:$0x1], $0xffff;
	s17 =	sor.u32 $0x8000, s17  }
0x6f: {  	v4 =	vld [tilespmem:s20+$0xC00];
	s18 =	sadd.s32 $0x0, s17  }
0x70: {  	v5 =	vld [tilespmem:s20+$0x0];
	[tilespmem:s18+$0x1290 ss:$0x21] =	vst.msk $0xffff, v1  }
0x71: {  	v6 =	vld [tilespmem:s20+$0x10];
	[tilespmem:s18+$0x14A0 ss:$0x21] =	vst.msk $0xffff, v2  }
0x72: {  	v7 =	vld [tilespmem:s20+$0x20];
	[tilespmem:s18+$0x16B0 ss:$0x21] =	vst.msk $0xffff, v3  }
0x73: {  	v8 =	vld [tilespmem:s20+$0x30];
	[tilespmem:s18+$0x2520 ss:$0x21] =	vst.msk $0xffff, v10  }
0x74: {  	v9 =	vld [tilespmem:s20+$0x40];
	[tilespmem:s18+$0x2730 ss:$0x21] =	vst.msk $0xffff, v11  }
0x75: {  	v3 =	vld.idx.msk [tilespmem:v0+s16+$0xC10 ss:$0x1], $0xffff;
	[tilespmem:s18+$0x2940 ss:$0x21] =	vst.msk $0xffff, v12  }
0x76: {  	v1 =	vld.idx.msk [tilespmem:v0+s16+$0xC20 ss:$0x1], $0xffff;
	[tilespmem:s18+$0x2B50 ss:$0x21] =	vst.msk $0xffff, v13  }
0x77: {  	v2 =	vld.idx.msk [tilespmem:v0+s16+$0xC30 ss:$0x1], $0xffff;
	[tilespmem:s18+$0x3180 ss:$0x21] =	vst.msk $0xffff, v4  }
0x78: {  	[tilespmem:s18+$0x0 ss:$0x21] =	vst.msk $0xffff, v5;
	v4 =	vld [tilespmem:s20+$0x50]  }
0x79: {  	[tilespmem:s18+$0x210 ss:$0x21] =	vst.msk $0xffff, v6;
	v6 =	vld [tilespmem:s20+$0x70]  }
0x7a: {  	v5 =	vld [tilespmem:s20+$0x60];
	[tilespmem:s18+$0x420 ss:$0x21] =	vst.msk $0xffff, v7  }
0x7b: {  	[tilespmem:s18+$0x630 ss:$0x21] =	vst.msk $0xffff, v8;
	v7 =	vld [tilespmem:s20+$0x400]  }
0x7c: {  	[tilespmem:s18+$0x840 ss:$0x21] =	vst.msk $0xffff, v9;
	v8 =	vld [tilespmem:s20+$0x800]  }
0x7d: {  	v9 =	vld.idx.msk [tilespmem:v0+s16+$0x470 ss:$0x1], $0xffff;
	[tilespmem:s18+$0xA50 ss:$0x21] =	vst.msk $0xffff, v4  }
0x7e: {  	[tilespmem:s18+$0xE70 ss:$0x21] =	vst.msk $0xffff, v6;
	v6 =	vld.idx.msk [tilespmem:v0+s16+$0x460 ss:$0x1], $0xffff  }
0x7f: {  	v4 =	vld.idx.msk [tilespmem:v0+s16+$0x440 ss:$0x1], $0xffff;
	[tilespmem:s18+$0xC60 ss:$0x21] =	vst.msk $0xffff, v5  }
0x80: {  	v5 =	vld.idx.msk [tilespmem:v0+s16+$0x450 ss:$0x1], $0xffff;
	[tilespmem:s18+$0x1080 ss:$0x21] =	vst.msk $0xffff, v7  }
0x81: {  	[tilespmem:s18+$0x2100 ss:$0x21] =	vst.msk $0xffff, v8;
	v8 =	vld.idx.msk [tilespmem:v0+s16+$0x810 ss:$0x1], $0xffff  }
0x82: {  	v7 =	vld.idx.msk [tilespmem:v0+s16+$0x860 ss:$0x1], $0xffff;
	[tilespmem:s18+$0x1EF0 ss:$0x21] =	vst.msk $0xffff, v9  }
0x83: {  	s14 =	smul.u32 $0x10800, s26;
	[tilespmem:s18+$0x1CE0 ss:$0x21] =	vst.msk $0xffff, v6;
	v6 =	vld.idx.msk [tilespmem:v0+s16+$0x870 ss:$0x1], $0xffff  }
0x84: {  	s21 =	simm.s32 $0x200;
	s22 =	simm.s32 $0x8;
	[tilespmem:s18+$0x18C0 ss:$0x21] =	vst.msk $0xffff, v4;
	v4 =	vld.idx.msk [tilespmem:v0+s16+$0xC40 ss:$0x1], $0xffff  }
0x85: {  	s23 =	sand.u32 $0x3000, s21;
	s14 =	sshrl.u32 s14, $0x2;
	s20 =	simm.s32 $0x80;
	[tilespmem:s18+$0x1AD0 ss:$0x21] =	vst.msk $0xffff, v5;
	v5 =	vld.idx.msk [tilespmem:v0+s16+$0xC50 ss:$0x1], $0xffff  }
0x86: {  	s14 =	sor.u32 $0x8000, s14;
	s19 =	simm.s32 $0x4;
	s24 =	sand.u32 $0x380, s20;
	[tilespmem:s18+$0x2310 ss:$0x21] =	vst.msk $0xffff, v8;
	v8 =	vld.idx.msk [tilespmem:v0+s16+$0xC60 ss:$0x1], $0xffff  }
.LBB1_3:
0x87: {  	p1 =	sne.s32 s22, $0x7C;
	[tilespmem:s18+$0x2D60 ss:$0x21] =	vst.msk $0xffff, v7;
	v7 =	vld.idx.msk [tilespmem:v0+s16+$0xC70 ss:$0x1], $0xffff;
	s16 =	sor.u32 s24, s23  }
0x88: {  	s23 =	sand.u32 $0x3200, s16;
	v9 =	vld.idx.msk [tilespmem:v0+s16+$0x410 ss:$0x1], $0xffff;
	[tilespmem:s18+$0x2F70 ss:$0x21] =	vst.msk $0xffff, v6  }
0x89: {  	s24 =	sand.u32 $0x180, s20;
	s23 =	sadd.s32 s23, s15;
	v6 =	vld.idx.msk [tilespmem:v0+s16+$0x420 ss:$0x1], $0xffff;
	[tilespmem:s18+$0x3390 ss:$0x21] =	vst.msk $0xffff, v3  }
0x8a: {  	s23 =	sadd.s32 s24, s23;
	v3 =	vld.idx.msk [tilespmem:v0+s16+$0x430 ss:$0x1], $0xffff;
	[tilespmem:s18+$0x35A0 ss:$0x21] =	vst.msk $0xffff, v1  }
0x8b: {  	v1 =	vld [tilespmem:s23+$0xC00];
	[tilespmem:s18+$0x37B0 ss:$0x21] =	vst.msk $0xffff, v2  }
0x8c: {  	v2 =	vld [tilespmem:s23+$0x0];
	[tilespmem:s18+$0x39C0 ss:$0x21] =	vst.msk $0xffff, v4  }
0x8d: {  	v4 =	vld [tilespmem:s23+$0x10];
	[tilespmem:s18+$0x3BD0 ss:$0x21] =	vst.msk $0xffff, v5  }
0x8e: {  	s24 =	sshra.s32 s19, $0x2;
	s19 =	smov.u32 s22;
	v5 =	vld [tilespmem:s23+$0x20];
	[tilespmem:s18+$0x3DE0 ss:$0x21] =	vst.msk $0xffff, v8  }
0x8f: {  	v8 =	vld [tilespmem:s23+$0x30];
	[tilespmem:s18+$0x3FF0 ss:$0x21] =	vst.msk $0xffff, v7;
	s18 =	sadd.s32 s24, s17  }
0x90: {  	v7 =	vld [tilespmem:s23+$0x40];
	[tilespmem:s18+$0x3180 ss:$0x21] =	vst.msk $0xffff, v1  }
0x91: {  	[tilespmem:s18+$0x0 ss:$0x21] =	vst.msk $0xffff, v2;
	v1 =	vld [tilespmem:s23+$0x50]  }
0x92: {  	[tilespmem:s18+$0x210 ss:$0x21] =	vst.msk $0xffff, v4;
	v2 =	vld [tilespmem:s23+$0x60]  }
0x93: {  	[tilespmem:s18+$0x420 ss:$0x21] =	vst.msk $0xffff, v5;
	v4 =	vld [tilespmem:s23+$0x70]  }
0x94: {  	[tilespmem:s18+$0x630 ss:$0x21] =	vst.msk $0xffff, v8;
	v5 =	vld [tilespmem:s23+$0x400]  }
0x95: {  	[tilespmem:s18+$0x840 ss:$0x21] =	vst.msk $0xffff, v7;
	v7 =	vld [tilespmem:s23+$0x800]  }
0x96: {  	[tilespmem:s18+$0xA50 ss:$0x21] =	vst.msk $0xffff, v1;
	v1 =	vld.idx.msk [tilespmem:v0+s16+$0x440 ss:$0x1], $0xffff  }
0x97: {  	[tilespmem:s18+$0xC60 ss:$0x21] =	vst.msk $0xffff, v2;
	v2 =	vld.idx.msk [tilespmem:v0+s16+$0x450 ss:$0x1], $0xffff  }
0x98: {  	[tilespmem:s18+$0xE70 ss:$0x21] =	vst.msk $0xffff, v4;
	v4 =	vld.idx.msk [tilespmem:v0+s16+$0x460 ss:$0x1], $0xffff  }
0x99: {  	[tilespmem:s18+$0x1080 ss:$0x21] =	vst.msk $0xffff, v5;
	v5 =	vld.idx.msk [tilespmem:v0+s16+$0x470 ss:$0x1], $0xffff  }
0x9a: {  	[tilespmem:s18+$0x2100 ss:$0x21] =	vst.msk $0xffff, v7;
	v8 =	vld.idx.msk [tilespmem:v0+s16+$0x810 ss:$0x1], $0xffff  }
0x9b: {  	[tilespmem:s18+$0x1290 ss:$0x21] =	vst.msk $0xffff, v9;
	v9 =	vld.idx.msk [tilespmem:v0+s16+$0x820 ss:$0x1], $0xffff  }
0x9c: {  	[tilespmem:s18+$0x14A0 ss:$0x21] =	vst.msk $0xffff, v6;
	v10 =	vld.idx.msk [tilespmem:v0+s16+$0x830 ss:$0x1], $0xffff  }
0x9d: {  	[tilespmem:s18+$0x16B0 ss:$0x21] =	vst.msk $0xffff, v3;
	v11 =	vld.idx.msk [tilespmem:v0+s16+$0x840 ss:$0x1], $0xffff  }
0x9e: {  	[tilespmem:s18+$0x18C0 ss:$0x21] =	vst.msk $0xffff, v1;
	v12 =	vld.idx.msk [tilespmem:v0+s16+$0x850 ss:$0x1], $0xffff  }
0x9f: {  	[tilespmem:s18+$0x1AD0 ss:$0x21] =	vst.msk $0xffff, v2;
	v7 =	vld.idx.msk [tilespmem:v0+s16+$0x860 ss:$0x1], $0xffff  }
0xa0: {  	[tilespmem:s18+$0x1CE0 ss:$0x21] =	vst.msk $0xffff, v4;
	v6 =	vld.idx.msk [tilespmem:v0+s16+$0x870 ss:$0x1], $0xffff  }
0xa1: {  	[tilespmem:s18+$0x1EF0 ss:$0x21] =	vst.msk $0xffff, v5;
	v3 =	vld.idx.msk [tilespmem:v0+s16+$0xC10 ss:$0x1], $0xffff  }
.Ltmp3:
0xa2: {  	[tilespmem:s18+$0x2310 ss:$0x21] =	vst.msk $0xffff, v8;
	v1 =	vld.idx.msk [tilespmem:v0+s16+$0xC20 ss:$0x1], $0xffff;
	(pc) =	sbr.rel @p1 .LBB1_3-.Ltmp3, $4  }
0xa3: {  	[tilespmem:s18+$0x2520 ss:$0x21] =	vst.msk $0xffff, v9;
	v2 =	vld.idx.msk [tilespmem:v0+s16+$0xC30 ss:$0x1], $0xffff  }
0xa4: {  	[tilespmem:s18+$0x2730 ss:$0x21] =	vst.msk $0xffff, v10;
	v4 =	vld.idx.msk [tilespmem:v0+s16+$0xC40 ss:$0x1], $0xffff  }
0xa5: {  	s20 =	sadd.s32 $0x80, s20;
	s21 =	sadd.s32 $0x200, s21;
	[tilespmem:s18+$0x2940 ss:$0x21] =	vst.msk $0xffff, v11;
	v5 =	vld.idx.msk [tilespmem:v0+s16+$0xC50 ss:$0x1], $0xffff  }
0xa6: {  	s22 =	sadd.s32 $0x4, s22;
	s24 =	sand.u32 $0x380, s20;
	s23 =	sand.u32 $0x3000, s21;
	[tilespmem:s18+$0x2B50 ss:$0x21] =	vst.msk $0xffff, v12;
	v8 =	vld.idx.msk [tilespmem:v0+s16+$0xC60 ss:$0x1], $0xffff  }
.Ltmp4:
0xa7: {  	_ = 	snop;
	(pc) =	sbr.rel .LBB1_4-.Ltmp4, $1  }
0xa8: {  	_ =	sdelay $0x3  }
.LBB1_6:
0xa9: {  	_ =	sfence.sel $0x180000  }
0xaa: {  	s2 =	simm.s32 $0x1;
	[bflag:$0x0] =	sbarrier.arrive $0xFFFF  }
0xab: {  	s31 =	simm.s32 $0x2;
	[sflag:s2] =	ssyncpa.u1 $0x1  }
0xac: {  	[sflag:s31] =	ssyncpa.u1 $0x1  }
0xad: {  	p0 =	sne.s32 s0, $0x0;
	_ =	strace $0x90000047  }
0xae: {  	s0 =	sadd.s32 @!p0 $0x100000, s1;
	[bflag:$0x2] =	sbarrier.arrive $0xFFFF  }
0xaf: {  	[sflag:s0] =	ssyncadd.tile.s32 @!p0 $0x1;
	_ =	shalt  }
.Lfunc_end1:
_tile_overlayer_lowered:
.L_overlay_start_2:
0xb0: {  	(tag) =	ssettag $0x2  }
0xb1: {  	s0 =	rddreg [dreg:$0x0];
	s2 =	stileid.u32  }
0xb2: {  	s1 =	rddreg [dreg:$0x1];
	p0 =	sne.s32 s2, $0x0  }
0xb3: {  	s3 =	rddreg [dreg:$0x2];
	[bflag:$0x3] =	sbarrier.arrive $0xFFFF;
	s2 =	simm.s32 @!p0 $0x1C01  }
0xb4: {  	[timem:s3], [sflag:s2] =	dma.local @!p0 [hbm:s0], s1  }
0xb5: {  	s0 =	simm.s32 @!p0 $0x1  }
0xb6: {  	_ =	swait.ge @!p0 [sflag:s0], s1  }
0xb7: {  	s1 =	ssub.s32 @!p0 $0x0, s1;
	[sflag:s0] =	ssyncset.done @!p0 $0x0  }
0xb8: {  	[sflag:s0] =	ssyncadd.s32 @!p0 s1  }
0xb9: {  	[bflag:$0x3] =	sbarrier.arrive $0xFFFF  }
0xba: {  	_ =	shalt  }

</sc_bundles>
